<compile_context>
chip_gen: v7x
topology: tpu7x:2x2x1
jax: 0.10.2.dev20260603
libtpu: 0.0.44.dev20260713+nightly
codegen_flags: <defaults>
</compile_context>

<pallas_src>
import jax
import jax.numpy as jnp
from jax import lax
from jax.experimental import pallas as pl
from jax.experimental.pallas import tpu as pltpu
from jax.experimental.pallas import tpu_sc as plsc

B = 1024
V = 6890
F = 13776
J = 32
NC = 2
NS = 16
NW = NC * NS
PPW = 3

CP = pltpu.CompilerParams(use_tc_tiling_on_sc=True, needs_layout_passes=False)


def _body(vT_hbm, fT_hbm, fids_hbm, bT_hbm, out_hbm, fid_v, bT_v, fwin_v,
          vbuf_v, obuf_v, semf, semv, semw):
    wid = lax.axis_index("s") * NC + lax.axis_index("c")
    lane = lax.iota(jnp.int32, 16)

    pltpu.sync_copy(fids_hbm, fid_v)
    pltpu.sync_copy(bT_hbm, bT_v)
    f0 = fid_v[pl.ds(0, 16)]
    f1 = fid_v[pl.ds(16, 16)]
    b_lo = [bT_v[k, pl.ds(0, 16)] for k in range(3)]
    b_hi = [bT_v[k, pl.ds(16, 16)] for k in range(3)]

    ps = [3 * wid + e for e in range(PPW)]

    fcols = []
    fcopies = []
    for e in range(PPW):
        j = ps[e] % 32
        fsel = jnp.where(j < 16, f0, f1)
        fid_j = jnp.sum(jnp.where(lane == j % 16, fsel, 0))
        a = pl.multiple_of((fid_j // 16) * 16, 16)
        fcols.append(fid_j % 16)
        for k in range(3):
            fcopies.append(
                pltpu.async_copy(fT_hbm.at[k, pl.ds(a, 16)],
                                 fwin_v.at[pl.ds((e * 3 + k) * 16, 16)], semf))

    vcopies = []
    wgts = []
    for e in range(PPW):
        p = ps[e]
        c = p // 32
        j = p % 32
        for k in range(3):
            fcopies[3 * e + k].wait()
            win = fwin_v[pl.ds((e * 3 + k) * 16, 16)]
            vid = jnp.sum(jnp.where(lane == fcols[e], win, 0))
            vcopies.append(
                pltpu.async_copy(vT_hbm.at[c, vid],
                                 vbuf_v.at[pl.ds((e * 3 + k) * B, B)], semv))
            bsel = jnp.where(j < 16, b_lo[k], b_hi[k])
            wgts.append(jnp.sum(jnp.where(lane == j % 16, bsel, 0.0)))

    wcopies = []
    for e in range(PPW):
        for k in range(3):
            vcopies[3 * e + k].wait()
        w0, w1, w2 = wgts[3 * e], wgts[3 * e + 1], wgts[3 * e + 2]

        def comp(m, carry, e=e, w0=w0, w1=w1, w2=w2):
            off = pl.multiple_of(m * 128, 128)
            for u in range(8):
                o16 = off + u * 16
                acc = (w0 * vbuf_v[pl.ds((3 * e) * B + o16, 16)]
                       + w1 * vbuf_v[pl.ds((3 * e + 1) * B + o16, 16)]
                       + w2 * vbuf_v[pl.ds((3 * e + 2) * B + o16, 16)])
                obuf_v[pl.ds(e * B + o16, 16)] = acc
            return carry

        lax.fori_loop(0, B // 128, comp, 0)
        wcopies.append(
            pltpu.async_copy(obuf_v.at[pl.ds(e * B, B)],
                             out_hbm.at[ps[e] // 32, ps[e] % 32], semw))

    for cpy in wcopies:
        cpy.wait()


@jax.jit
def _joints_sc(vT, fT, fids, bT):
    mesh = plsc.VectorSubcoreMesh(core_axis_name="c", subcore_axis_name="s")
    fn = pl.kernel(
        _body,
        out_type=jax.ShapeDtypeStruct((3, J, B), jnp.float32),
        mesh=mesh,
        scratch_types=[
            pltpu.VMEM((J,), jnp.int32),
            pltpu.VMEM((3, J), jnp.float32),
            pltpu.VMEM((PPW * 3 * 16,), jnp.int32),
            pltpu.VMEM((3 * PPW * B,), jnp.float32),
            pltpu.VMEM((PPW * B,), jnp.float32),
            pltpu.SemaphoreType.DMA,
            pltpu.SemaphoreType.DMA,
            pltpu.SemaphoreType.DMA,
        ],
        compiler_params=CP,
    )
    return fn(vT, fT, fids, bT)


def kernel(vertices, faces, face_ids, bcs):
    vT = jnp.transpose(vertices, (2, 1, 0))
    fT = jnp.transpose(faces, (1, 0))
    bT = jnp.transpose(bcs, (1, 0))
    out_t = _joints_sc(vT, fT, face_ids.astype(jnp.int32), bT)
    return jnp.transpose(out_t, (2, 1, 0))

# --- scband reference (transcript-rebuilt; emitter-appended) ---
"""Pipeline reference for scband-joints-from-vertices-selector-55843164782864 (READ-ONLY COPY).

The authoritative reference and input builder live on the scoring server;
editing this copy changes nothing except your own understanding.
"""

import jax, jax.numpy as jnp
import numpy as np

B = 1024
V = 6890
F = 13776
J = 32


def setup_inputs(seed: int = 0) -> dict:
    key = jax.random.key(seed)
    k1, k2 = jax.random.split(key, 2)
    vertices = jax.random.normal(k1, (B, V, 3), dtype=jnp.float32)
    faces = jax.random.randint(k2, (F, 3), 0, V, dtype=jnp.int32)
    face_ids = jnp.arange(J, dtype=jnp.int32) * 400 + 7
    bcs = jnp.tile(jnp.array([0.3, 0.3, 0.4], dtype=jnp.float32), (J, 1))
    return {"vertices": vertices, "faces": faces, "face_ids": face_ids, "bcs": bcs}


def reference(vertices, faces, face_ids, bcs):
    # vertex_ids = faces[self.face_ids].reshape(-1)
    vertex_ids = jnp.take(faces, face_ids, axis=0).reshape(-1)  # [J*3]
    b = vertices.shape[0]
    nj = bcs.shape[0]
    # torch.index_select(vertices, 1, vertex_ids) -> [B, J*3, 3]
    triangles = jnp.take(vertices, vertex_ids, axis=1).reshape(b, nj, 3, 3)
    # weighted barycentric sum over the 3 triangle vertices
    return (triangles * bcs[None, :, :, None]).sum(axis=2)  # [B, J, 3]

if __name__ == "__main__":
    import jax
    _d = setup_inputs()
    print(jax.jit(kernel)(*tuple(_d.values())))

</pallas_src>

<mosaic_0001>
#map = affine_map<(d0, d1) -> (0, 0, 0)>
#map1 = affine_map<(d0, d1) -> (0, 0)>
#map2 = affine_map<(d0, d1) -> (0)>
module attributes {stable_mosaic.version = 14 : i64} {
  func.func @_body(%arg0: i32, %arg1: i32, %arg2: memref<3x6890x1024xf32, #tpu.memory_space<hbm>>, %arg3: memref<3x13776xi32, #tpu.memory_space<hbm>>, %arg4: memref<32xi32, #tpu.memory_space<hbm>>, %arg5: memref<3x32xf32, #tpu.memory_space<hbm>>, %arg6: memref<3x32x1024xf32, #tpu.memory_space<hbm>>, %arg7: memref<32xi32, #tpu.memory_space<vmem>>, %arg8: memref<3x32xf32, #tpu.memory_space<vmem>>, %arg9: memref<144xi32, #tpu.memory_space<vmem>>, %arg10: memref<9216xf32, #tpu.memory_space<vmem>>, %arg11: memref<3072xf32, #tpu.memory_space<vmem>>, %arg12: memref<!tpu.dma_semaphore, #tpu.memory_space<semaphore_mem>>, %arg13: memref<!tpu.dma_semaphore, #tpu.memory_space<semaphore_mem>>, %arg14: memref<!tpu.dma_semaphore, #tpu.memory_space<semaphore_mem>>) attributes {dimension_semantics = [#tpu.dimension_semantics<core_parallel>, #tpu.dimension_semantics<subcore_parallel>], iteration_bounds = array<i64: 2, 16>, scalar_prefetch = 0 : i64, scratch_operands = 8 : i64, tpu.core_type = #tpu.core_type<sc_vector_subcore>, window_params = [{transform_indices = #map}, {transform_indices = #map1}, {transform_indices = #map2}, {transform_indices = #map1}, {transform_indices = #map}]} {
    %mul3A = arith.constant 2 : i32
    %mul3A_0 = arith.muli %arg1, %mul3A : i32
    %add3A = arith.addi %mul3A_0, %arg0 : i32
    %iota3A = tpu.iota {dimensions = array<i32: 0>} : vector<16xi32>
    "tpu.region"() ({
      %run_scoped3A = tpu.sem_alloc : memref<!tpu.dma_semaphore, #tpu.memory_space<semaphore_mem>>
      tpu.enqueue_dma source(%arg4 : memref<32xi32, #tpu.memory_space<hbm>>) target(%arg7 : memref<32xi32, #tpu.memory_space<vmem>>) target_semaphore(%run_scoped3A : memref<!tpu.dma_semaphore, #tpu.memory_space<semaphore_mem>>)
      tpu.wait_dma2 semaphore(%run_scoped3A : memref<!tpu.dma_semaphore, #tpu.memory_space<semaphore_mem>>) src(%arg4 : memref<32xi32, #tpu.memory_space<hbm>>) dst(%arg7 : memref<32xi32, #tpu.memory_space<vmem>>)
      tpu.yield
    }) : () -> ()
    "tpu.region"() ({
      %run_scoped3A = tpu.sem_alloc : memref<!tpu.dma_semaphore, #tpu.memory_space<semaphore_mem>>
      tpu.enqueue_dma source(%arg5 : memref<3x32xf32, #tpu.memory_space<hbm>>) target(%arg8 : memref<3x32xf32, #tpu.memory_space<vmem>>) target_semaphore(%run_scoped3A : memref<!tpu.dma_semaphore, #tpu.memory_space<semaphore_mem>>)
      tpu.wait_dma2 semaphore(%run_scoped3A : memref<!tpu.dma_semaphore, #tpu.memory_space<semaphore_mem>>) src(%arg5 : memref<3x32xf32, #tpu.memory_space<hbm>>) dst(%arg8 : memref<3x32xf32, #tpu.memory_space<vmem>>)
      tpu.yield
    }) : () -> ()
    %get3A = arith.constant 0 : index
    %get3A_1 = tpu.vector_load %arg7[%get3A] {strides = array<i32>} : memref<32xi32, #tpu.memory_space<vmem>>, vector<16xi32>,
    %get3A_2 = arith.constant 16 : index
    %get3A_3 = tpu.vector_load %arg7[%get3A_2] {strides = array<i32>} : memref<32xi32, #tpu.memory_space<vmem>>, vector<16xi32>,
    %get3A_4 = arith.constant 0 : i32
    %get3A_5 = arith.index_cast %get3A_4 : i32 to index
    %get3A_6 = arith.constant 0 : index
    %get3A_7 = tpu.vector_load %arg8[%get3A_5, %get3A_6] {strides = array<i32>} : memref<3x32xf32, #tpu.memory_space<vmem>>, vector<16xf32>,
    %get3A_8 = arith.constant 1 : i32
    %get3A_9 = arith.index_cast %get3A_8 : i32 to index
    %get3A_10 = arith.constant 0 : index
    %get3A_11 = tpu.vector_load %arg8[%get3A_9, %get3A_10] {strides = array<i32>} : memref<3x32xf32, #tpu.memory_space<vmem>>, vector<16xf32>,
    %get3A_12 = arith.constant 2 : i32
    %get3A_13 = arith.index_cast %get3A_12 : i32 to index
    %get3A_14 = arith.constant 0 : index
    %get3A_15 = tpu.vector_load %arg8[%get3A_13, %get3A_14] {strides = array<i32>} : memref<3x32xf32, #tpu.memory_space<vmem>>, vector<16xf32>,
    %get3A_16 = arith.constant 0 : i32
    %get3A_17 = arith.index_cast %get3A_16 : i32 to index
    %get3A_18 = arith.constant 16 : index
    %get3A_19 = tpu.vector_load %arg8[%get3A_17, %get3A_18] {strides = array<i32>} : memref<3x32xf32, #tpu.memory_space<vmem>>, vector<16xf32>,
    %get3A_20 = arith.constant 1 : i32
    %get3A_21 = arith.index_cast %get3A_20 : i32 to index
    %get3A_22 = arith.constant 16 : index
    %get3A_23 = tpu.vector_load %arg8[%get3A_21, %get3A_22] {strides = array<i32>} : memref<3x32xf32, #tpu.memory_space<vmem>>, vector<16xf32>,
    %get3A_24 = arith.constant 2 : i32
    %get3A_25 = arith.index_cast %get3A_24 : i32 to index
    %get3A_26 = arith.constant 16 : index
    %get3A_27 = tpu.vector_load %arg8[%get3A_25, %get3A_26] {strides = array<i32>} : memref<3x32xf32, #tpu.memory_space<vmem>>, vector<16xf32>,
    %mul3A_28 = arith.constant 3 : i32
    %mul3A_29 = arith.muli %mul3A_28, %add3A : i32
    %add3A_30 = arith.constant 0 : i32
    %add3A_31 = arith.addi %mul3A_29, %add3A_30 : i32
    %mul3A_32 = arith.constant 3 : i32
    %mul3A_33 = arith.muli %mul3A_32, %add3A : i32
    %add3A_34 = arith.constant 1 : i32
    %add3A_35 = arith.addi %mul3A_33, %add3A_34 : i32
    %mul3A_36 = arith.constant 3 : i32
    %mul3A_37 = arith.muli %mul3A_36, %add3A : i32
    %add3A_38 = arith.constant 2 : i32
    %add3A_39 = arith.addi %mul3A_37, %add3A_38 : i32
    %jit3A = arith.constant 32 : i32
    %eq3A = arith.constant 0 : i32
    %eq3A_40 = arith.cmpi eq, %jit3A, %eq3A : i32
    %jit3A_41 = arith.constant 1 : i32
    %select_n3A = arith.select %eq3A_40, %jit3A_41, %jit3A : i32
    %rem3A = arith.remsi %add3A_31, %select_n3A : i32
    %ne3A = arith.constant 0 : i32
    %ne3A_42 = arith.cmpi ne, %rem3A, %ne3A : i32
    %lt3A = arith.constant 0 : i32
    %lt3A_43 = arith.cmpi slt, %rem3A, %lt3A : i32
    %lt3A_44 = arith.constant 0 : i32
    %lt3A_45 = arith.cmpi slt, %select_n3A, %lt3A_44 : i32
    %ne3A_46 = arith.xori %lt3A_43, %lt3A_45 : i1
    %and3A = arith.andi %ne3A_46, %ne3A_42 : i1
    %add3A_47 = arith.addi %rem3A, %select_n3A : i32
    %select_n3A_48 = arith.select %and3A, %add3A_47, %rem3A : i32
    %lt3A_49 = arith.constant 16 : i32
    %lt3A_50 = arith.cmpi slt, %select_n3A_48, %lt3A_49 : i32
    %select_n3A_51 = arith.select %lt3A_50, %get3A_1, %get3A_3 : vector<16xi32>
    %jit3A_52 = arith.constant 16 : i32
    %eq3A_53 = arith.constant 0 : i32
    %eq3A_54 = arith.cmpi eq, %jit3A_52, %eq3A_53 : i32
    %jit3A_55 = arith.constant 1 : i32
    %select_n3A_56 = arith.select %eq3A_54, %jit3A_55, %jit3A_52 : i32
    %rem3A_57 = arith.remsi %select_n3A_48, %select_n3A_56 : i32
    %ne3A_58 = arith.constant 0 : i32
    %ne3A_59 = arith.cmpi ne, %rem3A_57, %ne3A_58 : i32
    %lt3A_60 = arith.constant 0 : i32
    %lt3A_61 = arith.cmpi slt, %rem3A_57, %lt3A_60 : i32
    %lt3A_62 = arith.constant 0 : i32
    %lt3A_63 = arith.cmpi slt, %select_n3A_56, %lt3A_62 : i32
    %ne3A_64 = arith.xori %lt3A_61, %lt3A_63 : i1
    %and3A_65 = arith.andi %ne3A_64, %ne3A_59 : i1
    %add3A_66 = arith.addi %rem3A_57, %select_n3A_56 : i32
    %select_n3A_67 = arith.select %and3A_65, %add3A_66, %rem3A_57 : i32
    %eq3A_68 = vector.broadcast %select_n3A_67 : i32 to vector<16xi32>
    %eq3A_69 = arith.cmpi eq, %iota3A, %eq3A_68 : vector<16xi32>
    %jit3A_70 = arith.constant 0 : i32
    %broadcast_in_dim3A = vector.broadcast %jit3A_70 : i32 to vector<16xi32>
    %select_n3A_71 = arith.select %eq3A_69, %select_n3A_51, %broadcast_in_dim3A : vector<16xi1>, vector<16xi32>
    %reduce_sum3A = arith.constant true
    %reduce_sum3A_72 = vector.broadcast %reduce_sum3A : i1 to vector<16xi1>
    %reduce_sum3A_73 = tpu.scan <sum>, %select_n3A_71 masked %reduce_sum3A_72 : vector<16xi32>, vector<16xi1> -> vector<16xi32>
    %reduce_sum3A_74 = vector.extract %reduce_sum3A_73[15] : i32 from vector<16xi32>
    %jit3A_75 = arith.constant 16 : i32
    %div3A = arith.divsi %reduce_sum3A_74, %jit3A_75 : i32
    %sign3A = arith.constant 0 : i32
    %sign3A_76 = arith.cmpi sgt, %reduce_sum3A_74, %sign3A : i32
    %sign3A_77 = arith.extui %sign3A_76 : i1 to i32
    %sign3A_78 = arith.constant 0 : i32
    %sign3A_79 = arith.cmpi slt, %reduce_sum3A_74, %sign3A_78 : i32
    %sign3A_80 = arith.extui %sign3A_79 : i1 to i32
    %sign3A_81 = arith.subi %sign3A_77, %sign3A_80 : i32
    %sign3A_82 = arith.constant 0 : i32
    %sign3A_83 = arith.cmpi sgt, %jit3A_75, %sign3A_82 : i32
    %sign3A_84 = arith.extui %sign3A_83 : i1 to i32
    %sign3A_85 = arith.constant 0 : i32
    %sign3A_86 = arith.cmpi slt, %jit3A_75, %sign3A_85 : i32
    %sign3A_87 = arith.extui %sign3A_86 : i1 to i32
    %sign3A_88 = arith.subi %sign3A_84, %sign3A_87 : i32
    %ne3A_89 = arith.cmpi ne, %sign3A_81, %sign3A_88 : i32
    %rem3A_90 = arith.remsi %reduce_sum3A_74, %jit3A_75 : i32
    %ne3A_91 = arith.constant 0 : i32
    %ne3A_92 = arith.cmpi ne, %rem3A_90, %ne3A_91 : i32
    %and3A_93 = arith.andi %ne3A_89, %ne3A_92 : i1
    %sub3A = arith.constant 1 : i32
    %sub3A_94 = arith.subi %div3A, %sub3A : i32
    %select_n3A_95 = arith.select %and3A_93, %sub3A_94, %div3A : i32
    %mul3A_96 = arith.constant 16 : i32
    %mul3A_97 = arith.muli %select_n3A_95, %mul3A_96 : i32
    %multiple_of3A = tpu.assume_multiple %mul3A_97, 16 : i32
    %jit3A_98 = arith.constant 16 : i32
    %eq3A_99 = arith.constant 0 : i32
    %eq3A_100 = arith.cmpi eq, %jit3A_98, %eq3A_99 : i32
    %jit3A_101 = arith.constant 1 : i32
    %select_n3A_102 = arith.select %eq3A_100, %jit3A_101, %jit3A_98 : i32
    %rem3A_103 = arith.remsi %reduce_sum3A_74, %select_n3A_102 : i32
    %ne3A_104 = arith.constant 0 : i32
    %ne3A_105 = arith.cmpi ne, %rem3A_103, %ne3A_104 : i32
    %lt3A_106 = arith.constant 0 : i32
    %lt3A_107 = arith.cmpi slt, %rem3A_103, %lt3A_106 : i32
    %lt3A_108 = arith.constant 0 : i32
    %lt3A_109 = arith.cmpi slt, %select_n3A_102, %lt3A_108 : i32
    %ne3A_110 = arith.xori %lt3A_107, %lt3A_109 : i1
    %and3A_111 = arith.andi %ne3A_110, %ne3A_105 : i1
    %add3A_112 = arith.addi %rem3A_103, %select_n3A_102 : i32
    %select_n3A_113 = arith.select %and3A_111, %add3A_112, %rem3A_103 : i32
    %dma_start3A = arith.constant 0 : i32
    %dma_start3A_114 = arith.constant 0 : i32
    %dma_start3A_115 = tpu.memref_slice %arg9[%dma_start3A_114] : memref<144xi32, #tpu.memory_space<vmem>> -> memref<16xi32, #tpu.memory_space<vmem>>
    %dma_start3A_116 = tpu.memref_slice %arg3[%dma_start3A, %multiple_of3A] : memref<3x13776xi32, #tpu.memory_space<hbm>> -> memref<1x16xi32, #tpu.memory_space<hbm>>
    %dma_start3A_117 = tpu.memref_squeeze %dma_start3A_116 : memref<1x16xi32, #tpu.memory_space<hbm>> -> memref<16xi32, #tpu.memory_space<hbm>>
    %dma_start3A_118 = arith.constant 0 : i32
    %dma_start3A_119 = tpu.memref_slice %arg9[%dma_start3A_118] : memref<144xi32, #tpu.memory_space<vmem>> -> memref<16xi32, #tpu.memory_space<vmem>>
    %dma_start3A_120 = tpu.memref_slice %arg3[%dma_start3A, %multiple_of3A] : memref<3x13776xi32, #tpu.memory_space<hbm>> -> memref<1x16xi32, #tpu.memory_space<hbm>>
    %dma_start3A_121 = tpu.memref_squeeze %dma_start3A_120 : memref<1x16xi32, #tpu.memory_space<hbm>> -> memref<16xi32, #tpu.memory_space<hbm>>
    tpu.enqueue_dma source(%dma_start3A_121 : memref<16xi32, #tpu.memory_space<hbm>>) target(%dma_start3A_119 : memref<16xi32, #tpu.memory_space<vmem>>) target_semaphore(%arg12 : memref<!tpu.dma_semaphore, #tpu.memory_space<semaphore_mem>>)
    %dma_start3A_122 = arith.constant 1 : i32
    %dma_start3A_123 = arith.constant 16 : i32
    %dma_start3A_124 = tpu.memref_slice %arg9[%dma_start3A_123] : memref<144xi32, #tpu.memory_space<vmem>> -> memref<16xi32, #tpu.memory_space<vmem>>
    %dma_start3A_125 = tpu.memref_slice %arg3[%dma_start3A_122, %multiple_of3A] : memref<3x13776xi32, #tpu.memory_space<hbm>> -> memref<1x16xi32, #tpu.memory_space<hbm>>
    %dma_start3A_126 = tpu.memref_squeeze %dma_start3A_125 : memref<1x16xi32, #tpu.memory_space<hbm>> -> memref<16xi32, #tpu.memory_space<hbm>>
    %dma_start3A_127 = arith.constant 16 : i32
    %dma_start3A_128 = tpu.memref_slice %arg9[%dma_start3A_127] : memref<144xi32, #tpu.memory_space<vmem>> -> memref<16xi32, #tpu.memory_space<vmem>>
    %dma_start3A_129 = tpu.memref_slice %arg3[%dma_start3A_122, %multiple_of3A] : memref<3x13776xi32, #tpu.memory_space<hbm>> -> memref<1x16xi32, #tpu.memory_space<hbm>>
    %dma_start3A_130 = tpu.memref_squeeze %dma_start3A_129 : memref<1x16xi32, #tpu.memory_space<hbm>> -> memref<16xi32, #tpu.memory_space<hbm>>
    tpu.enqueue_dma source(%dma_start3A_130 : memref<16xi32, #tpu.memory_space<hbm>>) target(%dma_start3A_128 : memref<16xi32, #tpu.memory_space<vmem>>) target_semaphore(%arg12 : memref<!tpu.dma_semaphore, #tpu.memory_space<semaphore_mem>>)
    %dma_start3A_131 = arith.constant 2 : i32
    %dma_start3A_132 = arith.constant 32 : i32
    %dma_start3A_133 = tpu.memref_slice %arg9[%dma_start3A_132] : memref<144xi32, #tpu.memory_space<vmem>> -> memref<16xi32, #tpu.memory_space<vmem>>
    %dma_start3A_134 = tpu.memref_slice %arg3[%dma_start3A_131, %multiple_of3A] : memref<3x13776xi32, #tpu.memory_space<hbm>> -> memref<1x16xi32, #tpu.memory_space<hbm>>
    %dma_start3A_135 = tpu.memref_squeeze %dma_start3A_134 : memref<1x16xi32, #tpu.memory_space<hbm>> -> memref<16xi32, #tpu.memory_space<hbm>>
    %dma_start3A_136 = arith.constant 32 : i32
    %dma_start3A_137 = tpu.memref_slice %arg9[%dma_start3A_136] : memref<144xi32, #tpu.memory_space<vmem>> -> memref<16xi32, #tpu.memory_space<vmem>>
    %dma_start3A_138 = tpu.memref_slice %arg3[%dma_start3A_131, %multiple_of3A] : memref<3x13776xi32, #tpu.memory_space<hbm>> -> memref<1x16xi32, #tpu.memory_space<hbm>>
    %dma_start3A_139 = tpu.memref_squeeze %dma_start3A_138 : memref<1x16xi32, #tpu.memory_space<hbm>> -> memref<16xi32, #tpu.memory_space<hbm>>
    tpu.enqueue_dma source(%dma_start3A_139 : memref<16xi32, #tpu.memory_space<hbm>>) target(%dma_start3A_137 : memref<16xi32, #tpu.memory_space<vmem>>) target_semaphore(%arg12 : memref<!tpu.dma_semaphore, #tpu.memory_space<semaphore_mem>>)
    %jit3A_140 = arith.constant 32 : i32
    %eq3A_141 = arith.constant 0 : i32
    %eq3A_142 = arith.cmpi eq, %jit3A_140, %eq3A_141 : i32
    %jit3A_143 = arith.constant 1 : i32
    %select_n3A_144 = arith.select %eq3A_142, %jit3A_143, %jit3A_140 : i32
    %rem3A_145 = arith.remsi %add3A_35, %select_n3A_144 : i32
    %ne3A_146 = arith.constant 0 : i32
    %ne3A_147 = arith.cmpi ne, %rem3A_145, %ne3A_146 : i32
    %lt3A_148 = arith.constant 0 : i32
    %lt3A_149 = arith.cmpi slt, %rem3A_145, %lt3A_148 : i32
    %lt3A_150 = arith.constant 0 : i32
    %lt3A_151 = arith.cmpi slt, %select_n3A_144, %lt3A_150 : i32
    %ne3A_152 = arith.xori %lt3A_149, %lt3A_151 : i1
    %and3A_153 = arith.andi %ne3A_152, %ne3A_147 : i1
    %add3A_154 = arith.addi %rem3A_145, %select_n3A_144 : i32
    %select_n3A_155 = arith.select %and3A_153, %add3A_154, %rem3A_145 : i32
    %lt3A_156 = arith.constant 16 : i32
    %lt3A_157 = arith.cmpi slt, %select_n3A_155, %lt3A_156 : i32
    %select_n3A_158 = arith.select %lt3A_157, %get3A_1, %get3A_3 : vector<16xi32>
    %jit3A_159 = arith.constant 16 : i32
    %eq3A_160 = arith.constant 0 : i32
    %eq3A_161 = arith.cmpi eq, %jit3A_159, %eq3A_160 : i32
    %jit3A_162 = arith.constant 1 : i32
    %select_n3A_163 = arith.select %eq3A_161, %jit3A_162, %jit3A_159 : i32
    %rem3A_164 = arith.remsi %select_n3A_155, %select_n3A_163 : i32
    %ne3A_165 = arith.constant 0 : i32
    %ne3A_166 = arith.cmpi ne, %rem3A_164, %ne3A_165 : i32
    %lt3A_167 = arith.constant 0 : i32
    %lt3A_168 = arith.cmpi slt, %rem3A_164, %lt3A_167 : i32
    %lt3A_169 = arith.constant 0 : i32
    %lt3A_170 = arith.cmpi slt, %select_n3A_163, %lt3A_169 : i32
    %ne3A_171 = arith.xori %lt3A_168, %lt3A_170 : i1
    %and3A_172 = arith.andi %ne3A_171, %ne3A_166 : i1
    %add3A_173 = arith.addi %rem3A_164, %select_n3A_163 : i32
    %select_n3A_174 = arith.select %and3A_172, %add3A_173, %rem3A_164 : i32
    %eq3A_175 = vector.broadcast %select_n3A_174 : i32 to vector<16xi32>
    %eq3A_176 = arith.cmpi eq, %iota3A, %eq3A_175 : vector<16xi32>
    %jit3A_177 = arith.constant 0 : i32
    %broadcast_in_dim3A_178 = vector.broadcast %jit3A_177 : i32 to vector<16xi32>
    %select_n3A_179 = arith.select %eq3A_176, %select_n3A_158, %broadcast_in_dim3A_178 : vector<16xi1>, vector<16xi32>
    %reduce_sum3A_180 = arith.constant true
    %reduce_sum3A_181 = vector.broadcast %reduce_sum3A_180 : i1 to vector<16xi1>
    %reduce_sum3A_182 = tpu.scan <sum>, %select_n3A_179 masked %reduce_sum3A_181 : vector<16xi32>, vector<16xi1> -> vector<16xi32>
    %reduce_sum3A_183 = vector.extract %reduce_sum3A_182[15] : i32 from vector<16xi32>
    %jit3A_184 = arith.constant 16 : i32
    %div3A_185 = arith.divsi %reduce_sum3A_183, %jit3A_184 : i32
    %sign3A_186 = arith.constant 0 : i32
    %sign3A_187 = arith.cmpi sgt, %reduce_sum3A_183, %sign3A_186 : i32
    %sign3A_188 = arith.extui %sign3A_187 : i1 to i32
    %sign3A_189 = arith.constant 0 : i32
    %sign3A_190 = arith.cmpi slt, %reduce_sum3A_183, %sign3A_189 : i32
    %sign3A_191 = arith.extui %sign3A_190 : i1 to i32
    %sign3A_192 = arith.subi %sign3A_188, %sign3A_191 : i32
    %sign3A_193 = arith.constant 0 : i32
    %sign3A_194 = arith.cmpi sgt, %jit3A_184, %sign3A_193 : i32
    %sign3A_195 = arith.extui %sign3A_194 : i1 to i32
    %sign3A_196 = arith.constant 0 : i32
    %sign3A_197 = arith.cmpi slt, %jit3A_184, %sign3A_196 : i32
    %sign3A_198 = arith.extui %sign3A_197 : i1 to i32
    %sign3A_199 = arith.subi %sign3A_195, %sign3A_198 : i32
    %ne3A_200 = arith.cmpi ne, %sign3A_192, %sign3A_199 : i32
    %rem3A_201 = arith.remsi %reduce_sum3A_183, %jit3A_184 : i32
    %ne3A_202 = arith.constant 0 : i32
    %ne3A_203 = arith.cmpi ne, %rem3A_201, %ne3A_202 : i32
    %and3A_204 = arith.andi %ne3A_200, %ne3A_203 : i1
    %sub3A_205 = arith.constant 1 : i32
    %sub3A_206 = arith.subi %div3A_185, %sub3A_205 : i32
    %select_n3A_207 = arith.select %and3A_204, %sub3A_206, %div3A_185 : i32
    %mul3A_208 = arith.constant 16 : i32
    %mul3A_209 = arith.muli %select_n3A_207, %mul3A_208 : i32
    %multiple_of3A_210 = tpu.assume_multiple %mul3A_209, 16 : i32
    %jit3A_211 = arith.constant 16 : i32
    %eq3A_212 = arith.constant 0 : i32
    %eq3A_213 = arith.cmpi eq, %jit3A_211, %eq3A_212 : i32
    %jit3A_214 = arith.constant 1 : i32
    %select_n3A_215 = arith.select %eq3A_213, %jit3A_214, %jit3A_211 : i32
    %rem3A_216 = arith.remsi %reduce_sum3A_183, %select_n3A_215 : i32
    %ne3A_217 = arith.constant 0 : i32
    %ne3A_218 = arith.cmpi ne, %rem3A_216, %ne3A_217 : i32
    %lt3A_219 = arith.constant 0 : i32
    %lt3A_220 = arith.cmpi slt, %rem3A_216, %lt3A_219 : i32
    %lt3A_221 = arith.constant 0 : i32
    %lt3A_222 = arith.cmpi slt, %select_n3A_215, %lt3A_221 : i32
    %ne3A_223 = arith.xori %lt3A_220, %lt3A_222 : i1
    %and3A_224 = arith.andi %ne3A_223, %ne3A_218 : i1
    %add3A_225 = arith.addi %rem3A_216, %select_n3A_215 : i32
    %select_n3A_226 = arith.select %and3A_224, %add3A_225, %rem3A_216 : i32
    %dma_start3A_227 = arith.constant 0 : i32
    %dma_start3A_228 = arith.constant 48 : i32
    %dma_start3A_229 = tpu.memref_slice %arg9[%dma_start3A_228] : memref<144xi32, #tpu.memory_space<vmem>> -> memref<16xi32, #tpu.memory_space<vmem>>
    %dma_start3A_230 = tpu.memref_slice %arg3[%dma_start3A_227, %multiple_of3A_210] : memref<3x13776xi32, #tpu.memory_space<hbm>> -> memref<1x16xi32, #tpu.memory_space<hbm>>
    %dma_start3A_231 = tpu.memref_squeeze %dma_start3A_230 : memref<1x16xi32, #tpu.memory_space<hbm>> -> memref<16xi32, #tpu.memory_space<hbm>>
    %dma_start3A_232 = arith.constant 48 : i32
    %dma_start3A_233 = tpu.memref_slice %arg9[%dma_start3A_232] : memref<144xi32, #tpu.memory_space<vmem>> -> memref<16xi32, #tpu.memory_space<vmem>>
    %dma_start3A_234 = tpu.memref_slice %arg3[%dma_start3A_227, %multiple_of3A_210] : memref<3x13776xi32, #tpu.memory_space<hbm>> -> memref<1x16xi32, #tpu.memory_space<hbm>>
    %dma_start3A_235 = tpu.memref_squeeze %dma_start3A_234 : memref<1x16xi32, #tpu.memory_space<hbm>> -> memref<16xi32, #tpu.memory_space<hbm>>
    tpu.enqueue_dma source(%dma_start3A_235 : memref<16xi32, #tpu.memory_space<hbm>>) target(%dma_start3A_233 : memref<16xi32, #tpu.memory_space<vmem>>) target_semaphore(%arg12 : memref<!tpu.dma_semaphore, #tpu.memory_space<semaphore_mem>>)
    %dma_start3A_236 = arith.constant 1 : i32
    %dma_start3A_237 = arith.constant 64 : i32
    %dma_start3A_238 = tpu.memref_slice %arg9[%dma_start3A_237] : memref<144xi32, #tpu.memory_space<vmem>> -> memref<16xi32, #tpu.memory_space<vmem>>
    %dma_start3A_239 = tpu.memref_slice %arg3[%dma_start3A_236, %multiple_of3A_210] : memref<3x13776xi32, #tpu.memory_space<hbm>> -> memref<1x16xi32, #tpu.memory_space<hbm>>
    %dma_start3A_240 = tpu.memref_squeeze %dma_start3A_239 : memref<1x16xi32, #tpu.memory_space<hbm>> -> memref<16xi32, #tpu.memory_space<hbm>>
    %dma_start3A_241 = arith.constant 64 : i32
    %dma_start3A_242 = tpu.memref_slice %arg9[%dma_start3A_241] : memref<144xi32, #tpu.memory_space<vmem>> -> memref<16xi32, #tpu.memory_space<vmem>>
    %dma_start3A_243 = tpu.memref_slice %arg3[%dma_start3A_236, %multiple_of3A_210] : memref<3x13776xi32, #tpu.memory_space<hbm>> -> memref<1x16xi32, #tpu.memory_space<hbm>>
    %dma_start3A_244 = tpu.memref_squeeze %dma_start3A_243 : memref<1x16xi32, #tpu.memory_space<hbm>> -> memref<16xi32, #tpu.memory_space<hbm>>
    tpu.enqueue_dma source(%dma_start3A_244 : memref<16xi32, #tpu.memory_space<hbm>>) target(%dma_start3A_242 : memref<16xi32, #tpu.memory_space<vmem>>) target_semaphore(%arg12 : memref<!tpu.dma_semaphore, #tpu.memory_space<semaphore_mem>>)
    %dma_start3A_245 = arith.constant 2 : i32
    %dma_start3A_246 = arith.constant 80 : i32
    %dma_start3A_247 = tpu.memref_slice %arg9[%dma_start3A_246] : memref<144xi32, #tpu.memory_space<vmem>> -> memref<16xi32, #tpu.memory_space<vmem>>
    %dma_start3A_248 = tpu.memref_slice %arg3[%dma_start3A_245, %multiple_of3A_210] : memref<3x13776xi32, #tpu.memory_space<hbm>> -> memref<1x16xi32, #tpu.memory_space<hbm>>
    %dma_start3A_249 = tpu.memref_squeeze %dma_start3A_248 : memref<1x16xi32, #tpu.memory_space<hbm>> -> memref<16xi32, #tpu.memory_space<hbm>>
    %dma_start3A_250 = arith.constant 80 : i32
    %dma_start3A_251 = tpu.memref_slice %arg9[%dma_start3A_250] : memref<144xi32, #tpu.memory_space<vmem>> -> memref<16xi32, #tpu.memory_space<vmem>>
    %dma_start3A_252 = tpu.memref_slice %arg3[%dma_start3A_245, %multiple_of3A_210] : memref<3x13776xi32, #tpu.memory_space<hbm>> -> memref<1x16xi32, #tpu.memory_space<hbm>>
    %dma_start3A_253 = tpu.memref_squeeze %dma_start3A_252 : memref<1x16xi32, #tpu.memory_space<hbm>> -> memref<16xi32, #tpu.memory_space<hbm>>
    tpu.enqueue_dma source(%dma_start3A_253 : memref<16xi32, #tpu.memory_space<hbm>>) target(%dma_start3A_251 : memref<16xi32, #tpu.memory_space<vmem>>) target_semaphore(%arg12 : memref<!tpu.dma_semaphore, #tpu.memory_space<semaphore_mem>>)
    %jit3A_254 = arith.constant 32 : i32
    %eq3A_255 = arith.constant 0 : i32
    %eq3A_256 = arith.cmpi eq, %jit3A_254, %eq3A_255 : i32
    %jit3A_257 = arith.constant 1 : i32
    %select_n3A_258 = arith.select %eq3A_256, %jit3A_257, %jit3A_254 : i32
    %rem3A_259 = arith.remsi %add3A_39, %select_n3A_258 : i32
    %ne3A_260 = arith.constant 0 : i32
    %ne3A_261 = arith.cmpi ne, %rem3A_259, %ne3A_260 : i32
    %lt3A_262 = arith.constant 0 : i32
    %lt3A_263 = arith.cmpi slt, %rem3A_259, %lt3A_262 : i32
    %lt3A_264 = arith.constant 0 : i32
    %lt3A_265 = arith.cmpi slt, %select_n3A_258, %lt3A_264 : i32
    %ne3A_266 = arith.xori %lt3A_263, %lt3A_265 : i1
    %and3A_267 = arith.andi %ne3A_266, %ne3A_261 : i1
    %add3A_268 = arith.addi %rem3A_259, %select_n3A_258 : i32
    %select_n3A_269 = arith.select %and3A_267, %add3A_268, %rem3A_259 : i32
    %lt3A_270 = arith.constant 16 : i32
    %lt3A_271 = arith.cmpi slt, %select_n3A_269, %lt3A_270 : i32
    %select_n3A_272 = arith.select %lt3A_271, %get3A_1, %get3A_3 : vector<16xi32>
    %jit3A_273 = arith.constant 16 : i32
    %eq3A_274 = arith.constant 0 : i32
    %eq3A_275 = arith.cmpi eq, %jit3A_273, %eq3A_274 : i32
    %jit3A_276 = arith.constant 1 : i32
    %select_n3A_277 = arith.select %eq3A_275, %jit3A_276, %jit3A_273 : i32
    %rem3A_278 = arith.remsi %select_n3A_269, %select_n3A_277 : i32
    %ne3A_279 = arith.constant 0 : i32
    %ne3A_280 = arith.cmpi ne, %rem3A_278, %ne3A_279 : i32
    %lt3A_281 = arith.constant 0 : i32
    %lt3A_282 = arith.cmpi slt, %rem3A_278, %lt3A_281 : i32
    %lt3A_283 = arith.constant 0 : i32
    %lt3A_284 = arith.cmpi slt, %select_n3A_277, %lt3A_283 : i32
    %ne3A_285 = arith.xori %lt3A_282, %lt3A_284 : i1
    %and3A_286 = arith.andi %ne3A_285, %ne3A_280 : i1
    %add3A_287 = arith.addi %rem3A_278, %select_n3A_277 : i32
    %select_n3A_288 = arith.select %and3A_286, %add3A_287, %rem3A_278 : i32
    %eq3A_289 = vector.broadcast %select_n3A_288 : i32 to vector<16xi32>
    %eq3A_290 = arith.cmpi eq, %iota3A, %eq3A_289 : vector<16xi32>
    %jit3A_291 = arith.constant 0 : i32
    %broadcast_in_dim3A_292 = vector.broadcast %jit3A_291 : i32 to vector<16xi32>
    %select_n3A_293 = arith.select %eq3A_290, %select_n3A_272, %broadcast_in_dim3A_292 : vector<16xi1>, vector<16xi32>
    %reduce_sum3A_294 = arith.constant true
    %reduce_sum3A_295 = vector.broadcast %reduce_sum3A_294 : i1 to vector<16xi1>
    %reduce_sum3A_296 = tpu.scan <sum>, %select_n3A_293 masked %reduce_sum3A_295 : vector<16xi32>, vector<16xi1> -> vector<16xi32>
    %reduce_sum3A_297 = vector.extract %reduce_sum3A_296[15] : i32 from vector<16xi32>
    %jit3A_298 = arith.constant 16 : i32
    %div3A_299 = arith.divsi %reduce_sum3A_297, %jit3A_298 : i32
    %sign3A_300 = arith.constant 0 : i32
    %sign3A_301 = arith.cmpi sgt, %reduce_sum3A_297, %sign3A_300 : i32
    %sign3A_302 = arith.extui %sign3A_301 : i1 to i32
    %sign3A_303 = arith.constant 0 : i32
    %sign3A_304 = arith.cmpi slt, %reduce_sum3A_297, %sign3A_303 : i32
    %sign3A_305 = arith.extui %sign3A_304 : i1 to i32
    %sign3A_306 = arith.subi %sign3A_302, %sign3A_305 : i32
    %sign3A_307 = arith.constant 0 : i32
    %sign3A_308 = arith.cmpi sgt, %jit3A_298, %sign3A_307 : i32
    %sign3A_309 = arith.extui %sign3A_308 : i1 to i32
    %sign3A_310 = arith.constant 0 : i32
    %sign3A_311 = arith.cmpi slt, %jit3A_298, %sign3A_310 : i32
    %sign3A_312 = arith.extui %sign3A_311 : i1 to i32
    %sign3A_313 = arith.subi %sign3A_309, %sign3A_312 : i32
    %ne3A_314 = arith.cmpi ne, %sign3A_306, %sign3A_313 : i32
    %rem3A_315 = arith.remsi %reduce_sum3A_297, %jit3A_298 : i32
    %ne3A_316 = arith.constant 0 : i32
    %ne3A_317 = arith.cmpi ne, %rem3A_315, %ne3A_316 : i32
    %and3A_318 = arith.andi %ne3A_314, %ne3A_317 : i1
    %sub3A_319 = arith.constant 1 : i32
    %sub3A_320 = arith.subi %div3A_299, %sub3A_319 : i32
    %select_n3A_321 = arith.select %and3A_318, %sub3A_320, %div3A_299 : i32
    %mul3A_322 = arith.constant 16 : i32
    %mul3A_323 = arith.muli %select_n3A_321, %mul3A_322 : i32
    %multiple_of3A_324 = tpu.assume_multiple %mul3A_323, 16 : i32
    %jit3A_325 = arith.constant 16 : i32
    %eq3A_326 = arith.constant 0 : i32
    %eq3A_327 = arith.cmpi eq, %jit3A_325, %eq3A_326 : i32
    %jit3A_328 = arith.constant 1 : i32
    %select_n3A_329 = arith.select %eq3A_327, %jit3A_328, %jit3A_325 : i32
    %rem3A_330 = arith.remsi %reduce_sum3A_297, %select_n3A_329 : i32
    %ne3A_331 = arith.constant 0 : i32
    %ne3A_332 = arith.cmpi ne, %rem3A_330, %ne3A_331 : i32
    %lt3A_333 = arith.constant 0 : i32
    %lt3A_334 = arith.cmpi slt, %rem3A_330, %lt3A_333 : i32
    %lt3A_335 = arith.constant 0 : i32
    %lt3A_336 = arith.cmpi slt, %select_n3A_329, %lt3A_335 : i32
    %ne3A_337 = arith.xori %lt3A_334, %lt3A_336 : i1
    %and3A_338 = arith.andi %ne3A_337, %ne3A_332 : i1
    %add3A_339 = arith.addi %rem3A_330, %select_n3A_329 : i32
    %select_n3A_340 = arith.select %and3A_338, %add3A_339, %rem3A_330 : i32
    %dma_start3A_341 = arith.constant 0 : i32
    %dma_start3A_342 = arith.constant 96 : i32
    %dma_start3A_343 = tpu.memref_slice %arg9[%dma_start3A_342] : memref<144xi32, #tpu.memory_space<vmem>> -> memref<16xi32, #tpu.memory_space<vmem>>
    %dma_start3A_344 = tpu.memref_slice %arg3[%dma_start3A_341, %multiple_of3A_324] : memref<3x13776xi32, #tpu.memory_space<hbm>> -> memref<1x16xi32, #tpu.memory_space<hbm>>
    %dma_start3A_345 = tpu.memref_squeeze %dma_start3A_344 : memref<1x16xi32, #tpu.memory_space<hbm>> -> memref<16xi32, #tpu.memory_space<hbm>>
    %dma_start3A_346 = arith.constant 96 : i32
    %dma_start3A_347 = tpu.memref_slice %arg9[%dma_start3A_346] : memref<144xi32, #tpu.memory_space<vmem>> -> memref<16xi32, #tpu.memory_space<vmem>>
    %dma_start3A_348 = tpu.memref_slice %arg3[%dma_start3A_341, %multiple_of3A_324] : memref<3x13776xi32, #tpu.memory_space<hbm>> -> memref<1x16xi32, #tpu.memory_space<hbm>>
    %dma_start3A_349 = tpu.memref_squeeze %dma_start3A_348 : memref<1x16xi32, #tpu.memory_space<hbm>> -> memref<16xi32, #tpu.memory_space<hbm>>
    tpu.enqueue_dma source(%dma_start3A_349 : memref<16xi32, #tpu.memory_space<hbm>>) target(%dma_start3A_347 : memref<16xi32, #tpu.memory_space<vmem>>) target_semaphore(%arg12 : memref<!tpu.dma_semaphore, #tpu.memory_space<semaphore_mem>>)
    %dma_start3A_350 = arith.constant 1 : i32
    %dma_start3A_351 = arith.constant 112 : i32
    %dma_start3A_352 = tpu.memref_slice %arg9[%dma_start3A_351] : memref<144xi32, #tpu.memory_space<vmem>> -> memref<16xi32, #tpu.memory_space<vmem>>
    %dma_start3A_353 = tpu.memref_slice %arg3[%dma_start3A_350, %multiple_of3A_324] : memref<3x13776xi32, #tpu.memory_space<hbm>> -> memref<1x16xi32, #tpu.memory_space<hbm>>
    %dma_start3A_354 = tpu.memref_squeeze %dma_start3A_353 : memref<1x16xi32, #tpu.memory_space<hbm>> -> memref<16xi32, #tpu.memory_space<hbm>>
    %dma_start3A_355 = arith.constant 112 : i32
    %dma_start3A_356 = tpu.memref_slice %arg9[%dma_start3A_355] : memref<144xi32, #tpu.memory_space<vmem>> -> memref<16xi32, #tpu.memory_space<vmem>>
    %dma_start3A_357 = tpu.memref_slice %arg3[%dma_start3A_350, %multiple_of3A_324] : memref<3x13776xi32, #tpu.memory_space<hbm>> -> memref<1x16xi32, #tpu.memory_space<hbm>>
    %dma_start3A_358 = tpu.memref_squeeze %dma_start3A_357 : memref<1x16xi32, #tpu.memory_space<hbm>> -> memref<16xi32, #tpu.memory_space<hbm>>
    tpu.enqueue_dma source(%dma_start3A_358 : memref<16xi32, #tpu.memory_space<hbm>>) target(%dma_start3A_356 : memref<16xi32, #tpu.memory_space<vmem>>) target_semaphore(%arg12 : memref<!tpu.dma_semaphore, #tpu.memory_space<semaphore_mem>>)
    %dma_start3A_359 = arith.constant 2 : i32
    %dma_start3A_360 = arith.constant 128 : i32
    %dma_start3A_361 = tpu.memref_slice %arg9[%dma_start3A_360] : memref<144xi32, #tpu.memory_space<vmem>> -> memref<16xi32, #tpu.memory_space<vmem>>
    %dma_start3A_362 = tpu.memref_slice %arg3[%dma_start3A_359, %multiple_of3A_324] : memref<3x13776xi32, #tpu.memory_space<hbm>> -> memref<1x16xi32, #tpu.memory_space<hbm>>
    %dma_start3A_363 = tpu.memref_squeeze %dma_start3A_362 : memref<1x16xi32, #tpu.memory_space<hbm>> -> memref<16xi32, #tpu.memory_space<hbm>>
    %dma_start3A_364 = arith.constant 128 : i32
    %dma_start3A_365 = tpu.memref_slice %arg9[%dma_start3A_364] : memref<144xi32, #tpu.memory_space<vmem>> -> memref<16xi32, #tpu.memory_space<vmem>>
    %dma_start3A_366 = tpu.memref_slice %arg3[%dma_start3A_359, %multiple_of3A_324] : memref<3x13776xi32, #tpu.memory_space<hbm>> -> memref<1x16xi32, #tpu.memory_space<hbm>>
    %dma_start3A_367 = tpu.memref_squeeze %dma_start3A_366 : memref<1x16xi32, #tpu.memory_space<hbm>> -> memref<16xi32, #tpu.memory_space<hbm>>
    tpu.enqueue_dma source(%dma_start3A_367 : memref<16xi32, #tpu.memory_space<hbm>>) target(%dma_start3A_365 : memref<16xi32, #tpu.memory_space<vmem>>) target_semaphore(%arg12 : memref<!tpu.dma_semaphore, #tpu.memory_space<semaphore_mem>>)
    %jit3A_368 = arith.constant 32 : i32
    %div3A_369 = arith.divsi %add3A_31, %jit3A_368 : i32
    %sign3A_370 = arith.constant 0 : i32
    %sign3A_371 = arith.cmpi sgt, %add3A_31, %sign3A_370 : i32
    %sign3A_372 = arith.extui %sign3A_371 : i1 to i32
    %sign3A_373 = arith.constant 0 : i32
    %sign3A_374 = arith.cmpi slt, %add3A_31, %sign3A_373 : i32
    %sign3A_375 = arith.extui %sign3A_374 : i1 to i32
    %sign3A_376 = arith.subi %sign3A_372, %sign3A_375 : i32
    %sign3A_377 = arith.constant 0 : i32
    %sign3A_378 = arith.cmpi sgt, %jit3A_368, %sign3A_377 : i32
    %sign3A_379 = arith.extui %sign3A_378 : i1 to i32
    %sign3A_380 = arith.constant 0 : i32
    %sign3A_381 = arith.cmpi slt, %jit3A_368, %sign3A_380 : i32
    %sign3A_382 = arith.extui %sign3A_381 : i1 to i32
    %sign3A_383 = arith.subi %sign3A_379, %sign3A_382 : i32
    %ne3A_384 = arith.cmpi ne, %sign3A_376, %sign3A_383 : i32
    %rem3A_385 = arith.remsi %add3A_31, %jit3A_368 : i32
    %ne3A_386 = arith.constant 0 : i32
    %ne3A_387 = arith.cmpi ne, %rem3A_385, %ne3A_386 : i32
    %and3A_388 = arith.andi %ne3A_384, %ne3A_387 : i1
    %sub3A_389 = arith.constant 1 : i32
    %sub3A_390 = arith.subi %div3A_369, %sub3A_389 : i32
    %select_n3A_391 = arith.select %and3A_388, %sub3A_390, %div3A_369 : i32
    %jit3A_392 = arith.constant 32 : i32
    %eq3A_393 = arith.constant 0 : i32
    %eq3A_394 = arith.cmpi eq, %jit3A_392, %eq3A_393 : i32
    %jit3A_395 = arith.constant 1 : i32
    %select_n3A_396 = arith.select %eq3A_394, %jit3A_395, %jit3A_392 : i32
    %rem3A_397 = arith.remsi %add3A_31, %select_n3A_396 : i32
    %ne3A_398 = arith.constant 0 : i32
    %ne3A_399 = arith.cmpi ne, %rem3A_397, %ne3A_398 : i32
    %lt3A_400 = arith.constant 0 : i32
    %lt3A_401 = arith.cmpi slt, %rem3A_397, %lt3A_400 : i32
    %lt3A_402 = arith.constant 0 : i32
    %lt3A_403 = arith.cmpi slt, %select_n3A_396, %lt3A_402 : i32
    %ne3A_404 = arith.xori %lt3A_401, %lt3A_403 : i1
    %and3A_405 = arith.andi %ne3A_404, %ne3A_399 : i1
    %add3A_406 = arith.addi %rem3A_397, %select_n3A_396 : i32
    %select_n3A_407 = arith.select %and3A_405, %add3A_406, %rem3A_397 : i32
    %dma_wait3A = arith.constant 0 : i32
    %dma_wait3A_408 = arith.constant 0 : i32
    %dma_wait3A_409 = tpu.memref_slice %arg9[%dma_wait3A_408] : memref<144xi32, #tpu.memory_space<vmem>> -> memref<16xi32, #tpu.memory_space<vmem>>
    %dma_wait3A_410 = tpu.memref_slice %arg3[%dma_wait3A, %multiple_of3A] : memref<3x13776xi32, #tpu.memory_space<hbm>> -> memref<1x16xi32, #tpu.memory_space<hbm>>
    %dma_wait3A_411 = tpu.memref_squeeze %dma_wait3A_410 : memref<1x16xi32, #tpu.memory_space<hbm>> -> memref<16xi32, #tpu.memory_space<hbm>>
    %dma_wait3A_412 = arith.constant 0 : i32
    %dma_wait3A_413 = tpu.memref_slice %arg9[%dma_wait3A_412] : memref<144xi32, #tpu.memory_space<vmem>> -> memref<16xi32, #tpu.memory_space<vmem>>
    %dma_wait3A_414 = tpu.memref_slice %arg3[%dma_wait3A, %multiple_of3A] : memref<3x13776xi32, #tpu.memory_space<hbm>> -> memref<1x16xi32, #tpu.memory_space<hbm>>
    %dma_wait3A_415 = tpu.memref_squeeze %dma_wait3A_414 : memref<1x16xi32, #tpu.memory_space<hbm>> -> memref<16xi32, #tpu.memory_space<hbm>>
    tpu.wait_dma2 semaphore(%arg12 : memref<!tpu.dma_semaphore, #tpu.memory_space<semaphore_mem>>) src(%dma_wait3A_415 : memref<16xi32, #tpu.memory_space<hbm>>) dst(%dma_wait3A_413 : memref<16xi32, #tpu.memory_space<vmem>>)
    %get3A_416 = arith.constant 0 : index
    %get3A_417 = tpu.vector_load %arg9[%get3A_416] {strides = array<i32>} : memref<144xi32, #tpu.memory_space<vmem>>, vector<16xi32>,
    %eq3A_418 = vector.broadcast %select_n3A_113 : i32 to vector<16xi32>
    %eq3A_419 = arith.cmpi eq, %iota3A, %eq3A_418 : vector<16xi32>
    %jit3A_420 = arith.constant 0 : i32
    %broadcast_in_dim3A_421 = vector.broadcast %jit3A_420 : i32 to vector<16xi32>
    %select_n3A_422 = arith.select %eq3A_419, %get3A_417, %broadcast_in_dim3A_421 : vector<16xi1>, vector<16xi32>
    %reduce_sum3A_423 = arith.constant true
    %reduce_sum3A_424 = vector.broadcast %reduce_sum3A_423 : i1 to vector<16xi1>
    %reduce_sum3A_425 = tpu.scan <sum>, %select_n3A_422 masked %reduce_sum3A_424 : vector<16xi32>, vector<16xi1> -> vector<16xi32>
    %reduce_sum3A_426 = vector.extract %reduce_sum3A_425[15] : i32 from vector<16xi32>
    %dma_start3A_427 = arith.constant 0 : i32
    %dma_start3A_428 = tpu.memref_slice %arg10[%dma_start3A_427] : memref<9216xf32, #tpu.memory_space<vmem>> -> memref<1024xf32, #tpu.memory_space<vmem>>
    %dma_start3A_429 = arith.constant 0 : i32
    %dma_start3A_430 = tpu.memref_slice %arg2[%select_n3A_391, %reduce_sum3A_426, %dma_start3A_429] : memref<3x6890x1024xf32, #tpu.memory_space<hbm>> -> memref<1x1x1024xf32, #tpu.memory_space<hbm>>
    %dma_start3A_431 = tpu.memref_squeeze %dma_start3A_430 : memref<1x1x1024xf32, #tpu.memory_space<hbm>> -> memref<1024xf32, #tpu.memory_space<hbm>>
    %dma_start3A_432 = arith.constant 0 : i32
    %dma_start3A_433 = tpu.memref_slice %arg10[%dma_start3A_432] : memref<9216xf32, #tpu.memory_space<vmem>> -> memref<1024xf32, #tpu.memory_space<vmem>>
    %dma_start3A_434 = arith.constant 0 : i32
    %dma_start3A_435 = tpu.memref_slice %arg2[%select_n3A_391, %reduce_sum3A_426, %dma_start3A_434] : memref<3x6890x1024xf32, #tpu.memory_space<hbm>> -> memref<1x1x1024xf32, #tpu.memory_space<hbm>>
    %dma_start3A_436 = tpu.memref_squeeze %dma_start3A_435 : memref<1x1x1024xf32, #tpu.memory_space<hbm>> -> memref<1024xf32, #tpu.memory_space<hbm>>
    tpu.enqueue_dma source(%dma_start3A_436 : memref<1024xf32, #tpu.memory_space<hbm>>) target(%dma_start3A_433 : memref<1024xf32, #tpu.memory_space<vmem>>) target_semaphore(%arg13 : memref<!tpu.dma_semaphore, #tpu.memory_space<semaphore_mem>>)
    %lt3A_437 = arith.constant 16 : i32
    %lt3A_438 = arith.cmpi slt, %select_n3A_407, %lt3A_437 : i32
    %select_n3A_439 = arith.select %lt3A_438, %get3A_7, %get3A_19 : vector<16xf32>
    %jit3A_440 = arith.constant 16 : i32
    %eq3A_441 = arith.constant 0 : i32
    %eq3A_442 = arith.cmpi eq, %jit3A_440, %eq3A_441 : i32
    %jit3A_443 = arith.constant 1 : i32
    %select_n3A_444 = arith.select %eq3A_442, %jit3A_443, %jit3A_440 : i32
    %rem3A_445 = arith.remsi %select_n3A_407, %select_n3A_444 : i32
    %ne3A_446 = arith.constant 0 : i32
    %ne3A_447 = arith.cmpi ne, %rem3A_445, %ne3A_446 : i32
    %lt3A_448 = arith.constant 0 : i32
    %lt3A_449 = arith.cmpi slt, %rem3A_445, %lt3A_448 : i32
    %lt3A_450 = arith.constant 0 : i32
    %lt3A_451 = arith.cmpi slt, %select_n3A_444, %lt3A_450 : i32
    %ne3A_452 = arith.xori %lt3A_449, %lt3A_451 : i1
    %and3A_453 = arith.andi %ne3A_452, %ne3A_447 : i1
    %add3A_454 = arith.addi %rem3A_445, %select_n3A_444 : i32
    %select_n3A_455 = arith.select %and3A_453, %add3A_454, %rem3A_445 : i32
    %eq3A_456 = vector.broadcast %select_n3A_455 : i32 to vector<16xi32>
    %eq3A_457 = arith.cmpi eq, %iota3A, %eq3A_456 : vector<16xi32>
    %jit3A_458 = arith.constant 0.000000e+00 : f32
    %broadcast_in_dim3A_459 = vector.broadcast %jit3A_458 : f32 to vector<16xf32>
    %select_n3A_460 = arith.select %eq3A_457, %select_n3A_439, %broadcast_in_dim3A_459 : vector<16xi1>, vector<16xf32>
    %reduce_sum3A_461 = arith.constant true
    %reduce_sum3A_462 = vector.broadcast %reduce_sum3A_461 : i1 to vector<16xi1>
    %reduce_sum3A_463 = tpu.scan <sum>, %select_n3A_460 masked %reduce_sum3A_462 : vector<16xf32>, vector<16xi1> -> vector<16xf32>
    %reduce_sum3A_464 = vector.extract %reduce_sum3A_463[15] : f32 from vector<16xf32>
    %dma_wait3A_465 = arith.constant 1 : i32
    %dma_wait3A_466 = arith.constant 16 : i32
    %dma_wait3A_467 = tpu.memref_slice %arg9[%dma_wait3A_466] : memref<144xi32, #tpu.memory_space<vmem>> -> memref<16xi32, #tpu.memory_space<vmem>>
    %dma_wait3A_468 = tpu.memref_slice %arg3[%dma_wait3A_465, %multiple_of3A] : memref<3x13776xi32, #tpu.memory_space<hbm>> -> memref<1x16xi32, #tpu.memory_space<hbm>>
    %dma_wait3A_469 = tpu.memref_squeeze %dma_wait3A_468 : memref<1x16xi32, #tpu.memory_space<hbm>> -> memref<16xi32, #tpu.memory_space<hbm>>
    %dma_wait3A_470 = arith.constant 16 : i32
    %dma_wait3A_471 = tpu.memref_slice %arg9[%dma_wait3A_470] : memref<144xi32, #tpu.memory_space<vmem>> -> memref<16xi32, #tpu.memory_space<vmem>>
    %dma_wait3A_472 = tpu.memref_slice %arg3[%dma_wait3A_465, %multiple_of3A] : memref<3x13776xi32, #tpu.memory_space<hbm>> -> memref<1x16xi32, #tpu.memory_space<hbm>>
    %dma_wait3A_473 = tpu.memref_squeeze %dma_wait3A_472 : memref<1x16xi32, #tpu.memory_space<hbm>> -> memref<16xi32, #tpu.memory_space<hbm>>
    tpu.wait_dma2 semaphore(%arg12 : memref<!tpu.dma_semaphore, #tpu.memory_space<semaphore_mem>>) src(%dma_wait3A_473 : memref<16xi32, #tpu.memory_space<hbm>>) dst(%dma_wait3A_471 : memref<16xi32, #tpu.memory_space<vmem>>)
    %get3A_474 = arith.constant 16 : index
    %get3A_475 = tpu.vector_load %arg9[%get3A_474] {strides = array<i32>} : memref<144xi32, #tpu.memory_space<vmem>>, vector<16xi32>,
    %eq3A_476 = vector.broadcast %select_n3A_113 : i32 to vector<16xi32>
    %eq3A_477 = arith.cmpi eq, %iota3A, %eq3A_476 : vector<16xi32>
    %jit3A_478 = arith.constant 0 : i32
    %broadcast_in_dim3A_479 = vector.broadcast %jit3A_478 : i32 to vector<16xi32>
    %select_n3A_480 = arith.select %eq3A_477, %get3A_475, %broadcast_in_dim3A_479 : vector<16xi1>, vector<16xi32>
    %reduce_sum3A_481 = arith.constant true
    %reduce_sum3A_482 = vector.broadcast %reduce_sum3A_481 : i1 to vector<16xi1>
    %reduce_sum3A_483 = tpu.scan <sum>, %select_n3A_480 masked %reduce_sum3A_482 : vector<16xi32>, vector<16xi1> -> vector<16xi32>
    %reduce_sum3A_484 = vector.extract %reduce_sum3A_483[15] : i32 from vector<16xi32>
    %dma_start3A_485 = arith.constant 1024 : i32
    %dma_start3A_486 = tpu.memref_slice %arg10[%dma_start3A_485] : memref<9216xf32, #tpu.memory_space<vmem>> -> memref<1024xf32, #tpu.memory_space<vmem>>
    %dma_start3A_487 = arith.constant 0 : i32
    %dma_start3A_488 = tpu.memref_slice %arg2[%select_n3A_391, %reduce_sum3A_484, %dma_start3A_487] : memref<3x6890x1024xf32, #tpu.memory_space<hbm>> -> memref<1x1x1024xf32, #tpu.memory_space<hbm>>
    %dma_start3A_489 = tpu.memref_squeeze %dma_start3A_488 : memref<1x1x1024xf32, #tpu.memory_space<hbm>> -> memref<1024xf32, #tpu.memory_space<hbm>>
    %dma_start3A_490 = arith.constant 1024 : i32
    %dma_start3A_491 = tpu.memref_slice %arg10[%dma_start3A_490] : memref<9216xf32, #tpu.memory_space<vmem>> -> memref<1024xf32, #tpu.memory_space<vmem>>
    %dma_start3A_492 = arith.constant 0 : i32
    %dma_start3A_493 = tpu.memref_slice %arg2[%select_n3A_391, %reduce_sum3A_484, %dma_start3A_492] : memref<3x6890x1024xf32, #tpu.memory_space<hbm>> -> memref<1x1x1024xf32, #tpu.memory_space<hbm>>
    %dma_start3A_494 = tpu.memref_squeeze %dma_start3A_493 : memref<1x1x1024xf32, #tpu.memory_space<hbm>> -> memref<1024xf32, #tpu.memory_space<hbm>>
    tpu.enqueue_dma source(%dma_start3A_494 : memref<1024xf32, #tpu.memory_space<hbm>>) target(%dma_start3A_491 : memref<1024xf32, #tpu.memory_space<vmem>>) target_semaphore(%arg13 : memref<!tpu.dma_semaphore, #tpu.memory_space<semaphore_mem>>)
    %lt3A_495 = arith.constant 16 : i32
    %lt3A_496 = arith.cmpi slt, %select_n3A_407, %lt3A_495 : i32
    %select_n3A_497 = arith.select %lt3A_496, %get3A_11, %get3A_23 : vector<16xf32>
    %jit3A_498 = arith.constant 16 : i32
    %eq3A_499 = arith.constant 0 : i32
    %eq3A_500 = arith.cmpi eq, %jit3A_498, %eq3A_499 : i32
    %jit3A_501 = arith.constant 1 : i32
    %select_n3A_502 = arith.select %eq3A_500, %jit3A_501, %jit3A_498 : i32
    %rem3A_503 = arith.remsi %select_n3A_407, %select_n3A_502 : i32
    %ne3A_504 = arith.constant 0 : i32
    %ne3A_505 = arith.cmpi ne, %rem3A_503, %ne3A_504 : i32
    %lt3A_506 = arith.constant 0 : i32
    %lt3A_507 = arith.cmpi slt, %rem3A_503, %lt3A_506 : i32
    %lt3A_508 = arith.constant 0 : i32
    %lt3A_509 = arith.cmpi slt, %select_n3A_502, %lt3A_508 : i32
    %ne3A_510 = arith.xori %lt3A_507, %lt3A_509 : i1
    %and3A_511 = arith.andi %ne3A_510, %ne3A_505 : i1
    %add3A_512 = arith.addi %rem3A_503, %select_n3A_502 : i32
    %select_n3A_513 = arith.select %and3A_511, %add3A_512, %rem3A_503 : i32
    %eq3A_514 = vector.broadcast %select_n3A_513 : i32 to vector<16xi32>
    %eq3A_515 = arith.cmpi eq, %iota3A, %eq3A_514 : vector<16xi32>
    %jit3A_516 = arith.constant 0.000000e+00 : f32
    %broadcast_in_dim3A_517 = vector.broadcast %jit3A_516 : f32 to vector<16xf32>
    %select_n3A_518 = arith.select %eq3A_515, %select_n3A_497, %broadcast_in_dim3A_517 : vector<16xi1>, vector<16xf32>
    %reduce_sum3A_519 = arith.constant true
    %reduce_sum3A_520 = vector.broadcast %reduce_sum3A_519 : i1 to vector<16xi1>
    %reduce_sum3A_521 = tpu.scan <sum>, %select_n3A_518 masked %reduce_sum3A_520 : vector<16xf32>, vector<16xi1> -> vector<16xf32>
    %reduce_sum3A_522 = vector.extract %reduce_sum3A_521[15] : f32 from vector<16xf32>
    %dma_wait3A_523 = arith.constant 2 : i32
    %dma_wait3A_524 = arith.constant 32 : i32
    %dma_wait3A_525 = tpu.memref_slice %arg9[%dma_wait3A_524] : memref<144xi32, #tpu.memory_space<vmem>> -> memref<16xi32, #tpu.memory_space<vmem>>
    %dma_wait3A_526 = tpu.memref_slice %arg3[%dma_wait3A_523, %multiple_of3A] : memref<3x13776xi32, #tpu.memory_space<hbm>> -> memref<1x16xi32, #tpu.memory_space<hbm>>
    %dma_wait3A_527 = tpu.memref_squeeze %dma_wait3A_526 : memref<1x16xi32, #tpu.memory_space<hbm>> -> memref<16xi32, #tpu.memory_space<hbm>>
    %dma_wait3A_528 = arith.constant 32 : i32
    %dma_wait3A_529 = tpu.memref_slice %arg9[%dma_wait3A_528] : memref<144xi32, #tpu.memory_space<vmem>> -> memref<16xi32, #tpu.memory_space<vmem>>
    %dma_wait3A_530 = tpu.memref_slice %arg3[%dma_wait3A_523, %multiple_of3A] : memref<3x13776xi32, #tpu.memory_space<hbm>> -> memref<1x16xi32, #tpu.memory_space<hbm>>
    %dma_wait3A_531 = tpu.memref_squeeze %dma_wait3A_530 : memref<1x16xi32, #tpu.memory_space<hbm>> -> memref<16xi32, #tpu.memory_space<hbm>>
    tpu.wait_dma2 semaphore(%arg12 : memref<!tpu.dma_semaphore, #tpu.memory_space<semaphore_mem>>) src(%dma_wait3A_531 : memref<16xi32, #tpu.memory_space<hbm>>) dst(%dma_wait3A_529 : memref<16xi32, #tpu.memory_space<vmem>>)
    %get3A_532 = arith.constant 32 : index
    %get3A_533 = tpu.vector_load %arg9[%get3A_532] {strides = array<i32>} : memref<144xi32, #tpu.memory_space<vmem>>, vector<16xi32>,
    %eq3A_534 = vector.broadcast %select_n3A_113 : i32 to vector<16xi32>
    %eq3A_535 = arith.cmpi eq, %iota3A, %eq3A_534 : vector<16xi32>
    %jit3A_536 = arith.constant 0 : i32
    %broadcast_in_dim3A_537 = vector.broadcast %jit3A_536 : i32 to vector<16xi32>
    %select_n3A_538 = arith.select %eq3A_535, %get3A_533, %broadcast_in_dim3A_537 : vector<16xi1>, vector<16xi32>
    %reduce_sum3A_539 = arith.constant true
    %reduce_sum3A_540 = vector.broadcast %reduce_sum3A_539 : i1 to vector<16xi1>
    %reduce_sum3A_541 = tpu.scan <sum>, %select_n3A_538 masked %reduce_sum3A_540 : vector<16xi32>, vector<16xi1> -> vector<16xi32>
    %reduce_sum3A_542 = vector.extract %reduce_sum3A_541[15] : i32 from vector<16xi32>
    %dma_start3A_543 = arith.constant 2048 : i32
    %dma_start3A_544 = tpu.memref_slice %arg10[%dma_start3A_543] : memref<9216xf32, #tpu.memory_space<vmem>> -> memref<1024xf32, #tpu.memory_space<vmem>>
    %dma_start3A_545 = arith.constant 0 : i32
    %dma_start3A_546 = tpu.memref_slice %arg2[%select_n3A_391, %reduce_sum3A_542, %dma_start3A_545] : memref<3x6890x1024xf32, #tpu.memory_space<hbm>> -> memref<1x1x1024xf32, #tpu.memory_space<hbm>>
    %dma_start3A_547 = tpu.memref_squeeze %dma_start3A_546 : memref<1x1x1024xf32, #tpu.memory_space<hbm>> -> memref<1024xf32, #tpu.memory_space<hbm>>
    %dma_start3A_548 = arith.constant 2048 : i32
    %dma_start3A_549 = tpu.memref_slice %arg10[%dma_start3A_548] : memref<9216xf32, #tpu.memory_space<vmem>> -> memref<1024xf32, #tpu.memory_space<vmem>>
    %dma_start3A_550 = arith.constant 0 : i32
    %dma_start3A_551 = tpu.memref_slice %arg2[%select_n3A_391, %reduce_sum3A_542, %dma_start3A_550] : memref<3x6890x1024xf32, #tpu.memory_space<hbm>> -> memref<1x1x1024xf32, #tpu.memory_space<hbm>>
    %dma_start3A_552 = tpu.memref_squeeze %dma_start3A_551 : memref<1x1x1024xf32, #tpu.memory_space<hbm>> -> memref<1024xf32, #tpu.memory_space<hbm>>
    tpu.enqueue_dma source(%dma_start3A_552 : memref<1024xf32, #tpu.memory_space<hbm>>) target(%dma_start3A_549 : memref<1024xf32, #tpu.memory_space<vmem>>) target_semaphore(%arg13 : memref<!tpu.dma_semaphore, #tpu.memory_space<semaphore_mem>>)
    %lt3A_553 = arith.constant 16 : i32
    %lt3A_554 = arith.cmpi slt, %select_n3A_407, %lt3A_553 : i32
    %select_n3A_555 = arith.select %lt3A_554, %get3A_15, %get3A_27 : vector<16xf32>
    %jit3A_556 = arith.constant 16 : i32
    %eq3A_557 = arith.constant 0 : i32
    %eq3A_558 = arith.cmpi eq, %jit3A_556, %eq3A_557 : i32
    %jit3A_559 = arith.constant 1 : i32
    %select_n3A_560 = arith.select %eq3A_558, %jit3A_559, %jit3A_556 : i32
    %rem3A_561 = arith.remsi %select_n3A_407, %select_n3A_560 : i32
    %ne3A_562 = arith.constant 0 : i32
    %ne3A_563 = arith.cmpi ne, %rem3A_561, %ne3A_562 : i32
    %lt3A_564 = arith.constant 0 : i32
    %lt3A_565 = arith.cmpi slt, %rem3A_561, %lt3A_564 : i32
    %lt3A_566 = arith.constant 0 : i32
    %lt3A_567 = arith.cmpi slt, %select_n3A_560, %lt3A_566 : i32
    %ne3A_568 = arith.xori %lt3A_565, %lt3A_567 : i1
    %and3A_569 = arith.andi %ne3A_568, %ne3A_563 : i1
    %add3A_570 = arith.addi %rem3A_561, %select_n3A_560 : i32
    %select_n3A_571 = arith.select %and3A_569, %add3A_570, %rem3A_561 : i32
    %eq3A_572 = vector.broadcast %select_n3A_571 : i32 to vector<16xi32>
    %eq3A_573 = arith.cmpi eq, %iota3A, %eq3A_572 : vector<16xi32>
    %jit3A_574 = arith.constant 0.000000e+00 : f32
    %broadcast_in_dim3A_575 = vector.broadcast %jit3A_574 : f32 to vector<16xf32>
    %select_n3A_576 = arith.select %eq3A_573, %select_n3A_555, %broadcast_in_dim3A_575 : vector<16xi1>, vector<16xf32>
    %reduce_sum3A_577 = arith.constant true
    %reduce_sum3A_578 = vector.broadcast %reduce_sum3A_577 : i1 to vector<16xi1>
    %reduce_sum3A_579 = tpu.scan <sum>, %select_n3A_576 masked %reduce_sum3A_578 : vector<16xf32>, vector<16xi1> -> vector<16xf32>
    %reduce_sum3A_580 = vector.extract %reduce_sum3A_579[15] : f32 from vector<16xf32>
    %jit3A_581 = arith.constant 32 : i32
    %div3A_582 = arith.divsi %add3A_35, %jit3A_581 : i32
    %sign3A_583 = arith.constant 0 : i32
    %sign3A_584 = arith.cmpi sgt, %add3A_35, %sign3A_583 : i32
    %sign3A_585 = arith.extui %sign3A_584 : i1 to i32
    %sign3A_586 = arith.constant 0 : i32
    %sign3A_587 = arith.cmpi slt, %add3A_35, %sign3A_586 : i32
    %sign3A_588 = arith.extui %sign3A_587 : i1 to i32
    %sign3A_589 = arith.subi %sign3A_585, %sign3A_588 : i32
    %sign3A_590 = arith.constant 0 : i32
    %sign3A_591 = arith.cmpi sgt, %jit3A_581, %sign3A_590 : i32
    %sign3A_592 = arith.extui %sign3A_591 : i1 to i32
    %sign3A_593 = arith.constant 0 : i32
    %sign3A_594 = arith.cmpi slt, %jit3A_581, %sign3A_593 : i32
    %sign3A_595 = arith.extui %sign3A_594 : i1 to i32
    %sign3A_596 = arith.subi %sign3A_592, %sign3A_595 : i32
    %ne3A_597 = arith.cmpi ne, %sign3A_589, %sign3A_596 : i32
    %rem3A_598 = arith.remsi %add3A_35, %jit3A_581 : i32
    %ne3A_599 = arith.constant 0 : i32
    %ne3A_600 = arith.cmpi ne, %rem3A_598, %ne3A_599 : i32
    %and3A_601 = arith.andi %ne3A_597, %ne3A_600 : i1
    %sub3A_602 = arith.constant 1 : i32
    %sub3A_603 = arith.subi %div3A_582, %sub3A_602 : i32
    %select_n3A_604 = arith.select %and3A_601, %sub3A_603, %div3A_582 : i32
    %jit3A_605 = arith.constant 32 : i32
    %eq3A_606 = arith.constant 0 : i32
    %eq3A_607 = arith.cmpi eq, %jit3A_605, %eq3A_606 : i32
    %jit3A_608 = arith.constant 1 : i32
    %select_n3A_609 = arith.select %eq3A_607, %jit3A_608, %jit3A_605 : i32
    %rem3A_610 = arith.remsi %add3A_35, %select_n3A_609 : i32
    %ne3A_611 = arith.constant 0 : i32
    %ne3A_612 = arith.cmpi ne, %rem3A_610, %ne3A_611 : i32
    %lt3A_613 = arith.constant 0 : i32
    %lt3A_614 = arith.cmpi slt, %rem3A_610, %lt3A_613 : i32
    %lt3A_615 = arith.constant 0 : i32
    %lt3A_616 = arith.cmpi slt, %select_n3A_609, %lt3A_615 : i32
    %ne3A_617 = arith.xori %lt3A_614, %lt3A_616 : i1
    %and3A_618 = arith.andi %ne3A_617, %ne3A_612 : i1
    %add3A_619 = arith.addi %rem3A_610, %select_n3A_609 : i32
    %select_n3A_620 = arith.select %and3A_618, %add3A_619, %rem3A_610 : i32
    %dma_wait3A_621 = arith.constant 0 : i32
    %dma_wait3A_622 = arith.constant 48 : i32
    %dma_wait3A_623 = tpu.memref_slice %arg9[%dma_wait3A_622] : memref<144xi32, #tpu.memory_space<vmem>> -> memref<16xi32, #tpu.memory_space<vmem>>
    %dma_wait3A_624 = tpu.memref_slice %arg3[%dma_wait3A_621, %multiple_of3A_210] : memref<3x13776xi32, #tpu.memory_space<hbm>> -> memref<1x16xi32, #tpu.memory_space<hbm>>
    %dma_wait3A_625 = tpu.memref_squeeze %dma_wait3A_624 : memref<1x16xi32, #tpu.memory_space<hbm>> -> memref<16xi32, #tpu.memory_space<hbm>>
    %dma_wait3A_626 = arith.constant 48 : i32
    %dma_wait3A_627 = tpu.memref_slice %arg9[%dma_wait3A_626] : memref<144xi32, #tpu.memory_space<vmem>> -> memref<16xi32, #tpu.memory_space<vmem>>
    %dma_wait3A_628 = tpu.memref_slice %arg3[%dma_wait3A_621, %multiple_of3A_210] : memref<3x13776xi32, #tpu.memory_space<hbm>> -> memref<1x16xi32, #tpu.memory_space<hbm>>
    %dma_wait3A_629 = tpu.memref_squeeze %dma_wait3A_628 : memref<1x16xi32, #tpu.memory_space<hbm>> -> memref<16xi32, #tpu.memory_space<hbm>>
    tpu.wait_dma2 semaphore(%arg12 : memref<!tpu.dma_semaphore, #tpu.memory_space<semaphore_mem>>) src(%dma_wait3A_629 : memref<16xi32, #tpu.memory_space<hbm>>) dst(%dma_wait3A_627 : memref<16xi32, #tpu.memory_space<vmem>>)
    %get3A_630 = arith.constant 48 : index
    %get3A_631 = tpu.vector_load %arg9[%get3A_630] {strides = array<i32>} : memref<144xi32, #tpu.memory_space<vmem>>, vector<16xi32>,
    %eq3A_632 = vector.broadcast %select_n3A_226 : i32 to vector<16xi32>
    %eq3A_633 = arith.cmpi eq, %iota3A, %eq3A_632 : vector<16xi32>
    %jit3A_634 = arith.constant 0 : i32
    %broadcast_in_dim3A_635 = vector.broadcast %jit3A_634 : i32 to vector<16xi32>
    %select_n3A_636 = arith.select %eq3A_633, %get3A_631, %broadcast_in_dim3A_635 : vector<16xi1>, vector<16xi32>
    %reduce_sum3A_637 = arith.constant true
    %reduce_sum3A_638 = vector.broadcast %reduce_sum3A_637 : i1 to vector<16xi1>
    %reduce_sum3A_639 = tpu.scan <sum>, %select_n3A_636 masked %reduce_sum3A_638 : vector<16xi32>, vector<16xi1> -> vector<16xi32>
    %reduce_sum3A_640 = vector.extract %reduce_sum3A_639[15] : i32 from vector<16xi32>
    %dma_start3A_641 = arith.constant 3072 : i32
    %dma_start3A_642 = tpu.memref_slice %arg10[%dma_start3A_641] : memref<9216xf32, #tpu.memory_space<vmem>> -> memref<1024xf32, #tpu.memory_space<vmem>>
    %dma_start3A_643 = arith.constant 0 : i32
    %dma_start3A_644 = tpu.memref_slice %arg2[%select_n3A_604, %reduce_sum3A_640, %dma_start3A_643] : memref<3x6890x1024xf32, #tpu.memory_space<hbm>> -> memref<1x1x1024xf32, #tpu.memory_space<hbm>>
    %dma_start3A_645 = tpu.memref_squeeze %dma_start3A_644 : memref<1x1x1024xf32, #tpu.memory_space<hbm>> -> memref<1024xf32, #tpu.memory_space<hbm>>
    %dma_start3A_646 = arith.constant 3072 : i32
    %dma_start3A_647 = tpu.memref_slice %arg10[%dma_start3A_646] : memref<9216xf32, #tpu.memory_space<vmem>> -> memref<1024xf32, #tpu.memory_space<vmem>>
    %dma_start3A_648 = arith.constant 0 : i32
    %dma_start3A_649 = tpu.memref_slice %arg2[%select_n3A_604, %reduce_sum3A_640, %dma_start3A_648] : memref<3x6890x1024xf32, #tpu.memory_space<hbm>> -> memref<1x1x1024xf32, #tpu.memory_space<hbm>>
    %dma_start3A_650 = tpu.memref_squeeze %dma_start3A_649 : memref<1x1x1024xf32, #tpu.memory_space<hbm>> -> memref<1024xf32, #tpu.memory_space<hbm>>
    tpu.enqueue_dma source(%dma_start3A_650 : memref<1024xf32, #tpu.memory_space<hbm>>) target(%dma_start3A_647 : memref<1024xf32, #tpu.memory_space<vmem>>) target_semaphore(%arg13 : memref<!tpu.dma_semaphore, #tpu.memory_space<semaphore_mem>>)
    %lt3A_651 = arith.constant 16 : i32
    %lt3A_652 = arith.cmpi slt, %select_n3A_620, %lt3A_651 : i32
    %select_n3A_653 = arith.select %lt3A_652, %get3A_7, %get3A_19 : vector<16xf32>
    %jit3A_654 = arith.constant 16 : i32
    %eq3A_655 = arith.constant 0 : i32
    %eq3A_656 = arith.cmpi eq, %jit3A_654, %eq3A_655 : i32
    %jit3A_657 = arith.constant 1 : i32
    %select_n3A_658 = arith.select %eq3A_656, %jit3A_657, %jit3A_654 : i32
    %rem3A_659 = arith.remsi %select_n3A_620, %select_n3A_658 : i32
    %ne3A_660 = arith.constant 0 : i32
    %ne3A_661 = arith.cmpi ne, %rem3A_659, %ne3A_660 : i32
    %lt3A_662 = arith.constant 0 : i32
    %lt3A_663 = arith.cmpi slt, %rem3A_659, %lt3A_662 : i32
    %lt3A_664 = arith.constant 0 : i32
    %lt3A_665 = arith.cmpi slt, %select_n3A_658, %lt3A_664 : i32
    %ne3A_666 = arith.xori %lt3A_663, %lt3A_665 : i1
    %and3A_667 = arith.andi %ne3A_666, %ne3A_661 : i1
    %add3A_668 = arith.addi %rem3A_659, %select_n3A_658 : i32
    %select_n3A_669 = arith.select %and3A_667, %add3A_668, %rem3A_659 : i32
    %eq3A_670 = vector.broadcast %select_n3A_669 : i32 to vector<16xi32>
    %eq3A_671 = arith.cmpi eq, %iota3A, %eq3A_670 : vector<16xi32>
    %jit3A_672 = arith.constant 0.000000e+00 : f32
    %broadcast_in_dim3A_673 = vector.broadcast %jit3A_672 : f32 to vector<16xf32>
    %select_n3A_674 = arith.select %eq3A_671, %select_n3A_653, %broadcast_in_dim3A_673 : vector<16xi1>, vector<16xf32>
    %reduce_sum3A_675 = arith.constant true
    %reduce_sum3A_676 = vector.broadcast %reduce_sum3A_675 : i1 to vector<16xi1>
    %reduce_sum3A_677 = tpu.scan <sum>, %select_n3A_674 masked %reduce_sum3A_676 : vector<16xf32>, vector<16xi1> -> vector<16xf32>
    %reduce_sum3A_678 = vector.extract %reduce_sum3A_677[15] : f32 from vector<16xf32>
    %dma_wait3A_679 = arith.constant 1 : i32
    %dma_wait3A_680 = arith.constant 64 : i32
    %dma_wait3A_681 = tpu.memref_slice %arg9[%dma_wait3A_680] : memref<144xi32, #tpu.memory_space<vmem>> -> memref<16xi32, #tpu.memory_space<vmem>>
    %dma_wait3A_682 = tpu.memref_slice %arg3[%dma_wait3A_679, %multiple_of3A_210] : memref<3x13776xi32, #tpu.memory_space<hbm>> -> memref<1x16xi32, #tpu.memory_space<hbm>>
    %dma_wait3A_683 = tpu.memref_squeeze %dma_wait3A_682 : memref<1x16xi32, #tpu.memory_space<hbm>> -> memref<16xi32, #tpu.memory_space<hbm>>
    %dma_wait3A_684 = arith.constant 64 : i32
    %dma_wait3A_685 = tpu.memref_slice %arg9[%dma_wait3A_684] : memref<144xi32, #tpu.memory_space<vmem>> -> memref<16xi32, #tpu.memory_space<vmem>>
    %dma_wait3A_686 = tpu.memref_slice %arg3[%dma_wait3A_679, %multiple_of3A_210] : memref<3x13776xi32, #tpu.memory_space<hbm>> -> memref<1x16xi32, #tpu.memory_space<hbm>>
    %dma_wait3A_687 = tpu.memref_squeeze %dma_wait3A_686 : memref<1x16xi32, #tpu.memory_space<hbm>> -> memref<16xi32, #tpu.memory_space<hbm>>
    tpu.wait_dma2 semaphore(%arg12 : memref<!tpu.dma_semaphore, #tpu.memory_space<semaphore_mem>>) src(%dma_wait3A_687 : memref<16xi32, #tpu.memory_space<hbm>>) dst(%dma_wait3A_685 : memref<16xi32, #tpu.memory_space<vmem>>)
    %get3A_688 = arith.constant 64 : index
    %get3A_689 = tpu.vector_load %arg9[%get3A_688] {strides = array<i32>} : memref<144xi32, #tpu.memory_space<vmem>>, vector<16xi32>,
    %eq3A_690 = vector.broadcast %select_n3A_226 : i32 to vector<16xi32>
    %eq3A_691 = arith.cmpi eq, %iota3A, %eq3A_690 : vector<16xi32>
    %jit3A_692 = arith.constant 0 : i32
    %broadcast_in_dim3A_693 = vector.broadcast %jit3A_692 : i32 to vector<16xi32>
    %select_n3A_694 = arith.select %eq3A_691, %get3A_689, %broadcast_in_dim3A_693 : vector<16xi1>, vector<16xi32>
    %reduce_sum3A_695 = arith.constant true
    %reduce_sum3A_696 = vector.broadcast %reduce_sum3A_695 : i1 to vector<16xi1>
    %reduce_sum3A_697 = tpu.scan <sum>, %select_n3A_694 masked %reduce_sum3A_696 : vector<16xi32>, vector<16xi1> -> vector<16xi32>
    %reduce_sum3A_698 = vector.extract %reduce_sum3A_697[15] : i32 from vector<16xi32>
    %dma_start3A_699 = arith.constant 4096 : i32
    %dma_start3A_700 = tpu.memref_slice %arg10[%dma_start3A_699] : memref<9216xf32, #tpu.memory_space<vmem>> -> memref<1024xf32, #tpu.memory_space<vmem>>
    %dma_start3A_701 = arith.constant 0 : i32
    %dma_start3A_702 = tpu.memref_slice %arg2[%select_n3A_604, %reduce_sum3A_698, %dma_start3A_701] : memref<3x6890x1024xf32, #tpu.memory_space<hbm>> -> memref<1x1x1024xf32, #tpu.memory_space<hbm>>
    %dma_start3A_703 = tpu.memref_squeeze %dma_start3A_702 : memref<1x1x1024xf32, #tpu.memory_space<hbm>> -> memref<1024xf32, #tpu.memory_space<hbm>>
    %dma_start3A_704 = arith.constant 4096 : i32
    %dma_start3A_705 = tpu.memref_slice %arg10[%dma_start3A_704] : memref<9216xf32, #tpu.memory_space<vmem>> -> memref<1024xf32, #tpu.memory_space<vmem>>
    %dma_start3A_706 = arith.constant 0 : i32
    %dma_start3A_707 = tpu.memref_slice %arg2[%select_n3A_604, %reduce_sum3A_698, %dma_start3A_706] : memref<3x6890x1024xf32, #tpu.memory_space<hbm>> -> memref<1x1x1024xf32, #tpu.memory_space<hbm>>
    %dma_start3A_708 = tpu.memref_squeeze %dma_start3A_707 : memref<1x1x1024xf32, #tpu.memory_space<hbm>> -> memref<1024xf32, #tpu.memory_space<hbm>>
    tpu.enqueue_dma source(%dma_start3A_708 : memref<1024xf32, #tpu.memory_space<hbm>>) target(%dma_start3A_705 : memref<1024xf32, #tpu.memory_space<vmem>>) target_semaphore(%arg13 : memref<!tpu.dma_semaphore, #tpu.memory_space<semaphore_mem>>)
    %lt3A_709 = arith.constant 16 : i32
    %lt3A_710 = arith.cmpi slt, %select_n3A_620, %lt3A_709 : i32
    %select_n3A_711 = arith.select %lt3A_710, %get3A_11, %get3A_23 : vector<16xf32>
    %jit3A_712 = arith.constant 16 : i32
    %eq3A_713 = arith.constant 0 : i32
    %eq3A_714 = arith.cmpi eq, %jit3A_712, %eq3A_713 : i32
    %jit3A_715 = arith.constant 1 : i32
    %select_n3A_716 = arith.select %eq3A_714, %jit3A_715, %jit3A_712 : i32
    %rem3A_717 = arith.remsi %select_n3A_620, %select_n3A_716 : i32
    %ne3A_718 = arith.constant 0 : i32
    %ne3A_719 = arith.cmpi ne, %rem3A_717, %ne3A_718 : i32
    %lt3A_720 = arith.constant 0 : i32
    %lt3A_721 = arith.cmpi slt, %rem3A_717, %lt3A_720 : i32
    %lt3A_722 = arith.constant 0 : i32
    %lt3A_723 = arith.cmpi slt, %select_n3A_716, %lt3A_722 : i32
    %ne3A_724 = arith.xori %lt3A_721, %lt3A_723 : i1
    %and3A_725 = arith.andi %ne3A_724, %ne3A_719 : i1
    %add3A_726 = arith.addi %rem3A_717, %select_n3A_716 : i32
    %select_n3A_727 = arith.select %and3A_725, %add3A_726, %rem3A_717 : i32
    %eq3A_728 = vector.broadcast %select_n3A_727 : i32 to vector<16xi32>
    %eq3A_729 = arith.cmpi eq, %iota3A, %eq3A_728 : vector<16xi32>
    %jit3A_730 = arith.constant 0.000000e+00 : f32
    %broadcast_in_dim3A_731 = vector.broadcast %jit3A_730 : f32 to vector<16xf32>
    %select_n3A_732 = arith.select %eq3A_729, %select_n3A_711, %broadcast_in_dim3A_731 : vector<16xi1>, vector<16xf32>
    %reduce_sum3A_733 = arith.constant true
    %reduce_sum3A_734 = vector.broadcast %reduce_sum3A_733 : i1 to vector<16xi1>
    %reduce_sum3A_735 = tpu.scan <sum>, %select_n3A_732 masked %reduce_sum3A_734 : vector<16xf32>, vector<16xi1> -> vector<16xf32>
    %reduce_sum3A_736 = vector.extract %reduce_sum3A_735[15] : f32 from vector<16xf32>
    %dma_wait3A_737 = arith.constant 2 : i32
    %dma_wait3A_738 = arith.constant 80 : i32
    %dma_wait3A_739 = tpu.memref_slice %arg9[%dma_wait3A_738] : memref<144xi32, #tpu.memory_space<vmem>> -> memref<16xi32, #tpu.memory_space<vmem>>
    %dma_wait3A_740 = tpu.memref_slice %arg3[%dma_wait3A_737, %multiple_of3A_210] : memref<3x13776xi32, #tpu.memory_space<hbm>> -> memref<1x16xi32, #tpu.memory_space<hbm>>
    %dma_wait3A_741 = tpu.memref_squeeze %dma_wait3A_740 : memref<1x16xi32, #tpu.memory_space<hbm>> -> memref<16xi32, #tpu.memory_space<hbm>>
    %dma_wait3A_742 = arith.constant 80 : i32
    %dma_wait3A_743 = tpu.memref_slice %arg9[%dma_wait3A_742] : memref<144xi32, #tpu.memory_space<vmem>> -> memref<16xi32, #tpu.memory_space<vmem>>
    %dma_wait3A_744 = tpu.memref_slice %arg3[%dma_wait3A_737, %multiple_of3A_210] : memref<3x13776xi32, #tpu.memory_space<hbm>> -> memref<1x16xi32, #tpu.memory_space<hbm>>
    %dma_wait3A_745 = tpu.memref_squeeze %dma_wait3A_744 : memref<1x16xi32, #tpu.memory_space<hbm>> -> memref<16xi32, #tpu.memory_space<hbm>>
    tpu.wait_dma2 semaphore(%arg12 : memref<!tpu.dma_semaphore, #tpu.memory_space<semaphore_mem>>) src(%dma_wait3A_745 : memref<16xi32, #tpu.memory_space<hbm>>) dst(%dma_wait3A_743 : memref<16xi32, #tpu.memory_space<vmem>>)
    %get3A_746 = arith.constant 80 : index
    %get3A_747 = tpu.vector_load %arg9[%get3A_746] {strides = array<i32>} : memref<144xi32, #tpu.memory_space<vmem>>, vector<16xi32>,
    %eq3A_748 = vector.broadcast %select_n3A_226 : i32 to vector<16xi32>
    %eq3A_749 = arith.cmpi eq, %iota3A, %eq3A_748 : vector<16xi32>
    %jit3A_750 = arith.constant 0 : i32
    %broadcast_in_dim3A_751 = vector.broadcast %jit3A_750 : i32 to vector<16xi32>
    %select_n3A_752 = arith.select %eq3A_749, %get3A_747, %broadcast_in_dim3A_751 : vector<16xi1>, vector<16xi32>
    %reduce_sum3A_753 = arith.constant true
    %reduce_sum3A_754 = vector.broadcast %reduce_sum3A_753 : i1 to vector<16xi1>
    %reduce_sum3A_755 = tpu.scan <sum>, %select_n3A_752 masked %reduce_sum3A_754 : vector<16xi32>, vector<16xi1> -> vector<16xi32>
    %reduce_sum3A_756 = vector.extract %reduce_sum3A_755[15] : i32 from vector<16xi32>
    %dma_start3A_757 = arith.constant 5120 : i32
    %dma_start3A_758 = tpu.memref_slice %arg10[%dma_start3A_757] : memref<9216xf32, #tpu.memory_space<vmem>> -> memref<1024xf32, #tpu.memory_space<vmem>>
    %dma_start3A_759 = arith.constant 0 : i32
    %dma_start3A_760 = tpu.memref_slice %arg2[%select_n3A_604, %reduce_sum3A_756, %dma_start3A_759] : memref<3x6890x1024xf32, #tpu.memory_space<hbm>> -> memref<1x1x1024xf32, #tpu.memory_space<hbm>>
    %dma_start3A_761 = tpu.memref_squeeze %dma_start3A_760 : memref<1x1x1024xf32, #tpu.memory_space<hbm>> -> memref<1024xf32, #tpu.memory_space<hbm>>
    %dma_start3A_762 = arith.constant 5120 : i32
    %dma_start3A_763 = tpu.memref_slice %arg10[%dma_start3A_762] : memref<9216xf32, #tpu.memory_space<vmem>> -> memref<1024xf32, #tpu.memory_space<vmem>>
    %dma_start3A_764 = arith.constant 0 : i32
    %dma_start3A_765 = tpu.memref_slice %arg2[%select_n3A_604, %reduce_sum3A_756, %dma_start3A_764] : memref<3x6890x1024xf32, #tpu.memory_space<hbm>> -> memref<1x1x1024xf32, #tpu.memory_space<hbm>>
    %dma_start3A_766 = tpu.memref_squeeze %dma_start3A_765 : memref<1x1x1024xf32, #tpu.memory_space<hbm>> -> memref<1024xf32, #tpu.memory_space<hbm>>
    tpu.enqueue_dma source(%dma_start3A_766 : memref<1024xf32, #tpu.memory_space<hbm>>) target(%dma_start3A_763 : memref<1024xf32, #tpu.memory_space<vmem>>) target_semaphore(%arg13 : memref<!tpu.dma_semaphore, #tpu.memory_space<semaphore_mem>>)
    %lt3A_767 = arith.constant 16 : i32
    %lt3A_768 = arith.cmpi slt, %select_n3A_620, %lt3A_767 : i32
    %select_n3A_769 = arith.select %lt3A_768, %get3A_15, %get3A_27 : vector<16xf32>
    %jit3A_770 = arith.constant 16 : i32
    %eq3A_771 = arith.constant 0 : i32
    %eq3A_772 = arith.cmpi eq, %jit3A_770, %eq3A_771 : i32
    %jit3A_773 = arith.constant 1 : i32
    %select_n3A_774 = arith.select %eq3A_772, %jit3A_773, %jit3A_770 : i32
    %rem3A_775 = arith.remsi %select_n3A_620, %select_n3A_774 : i32
    %ne3A_776 = arith.constant 0 : i32
    %ne3A_777 = arith.cmpi ne, %rem3A_775, %ne3A_776 : i32
    %lt3A_778 = arith.constant 0 : i32
    %lt3A_779 = arith.cmpi slt, %rem3A_775, %lt3A_778 : i32
    %lt3A_780 = arith.constant 0 : i32
    %lt3A_781 = arith.cmpi slt, %select_n3A_774, %lt3A_780 : i32
    %ne3A_782 = arith.xori %lt3A_779, %lt3A_781 : i1
    %and3A_783 = arith.andi %ne3A_782, %ne3A_777 : i1
    %add3A_784 = arith.addi %rem3A_775, %select_n3A_774 : i32
    %select_n3A_785 = arith.select %and3A_783, %add3A_784, %rem3A_775 : i32
    %eq3A_786 = vector.broadcast %select_n3A_785 : i32 to vector<16xi32>
    %eq3A_787 = arith.cmpi eq, %iota3A, %eq3A_786 : vector<16xi32>
    %jit3A_788 = arith.constant 0.000000e+00 : f32
    %broadcast_in_dim3A_789 = vector.broadcast %jit3A_788 : f32 to vector<16xf32>
    %select_n3A_790 = arith.select %eq3A_787, %select_n3A_769, %broadcast_in_dim3A_789 : vector<16xi1>, vector<16xf32>
    %reduce_sum3A_791 = arith.constant true
    %reduce_sum3A_792 = vector.broadcast %reduce_sum3A_791 : i1 to vector<16xi1>
    %reduce_sum3A_793 = tpu.scan <sum>, %select_n3A_790 masked %reduce_sum3A_792 : vector<16xf32>, vector<16xi1> -> vector<16xf32>
    %reduce_sum3A_794 = vector.extract %reduce_sum3A_793[15] : f32 from vector<16xf32>
    %jit3A_795 = arith.constant 32 : i32
    %div3A_796 = arith.divsi %add3A_39, %jit3A_795 : i32
    %sign3A_797 = arith.constant 0 : i32
    %sign3A_798 = arith.cmpi sgt, %add3A_39, %sign3A_797 : i32
    %sign3A_799 = arith.extui %sign3A_798 : i1 to i32
    %sign3A_800 = arith.constant 0 : i32
    %sign3A_801 = arith.cmpi slt, %add3A_39, %sign3A_800 : i32
    %sign3A_802 = arith.extui %sign3A_801 : i1 to i32
    %sign3A_803 = arith.subi %sign3A_799, %sign3A_802 : i32
    %sign3A_804 = arith.constant 0 : i32
    %sign3A_805 = arith.cmpi sgt, %jit3A_795, %sign3A_804 : i32
    %sign3A_806 = arith.extui %sign3A_805 : i1 to i32
    %sign3A_807 = arith.constant 0 : i32
    %sign3A_808 = arith.cmpi slt, %jit3A_795, %sign3A_807 : i32
    %sign3A_809 = arith.extui %sign3A_808 : i1 to i32
    %sign3A_810 = arith.subi %sign3A_806, %sign3A_809 : i32
    %ne3A_811 = arith.cmpi ne, %sign3A_803, %sign3A_810 : i32
    %rem3A_812 = arith.remsi %add3A_39, %jit3A_795 : i32
    %ne3A_813 = arith.constant 0 : i32
    %ne3A_814 = arith.cmpi ne, %rem3A_812, %ne3A_813 : i32
    %and3A_815 = arith.andi %ne3A_811, %ne3A_814 : i1
    %sub3A_816 = arith.constant 1 : i32
    %sub3A_817 = arith.subi %div3A_796, %sub3A_816 : i32
    %select_n3A_818 = arith.select %and3A_815, %sub3A_817, %div3A_796 : i32
    %jit3A_819 = arith.constant 32 : i32
    %eq3A_820 = arith.constant 0 : i32
    %eq3A_821 = arith.cmpi eq, %jit3A_819, %eq3A_820 : i32
    %jit3A_822 = arith.constant 1 : i32
    %select_n3A_823 = arith.select %eq3A_821, %jit3A_822, %jit3A_819 : i32
    %rem3A_824 = arith.remsi %add3A_39, %select_n3A_823 : i32
    %ne3A_825 = arith.constant 0 : i32
    %ne3A_826 = arith.cmpi ne, %rem3A_824, %ne3A_825 : i32
    %lt3A_827 = arith.constant 0 : i32
    %lt3A_828 = arith.cmpi slt, %rem3A_824, %lt3A_827 : i32
    %lt3A_829 = arith.constant 0 : i32
    %lt3A_830 = arith.cmpi slt, %select_n3A_823, %lt3A_829 : i32
    %ne3A_831 = arith.xori %lt3A_828, %lt3A_830 : i1
    %and3A_832 = arith.andi %ne3A_831, %ne3A_826 : i1
    %add3A_833 = arith.addi %rem3A_824, %select_n3A_823 : i32
    %select_n3A_834 = arith.select %and3A_832, %add3A_833, %rem3A_824 : i32
    %dma_wait3A_835 = arith.constant 0 : i32
    %dma_wait3A_836 = arith.constant 96 : i32
    %dma_wait3A_837 = tpu.memref_slice %arg9[%dma_wait3A_836] : memref<144xi32, #tpu.memory_space<vmem>> -> memref<16xi32, #tpu.memory_space<vmem>>
    %dma_wait3A_838 = tpu.memref_slice %arg3[%dma_wait3A_835, %multiple_of3A_324] : memref<3x13776xi32, #tpu.memory_space<hbm>> -> memref<1x16xi32, #tpu.memory_space<hbm>>
    %dma_wait3A_839 = tpu.memref_squeeze %dma_wait3A_838 : memref<1x16xi32, #tpu.memory_space<hbm>> -> memref<16xi32, #tpu.memory_space<hbm>>
    %dma_wait3A_840 = arith.constant 96 : i32
    %dma_wait3A_841 = tpu.memref_slice %arg9[%dma_wait3A_840] : memref<144xi32, #tpu.memory_space<vmem>> -> memref<16xi32, #tpu.memory_space<vmem>>
    %dma_wait3A_842 = tpu.memref_slice %arg3[%dma_wait3A_835, %multiple_of3A_324] : memref<3x13776xi32, #tpu.memory_space<hbm>> -> memref<1x16xi32, #tpu.memory_space<hbm>>
    %dma_wait3A_843 = tpu.memref_squeeze %dma_wait3A_842 : memref<1x16xi32, #tpu.memory_space<hbm>> -> memref<16xi32, #tpu.memory_space<hbm>>
    tpu.wait_dma2 semaphore(%arg12 : memref<!tpu.dma_semaphore, #tpu.memory_space<semaphore_mem>>) src(%dma_wait3A_843 : memref<16xi32, #tpu.memory_space<hbm>>) dst(%dma_wait3A_841 : memref<16xi32, #tpu.memory_space<vmem>>)
    %get3A_844 = arith.constant 96 : index
    %get3A_845 = tpu.vector_load %arg9[%get3A_844] {strides = array<i32>} : memref<144xi32, #tpu.memory_space<vmem>>, vector<16xi32>,
    %eq3A_846 = vector.broadcast %select_n3A_340 : i32 to vector<16xi32>
    %eq3A_847 = arith.cmpi eq, %iota3A, %eq3A_846 : vector<16xi32>
    %jit3A_848 = arith.constant 0 : i32
    %broadcast_in_dim3A_849 = vector.broadcast %jit3A_848 : i32 to vector<16xi32>
    %select_n3A_850 = arith.select %eq3A_847, %get3A_845, %broadcast_in_dim3A_849 : vector<16xi1>, vector<16xi32>
    %reduce_sum3A_851 = arith.constant true
    %reduce_sum3A_852 = vector.broadcast %reduce_sum3A_851 : i1 to vector<16xi1>
    %reduce_sum3A_853 = tpu.scan <sum>, %select_n3A_850 masked %reduce_sum3A_852 : vector<16xi32>, vector<16xi1> -> vector<16xi32>
    %reduce_sum3A_854 = vector.extract %reduce_sum3A_853[15] : i32 from vector<16xi32>
    %dma_start3A_855 = arith.constant 6144 : i32
    %dma_start3A_856 = tpu.memref_slice %arg10[%dma_start3A_855] : memref<9216xf32, #tpu.memory_space<vmem>> -> memref<1024xf32, #tpu.memory_space<vmem>>
    %dma_start3A_857 = arith.constant 0 : i32
    %dma_start3A_858 = tpu.memref_slice %arg2[%select_n3A_818, %reduce_sum3A_854, %dma_start3A_857] : memref<3x6890x1024xf32, #tpu.memory_space<hbm>> -> memref<1x1x1024xf32, #tpu.memory_space<hbm>>
    %dma_start3A_859 = tpu.memref_squeeze %dma_start3A_858 : memref<1x1x1024xf32, #tpu.memory_space<hbm>> -> memref<1024xf32, #tpu.memory_space<hbm>>
    %dma_start3A_860 = arith.constant 6144 : i32
    %dma_start3A_861 = tpu.memref_slice %arg10[%dma_start3A_860] : memref<9216xf32, #tpu.memory_space<vmem>> -> memref<1024xf32, #tpu.memory_space<vmem>>
    %dma_start3A_862 = arith.constant 0 : i32
    %dma_start3A_863 = tpu.memref_slice %arg2[%select_n3A_818, %reduce_sum3A_854, %dma_start3A_862] : memref<3x6890x1024xf32, #tpu.memory_space<hbm>> -> memref<1x1x1024xf32, #tpu.memory_space<hbm>>
    %dma_start3A_864 = tpu.memref_squeeze %dma_start3A_863 : memref<1x1x1024xf32, #tpu.memory_space<hbm>> -> memref<1024xf32, #tpu.memory_space<hbm>>
    tpu.enqueue_dma source(%dma_start3A_864 : memref<1024xf32, #tpu.memory_space<hbm>>) target(%dma_start3A_861 : memref<1024xf32, #tpu.memory_space<vmem>>) target_semaphore(%arg13 : memref<!tpu.dma_semaphore, #tpu.memory_space<semaphore_mem>>)
    %lt3A_865 = arith.constant 16 : i32
    %lt3A_866 = arith.cmpi slt, %select_n3A_834, %lt3A_865 : i32
    %select_n3A_867 = arith.select %lt3A_866, %get3A_7, %get3A_19 : vector<16xf32>
    %jit3A_868 = arith.constant 16 : i32
    %eq3A_869 = arith.constant 0 : i32
    %eq3A_870 = arith.cmpi eq, %jit3A_868, %eq3A_869 : i32
    %jit3A_871 = arith.constant 1 : i32
    %select_n3A_872 = arith.select %eq3A_870, %jit3A_871, %jit3A_868 : i32
    %rem3A_873 = arith.remsi %select_n3A_834, %select_n3A_872 : i32
    %ne3A_874 = arith.constant 0 : i32
    %ne3A_875 = arith.cmpi ne, %rem3A_873, %ne3A_874 : i32
    %lt3A_876 = arith.constant 0 : i32
    %lt3A_877 = arith.cmpi slt, %rem3A_873, %lt3A_876 : i32
    %lt3A_878 = arith.constant 0 : i32
    %lt3A_879 = arith.cmpi slt, %select_n3A_872, %lt3A_878 : i32
    %ne3A_880 = arith.xori %lt3A_877, %lt3A_879 : i1
    %and3A_881 = arith.andi %ne3A_880, %ne3A_875 : i1
    %add3A_882 = arith.addi %rem3A_873, %select_n3A_872 : i32
    %select_n3A_883 = arith.select %and3A_881, %add3A_882, %rem3A_873 : i32
    %eq3A_884 = vector.broadcast %select_n3A_883 : i32 to vector<16xi32>
    %eq3A_885 = arith.cmpi eq, %iota3A, %eq3A_884 : vector<16xi32>
    %jit3A_886 = arith.constant 0.000000e+00 : f32
    %broadcast_in_dim3A_887 = vector.broadcast %jit3A_886 : f32 to vector<16xf32>
    %select_n3A_888 = arith.select %eq3A_885, %select_n3A_867, %broadcast_in_dim3A_887 : vector<16xi1>, vector<16xf32>
    %reduce_sum3A_889 = arith.constant true
    %reduce_sum3A_890 = vector.broadcast %reduce_sum3A_889 : i1 to vector<16xi1>
    %reduce_sum3A_891 = tpu.scan <sum>, %select_n3A_888 masked %reduce_sum3A_890 : vector<16xf32>, vector<16xi1> -> vector<16xf32>
    %reduce_sum3A_892 = vector.extract %reduce_sum3A_891[15] : f32 from vector<16xf32>
    %dma_wait3A_893 = arith.constant 1 : i32
    %dma_wait3A_894 = arith.constant 112 : i32
    %dma_wait3A_895 = tpu.memref_slice %arg9[%dma_wait3A_894] : memref<144xi32, #tpu.memory_space<vmem>> -> memref<16xi32, #tpu.memory_space<vmem>>
    %dma_wait3A_896 = tpu.memref_slice %arg3[%dma_wait3A_893, %multiple_of3A_324] : memref<3x13776xi32, #tpu.memory_space<hbm>> -> memref<1x16xi32, #tpu.memory_space<hbm>>
    %dma_wait3A_897 = tpu.memref_squeeze %dma_wait3A_896 : memref<1x16xi32, #tpu.memory_space<hbm>> -> memref<16xi32, #tpu.memory_space<hbm>>
    %dma_wait3A_898 = arith.constant 112 : i32
    %dma_wait3A_899 = tpu.memref_slice %arg9[%dma_wait3A_898] : memref<144xi32, #tpu.memory_space<vmem>> -> memref<16xi32, #tpu.memory_space<vmem>>
    %dma_wait3A_900 = tpu.memref_slice %arg3[%dma_wait3A_893, %multiple_of3A_324] : memref<3x13776xi32, #tpu.memory_space<hbm>> -> memref<1x16xi32, #tpu.memory_space<hbm>>
    %dma_wait3A_901 = tpu.memref_squeeze %dma_wait3A_900 : memref<1x16xi32, #tpu.memory_space<hbm>> -> memref<16xi32, #tpu.memory_space<hbm>>
    tpu.wait_dma2 semaphore(%arg12 : memref<!tpu.dma_semaphore, #tpu.memory_space<semaphore_mem>>) src(%dma_wait3A_901 : memref<16xi32, #tpu.memory_space<hbm>>) dst(%dma_wait3A_899 : memref<16xi32, #tpu.memory_space<vmem>>)
    %get3A_902 = arith.constant 112 : index
    %get3A_903 = tpu.vector_load %arg9[%get3A_902] {strides = array<i32>} : memref<144xi32, #tpu.memory_space<vmem>>, vector<16xi32>,
    %eq3A_904 = vector.broadcast %select_n3A_340 : i32 to vector<16xi32>
    %eq3A_905 = arith.cmpi eq, %iota3A, %eq3A_904 : vector<16xi32>
    %jit3A_906 = arith.constant 0 : i32
    %broadcast_in_dim3A_907 = vector.broadcast %jit3A_906 : i32 to vector<16xi32>
    %select_n3A_908 = arith.select %eq3A_905, %get3A_903, %broadcast_in_dim3A_907 : vector<16xi1>, vector<16xi32>
    %reduce_sum3A_909 = arith.constant true
    %reduce_sum3A_910 = vector.broadcast %reduce_sum3A_909 : i1 to vector<16xi1>
    %reduce_sum3A_911 = tpu.scan <sum>, %select_n3A_908 masked %reduce_sum3A_910 : vector<16xi32>, vector<16xi1> -> vector<16xi32>
    %reduce_sum3A_912 = vector.extract %reduce_sum3A_911[15] : i32 from vector<16xi32>
    %dma_start3A_913 = arith.constant 7168 : i32
    %dma_start3A_914 = tpu.memref_slice %arg10[%dma_start3A_913] : memref<9216xf32, #tpu.memory_space<vmem>> -> memref<1024xf32, #tpu.memory_space<vmem>>
    %dma_start3A_915 = arith.constant 0 : i32
    %dma_start3A_916 = tpu.memref_slice %arg2[%select_n3A_818, %reduce_sum3A_912, %dma_start3A_915] : memref<3x6890x1024xf32, #tpu.memory_space<hbm>> -> memref<1x1x1024xf32, #tpu.memory_space<hbm>>
    %dma_start3A_917 = tpu.memref_squeeze %dma_start3A_916 : memref<1x1x1024xf32, #tpu.memory_space<hbm>> -> memref<1024xf32, #tpu.memory_space<hbm>>
    %dma_start3A_918 = arith.constant 7168 : i32
    %dma_start3A_919 = tpu.memref_slice %arg10[%dma_start3A_918] : memref<9216xf32, #tpu.memory_space<vmem>> -> memref<1024xf32, #tpu.memory_space<vmem>>
    %dma_start3A_920 = arith.constant 0 : i32
    %dma_start3A_921 = tpu.memref_slice %arg2[%select_n3A_818, %reduce_sum3A_912, %dma_start3A_920] : memref<3x6890x1024xf32, #tpu.memory_space<hbm>> -> memref<1x1x1024xf32, #tpu.memory_space<hbm>>
    %dma_start3A_922 = tpu.memref_squeeze %dma_start3A_921 : memref<1x1x1024xf32, #tpu.memory_space<hbm>> -> memref<1024xf32, #tpu.memory_space<hbm>>
    tpu.enqueue_dma source(%dma_start3A_922 : memref<1024xf32, #tpu.memory_space<hbm>>) target(%dma_start3A_919 : memref<1024xf32, #tpu.memory_space<vmem>>) target_semaphore(%arg13 : memref<!tpu.dma_semaphore, #tpu.memory_space<semaphore_mem>>)
    %lt3A_923 = arith.constant 16 : i32
    %lt3A_924 = arith.cmpi slt, %select_n3A_834, %lt3A_923 : i32
    %select_n3A_925 = arith.select %lt3A_924, %get3A_11, %get3A_23 : vector<16xf32>
    %jit3A_926 = arith.constant 16 : i32
    %eq3A_927 = arith.constant 0 : i32
    %eq3A_928 = arith.cmpi eq, %jit3A_926, %eq3A_927 : i32
    %jit3A_929 = arith.constant 1 : i32
    %select_n3A_930 = arith.select %eq3A_928, %jit3A_929, %jit3A_926 : i32
    %rem3A_931 = arith.remsi %select_n3A_834, %select_n3A_930 : i32
    %ne3A_932 = arith.constant 0 : i32
    %ne3A_933 = arith.cmpi ne, %rem3A_931, %ne3A_932 : i32
    %lt3A_934 = arith.constant 0 : i32
    %lt3A_935 = arith.cmpi slt, %rem3A_931, %lt3A_934 : i32
    %lt3A_936 = arith.constant 0 : i32
    %lt3A_937 = arith.cmpi slt, %select_n3A_930, %lt3A_936 : i32
    %ne3A_938 = arith.xori %lt3A_935, %lt3A_937 : i1
    %and3A_939 = arith.andi %ne3A_938, %ne3A_933 : i1
    %add3A_940 = arith.addi %rem3A_931, %select_n3A_930 : i32
    %select_n3A_941 = arith.select %and3A_939, %add3A_940, %rem3A_931 : i32
    %eq3A_942 = vector.broadcast %select_n3A_941 : i32 to vector<16xi32>
    %eq3A_943 = arith.cmpi eq, %iota3A, %eq3A_942 : vector<16xi32>
    %jit3A_944 = arith.constant 0.000000e+00 : f32
    %broadcast_in_dim3A_945 = vector.broadcast %jit3A_944 : f32 to vector<16xf32>
    %select_n3A_946 = arith.select %eq3A_943, %select_n3A_925, %broadcast_in_dim3A_945 : vector<16xi1>, vector<16xf32>
    %reduce_sum3A_947 = arith.constant true
    %reduce_sum3A_948 = vector.broadcast %reduce_sum3A_947 : i1 to vector<16xi1>
    %reduce_sum3A_949 = tpu.scan <sum>, %select_n3A_946 masked %reduce_sum3A_948 : vector<16xf32>, vector<16xi1> -> vector<16xf32>
    %reduce_sum3A_950 = vector.extract %reduce_sum3A_949[15] : f32 from vector<16xf32>
    %dma_wait3A_951 = arith.constant 2 : i32
    %dma_wait3A_952 = arith.constant 128 : i32
    %dma_wait3A_953 = tpu.memref_slice %arg9[%dma_wait3A_952] : memref<144xi32, #tpu.memory_space<vmem>> -> memref<16xi32, #tpu.memory_space<vmem>>
    %dma_wait3A_954 = tpu.memref_slice %arg3[%dma_wait3A_951, %multiple_of3A_324] : memref<3x13776xi32, #tpu.memory_space<hbm>> -> memref<1x16xi32, #tpu.memory_space<hbm>>
    %dma_wait3A_955 = tpu.memref_squeeze %dma_wait3A_954 : memref<1x16xi32, #tpu.memory_space<hbm>> -> memref<16xi32, #tpu.memory_space<hbm>>
    %dma_wait3A_956 = arith.constant 128 : i32
    %dma_wait3A_957 = tpu.memref_slice %arg9[%dma_wait3A_956] : memref<144xi32, #tpu.memory_space<vmem>> -> memref<16xi32, #tpu.memory_space<vmem>>
    %dma_wait3A_958 = tpu.memref_slice %arg3[%dma_wait3A_951, %multiple_of3A_324] : memref<3x13776xi32, #tpu.memory_space<hbm>> -> memref<1x16xi32, #tpu.memory_space<hbm>>
    %dma_wait3A_959 = tpu.memref_squeeze %dma_wait3A_958 : memref<1x16xi32, #tpu.memory_space<hbm>> -> memref<16xi32, #tpu.memory_space<hbm>>
    tpu.wait_dma2 semaphore(%arg12 : memref<!tpu.dma_semaphore, #tpu.memory_space<semaphore_mem>>) src(%dma_wait3A_959 : memref<16xi32, #tpu.memory_space<hbm>>) dst(%dma_wait3A_957 : memref<16xi32, #tpu.memory_space<vmem>>)
    %get3A_960 = arith.constant 128 : index
    %get3A_961 = tpu.vector_load %arg9[%get3A_960] {strides = array<i32>} : memref<144xi32, #tpu.memory_space<vmem>>, vector<16xi32>,
    %eq3A_962 = vector.broadcast %select_n3A_340 : i32 to vector<16xi32>
    %eq3A_963 = arith.cmpi eq, %iota3A, %eq3A_962 : vector<16xi32>
    %jit3A_964 = arith.constant 0 : i32
    %broadcast_in_dim3A_965 = vector.broadcast %jit3A_964 : i32 to vector<16xi32>
    %select_n3A_966 = arith.select %eq3A_963, %get3A_961, %broadcast_in_dim3A_965 : vector<16xi1>, vector<16xi32>
    %reduce_sum3A_967 = arith.constant true
    %reduce_sum3A_968 = vector.broadcast %reduce_sum3A_967 : i1 to vector<16xi1>
    %reduce_sum3A_969 = tpu.scan <sum>, %select_n3A_966 masked %reduce_sum3A_968 : vector<16xi32>, vector<16xi1> -> vector<16xi32>
    %reduce_sum3A_970 = vector.extract %reduce_sum3A_969[15] : i32 from vector<16xi32>
    %dma_start3A_971 = arith.constant 8192 : i32
    %dma_start3A_972 = tpu.memref_slice %arg10[%dma_start3A_971] : memref<9216xf32, #tpu.memory_space<vmem>> -> memref<1024xf32, #tpu.memory_space<vmem>>
    %dma_start3A_973 = arith.constant 0 : i32
    %dma_start3A_974 = tpu.memref_slice %arg2[%select_n3A_818, %reduce_sum3A_970, %dma_start3A_973] : memref<3x6890x1024xf32, #tpu.memory_space<hbm>> -> memref<1x1x1024xf32, #tpu.memory_space<hbm>>
    %dma_start3A_975 = tpu.memref_squeeze %dma_start3A_974 : memref<1x1x1024xf32, #tpu.memory_space<hbm>> -> memref<1024xf32, #tpu.memory_space<hbm>>
    %dma_start3A_976 = arith.constant 8192 : i32
    %dma_start3A_977 = tpu.memref_slice %arg10[%dma_start3A_976] : memref<9216xf32, #tpu.memory_space<vmem>> -> memref<1024xf32, #tpu.memory_space<vmem>>
    %dma_start3A_978 = arith.constant 0 : i32
    %dma_start3A_979 = tpu.memref_slice %arg2[%select_n3A_818, %reduce_sum3A_970, %dma_start3A_978] : memref<3x6890x1024xf32, #tpu.memory_space<hbm>> -> memref<1x1x1024xf32, #tpu.memory_space<hbm>>
    %dma_start3A_980 = tpu.memref_squeeze %dma_start3A_979 : memref<1x1x1024xf32, #tpu.memory_space<hbm>> -> memref<1024xf32, #tpu.memory_space<hbm>>
    tpu.enqueue_dma source(%dma_start3A_980 : memref<1024xf32, #tpu.memory_space<hbm>>) target(%dma_start3A_977 : memref<1024xf32, #tpu.memory_space<vmem>>) target_semaphore(%arg13 : memref<!tpu.dma_semaphore, #tpu.memory_space<semaphore_mem>>)
    %lt3A_981 = arith.constant 16 : i32
    %lt3A_982 = arith.cmpi slt, %select_n3A_834, %lt3A_981 : i32
    %select_n3A_983 = arith.select %lt3A_982, %get3A_15, %get3A_27 : vector<16xf32>
    %jit3A_984 = arith.constant 16 : i32
    %eq3A_985 = arith.constant 0 : i32
    %eq3A_986 = arith.cmpi eq, %jit3A_984, %eq3A_985 : i32
    %jit3A_987 = arith.constant 1 : i32
    %select_n3A_988 = arith.select %eq3A_986, %jit3A_987, %jit3A_984 : i32
    %rem3A_989 = arith.remsi %select_n3A_834, %select_n3A_988 : i32
    %ne3A_990 = arith.constant 0 : i32
    %ne3A_991 = arith.cmpi ne, %rem3A_989, %ne3A_990 : i32
    %lt3A_992 = arith.constant 0 : i32
    %lt3A_993 = arith.cmpi slt, %rem3A_989, %lt3A_992 : i32
    %lt3A_994 = arith.constant 0 : i32
    %lt3A_995 = arith.cmpi slt, %select_n3A_988, %lt3A_994 : i32
    %ne3A_996 = arith.xori %lt3A_993, %lt3A_995 : i1
    %and3A_997 = arith.andi %ne3A_996, %ne3A_991 : i1
    %add3A_998 = arith.addi %rem3A_989, %select_n3A_988 : i32
    %select_n3A_999 = arith.select %and3A_997, %add3A_998, %rem3A_989 : i32
    %eq3A_1000 = vector.broadcast %select_n3A_999 : i32 to vector<16xi32>
    %eq3A_1001 = arith.cmpi eq, %iota3A, %eq3A_1000 : vector<16xi32>
    %jit3A_1002 = arith.constant 0.000000e+00 : f32
    %broadcast_in_dim3A_1003 = vector.broadcast %jit3A_1002 : f32 to vector<16xf32>
    %select_n3A_1004 = arith.select %eq3A_1001, %select_n3A_983, %broadcast_in_dim3A_1003 : vector<16xi1>, vector<16xf32>
    %reduce_sum3A_1005 = arith.constant true
    %reduce_sum3A_1006 = vector.broadcast %reduce_sum3A_1005 : i1 to vector<16xi1>
    %reduce_sum3A_1007 = tpu.scan <sum>, %select_n3A_1004 masked %reduce_sum3A_1006 : vector<16xf32>, vector<16xi1> -> vector<16xf32>
    %reduce_sum3A_1008 = vector.extract %reduce_sum3A_1007[15] : f32 from vector<16xf32>
    %dma_wait3A_1009 = arith.constant 0 : i32
    %dma_wait3A_1010 = tpu.memref_slice %arg10[%dma_wait3A_1009] : memref<9216xf32, #tpu.memory_space<vmem>> -> memref<1024xf32, #tpu.memory_space<vmem>>
    %dma_wait3A_1011 = arith.constant 0 : i32
    %dma_wait3A_1012 = tpu.memref_slice %arg2[%select_n3A_391, %reduce_sum3A_426, %dma_wait3A_1011] : memref<3x6890x1024xf32, #tpu.memory_space<hbm>> -> memref<1x1x1024xf32, #tpu.memory_space<hbm>>
    %dma_wait3A_1013 = tpu.memref_squeeze %dma_wait3A_1012 : memref<1x1x1024xf32, #tpu.memory_space<hbm>> -> memref<1024xf32, #tpu.memory_space<hbm>>
    %dma_wait3A_1014 = arith.constant 0 : i32
    %dma_wait3A_1015 = tpu.memref_slice %arg10[%dma_wait3A_1014] : memref<9216xf32, #tpu.memory_space<vmem>> -> memref<1024xf32, #tpu.memory_space<vmem>>
    %dma_wait3A_1016 = arith.constant 0 : i32
    %dma_wait3A_1017 = tpu.memref_slice %arg2[%select_n3A_391, %reduce_sum3A_426, %dma_wait3A_1016] : memref<3x6890x1024xf32, #tpu.memory_space<hbm>> -> memref<1x1x1024xf32, #tpu.memory_space<hbm>>
    %dma_wait3A_1018 = tpu.memref_squeeze %dma_wait3A_1017 : memref<1x1x1024xf32, #tpu.memory_space<hbm>> -> memref<1024xf32, #tpu.memory_space<hbm>>
    tpu.wait_dma2 semaphore(%arg13 : memref<!tpu.dma_semaphore, #tpu.memory_space<semaphore_mem>>) src(%dma_wait3A_1018 : memref<1024xf32, #tpu.memory_space<hbm>>) dst(%dma_wait3A_1015 : memref<1024xf32, #tpu.memory_space<vmem>>)
    %dma_wait3A_1019 = arith.constant 1024 : i32
    %dma_wait3A_1020 = tpu.memref_slice %arg10[%dma_wait3A_1019] : memref<9216xf32, #tpu.memory_space<vmem>> -> memref<1024xf32, #tpu.memory_space<vmem>>
    %dma_wait3A_1021 = arith.constant 0 : i32
    %dma_wait3A_1022 = tpu.memref_slice %arg2[%select_n3A_391, %reduce_sum3A_484, %dma_wait3A_1021] : memref<3x6890x1024xf32, #tpu.memory_space<hbm>> -> memref<1x1x1024xf32, #tpu.memory_space<hbm>>
    %dma_wait3A_1023 = tpu.memref_squeeze %dma_wait3A_1022 : memref<1x1x1024xf32, #tpu.memory_space<hbm>> -> memref<1024xf32, #tpu.memory_space<hbm>>
    %dma_wait3A_1024 = arith.constant 1024 : i32
    %dma_wait3A_1025 = tpu.memref_slice %arg10[%dma_wait3A_1024] : memref<9216xf32, #tpu.memory_space<vmem>> -> memref<1024xf32, #tpu.memory_space<vmem>>
    %dma_wait3A_1026 = arith.constant 0 : i32
    %dma_wait3A_1027 = tpu.memref_slice %arg2[%select_n3A_391, %reduce_sum3A_484, %dma_wait3A_1026] : memref<3x6890x1024xf32, #tpu.memory_space<hbm>> -> memref<1x1x1024xf32, #tpu.memory_space<hbm>>
    %dma_wait3A_1028 = tpu.memref_squeeze %dma_wait3A_1027 : memref<1x1x1024xf32, #tpu.memory_space<hbm>> -> memref<1024xf32, #tpu.memory_space<hbm>>
    tpu.wait_dma2 semaphore(%arg13 : memref<!tpu.dma_semaphore, #tpu.memory_space<semaphore_mem>>) src(%dma_wait3A_1028 : memref<1024xf32, #tpu.memory_space<hbm>>) dst(%dma_wait3A_1025 : memref<1024xf32, #tpu.memory_space<vmem>>)
    %dma_wait3A_1029 = arith.constant 2048 : i32
    %dma_wait3A_1030 = tpu.memref_slice %arg10[%dma_wait3A_1029] : memref<9216xf32, #tpu.memory_space<vmem>> -> memref<1024xf32, #tpu.memory_space<vmem>>
    %dma_wait3A_1031 = arith.constant 0 : i32
    %dma_wait3A_1032 = tpu.memref_slice %arg2[%select_n3A_391, %reduce_sum3A_542, %dma_wait3A_1031] : memref<3x6890x1024xf32, #tpu.memory_space<hbm>> -> memref<1x1x1024xf32, #tpu.memory_space<hbm>>
    %dma_wait3A_1033 = tpu.memref_squeeze %dma_wait3A_1032 : memref<1x1x1024xf32, #tpu.memory_space<hbm>> -> memref<1024xf32, #tpu.memory_space<hbm>>
    %dma_wait3A_1034 = arith.constant 2048 : i32
    %dma_wait3A_1035 = tpu.memref_slice %arg10[%dma_wait3A_1034] : memref<9216xf32, #tpu.memory_space<vmem>> -> memref<1024xf32, #tpu.memory_space<vmem>>
    %dma_wait3A_1036 = arith.constant 0 : i32
    %dma_wait3A_1037 = tpu.memref_slice %arg2[%select_n3A_391, %reduce_sum3A_542, %dma_wait3A_1036] : memref<3x6890x1024xf32, #tpu.memory_space<hbm>> -> memref<1x1x1024xf32, #tpu.memory_space<hbm>>
    %dma_wait3A_1038 = tpu.memref_squeeze %dma_wait3A_1037 : memref<1x1x1024xf32, #tpu.memory_space<hbm>> -> memref<1024xf32, #tpu.memory_space<hbm>>
    tpu.wait_dma2 semaphore(%arg13 : memref<!tpu.dma_semaphore, #tpu.memory_space<semaphore_mem>>) src(%dma_wait3A_1038 : memref<1024xf32, #tpu.memory_space<hbm>>) dst(%dma_wait3A_1035 : memref<1024xf32, #tpu.memory_space<vmem>>)
    %scan3A = arith.constant 0 : i32
    %scan3A_1039 = arith.constant 0 : i32
    %scan3A_1040 = arith.constant 8 : i32
    %scan3A_1041 = arith.addi %scan3A_1039, %scan3A_1040 : i32
    %scan3A_1042 = arith.constant 1 : i32
    scf.for %scan3A_1296 = %scan3A_1039 to %scan3A_1041 step %scan3A_1042  : i32 {
      %mul3A_1297 = arith.constant 128 : i32
      %mul3A_1298 = arith.muli %scan3A_1296, %mul3A_1297 : i32
      %multiple_of3A_1299 = tpu.assume_multiple %mul3A_1298, 128 : i32
      %add3A_1300 = arith.constant 0 : i32
      %add3A_1301 = arith.addi %multiple_of3A_1299, %add3A_1300 : i32
      %add3A_1302 = arith.constant 0 : i32
      %add3A_1303 = arith.addi %add3A_1302, %add3A_1301 : i32
      %get3A_1304 = arith.index_cast %add3A_1303 : i32 to index
      %get3A_1305 = tpu.vector_load %arg10[%get3A_1304] {strides = array<i32>} : memref<9216xf32, #tpu.memory_space<vmem>>, vector<16xf32>,
      %mul3A_1306 = vector.broadcast %reduce_sum3A_464 : f32 to vector<16xf32>
      %mul3A_1307 = arith.mulf %mul3A_1306, %get3A_1305 : vector<16xf32>
      %add3A_1308 = arith.constant 1024 : i32
      %add3A_1309 = arith.addi %add3A_1308, %add3A_1301 : i32
      %get3A_1310 = arith.index_cast %add3A_1309 : i32 to index
      %get3A_1311 = tpu.vector_load %arg10[%get3A_1310] {strides = array<i32>} : memref<9216xf32, #tpu.memory_space<vmem>>, vector<16xf32>,
      %mul3A_1312 = vector.broadcast %reduce_sum3A_522 : f32 to vector<16xf32>
      %mul3A_1313 = arith.mulf %mul3A_1312, %get3A_1311 : vector<16xf32>
      %add3A_1314 = arith.addf %mul3A_1307, %mul3A_1313 : vector<16xf32>
      %add3A_1315 = arith.constant 2048 : i32
      %add3A_1316 = arith.addi %add3A_1315, %add3A_1301 : i32
      %get3A_1317 = arith.index_cast %add3A_1316 : i32 to index
      %get3A_1318 = tpu.vector_load %arg10[%get3A_1317] {strides = array<i32>} : memref<9216xf32, #tpu.memory_space<vmem>>, vector<16xf32>,
      %mul3A_1319 = vector.broadcast %reduce_sum3A_580 : f32 to vector<16xf32>
      %mul3A_1320 = arith.mulf %mul3A_1319, %get3A_1318 : vector<16xf32>
      %add3A_1321 = arith.addf %add3A_1314, %mul3A_1320 : vector<16xf32>
      %add3A_1322 = arith.constant 0 : i32
      %add3A_1323 = arith.addi %add3A_1322, %add3A_1301 : i32
      %swap3A = arith.index_cast %add3A_1323 : i32 to index
      %swap3A_1324 = tpu.vector_load %arg11[%swap3A] {strides = array<i32>} : memref<3072xf32, #tpu.memory_space<vmem>>, vector<16xf32>,
      tpu.vector_store %arg11[%swap3A], %add3A_1321 {strides = array<i32>} : memref<3072xf32, #tpu.memory_space<vmem>>, vector<16xf32>,
      %add3A_1325 = arith.constant 16 : i32
      %add3A_1326 = arith.addi %multiple_of3A_1299, %add3A_1325 : i32
      %add3A_1327 = arith.constant 0 : i32
      %add3A_1328 = arith.addi %add3A_1327, %add3A_1326 : i32
      %get3A_1329 = arith.index_cast %add3A_1328 : i32 to index
      %get3A_1330 = tpu.vector_load %arg10[%get3A_1329] {strides = array<i32>} : memref<9216xf32, #tpu.memory_space<vmem>>, vector<16xf32>,
      %mul3A_1331 = vector.broadcast %reduce_sum3A_464 : f32 to vector<16xf32>
      %mul3A_1332 = arith.mulf %mul3A_1331, %get3A_1330 : vector<16xf32>
      %add3A_1333 = arith.constant 1024 : i32
      %add3A_1334 = arith.addi %add3A_1333, %add3A_1326 : i32
      %get3A_1335 = arith.index_cast %add3A_1334 : i32 to index
      %get3A_1336 = tpu.vector_load %arg10[%get3A_1335] {strides = array<i32>} : memref<9216xf32, #tpu.memory_space<vmem>>, vector<16xf32>,
      %mul3A_1337 = vector.broadcast %reduce_sum3A_522 : f32 to vector<16xf32>
      %mul3A_1338 = arith.mulf %mul3A_1337, %get3A_1336 : vector<16xf32>
      %add3A_1339 = arith.addf %mul3A_1332, %mul3A_1338 : vector<16xf32>
      %add3A_1340 = arith.constant 2048 : i32
      %add3A_1341 = arith.addi %add3A_1340, %add3A_1326 : i32
      %get3A_1342 = arith.index_cast %add3A_1341 : i32 to index
      %get3A_1343 = tpu.vector_load %arg10[%get3A_1342] {strides = array<i32>} : memref<9216xf32, #tpu.memory_space<vmem>>, vector<16xf32>,
      %mul3A_1344 = vector.broadcast %reduce_sum3A_580 : f32 to vector<16xf32>
      %mul3A_1345 = arith.mulf %mul3A_1344, %get3A_1343 : vector<16xf32>
      %add3A_1346 = arith.addf %add3A_1339, %mul3A_1345 : vector<16xf32>
      %add3A_1347 = arith.constant 0 : i32
      %add3A_1348 = arith.addi %add3A_1347, %add3A_1326 : i32
      %swap3A_1349 = arith.index_cast %add3A_1348 : i32 to index
      %swap3A_1350 = tpu.vector_load %arg11[%swap3A_1349] {strides = array<i32>} : memref<3072xf32, #tpu.memory_space<vmem>>, vector<16xf32>,
      tpu.vector_store %arg11[%swap3A_1349], %add3A_1346 {strides = array<i32>} : memref<3072xf32, #tpu.memory_space<vmem>>, vector<16xf32>,
      %add3A_1351 = arith.constant 32 : i32
      %add3A_1352 = arith.addi %multiple_of3A_1299, %add3A_1351 : i32
      %add3A_1353 = arith.constant 0 : i32
      %add3A_1354 = arith.addi %add3A_1353, %add3A_1352 : i32
      %get3A_1355 = arith.index_cast %add3A_1354 : i32 to index
      %get3A_1356 = tpu.vector_load %arg10[%get3A_1355] {strides = array<i32>} : memref<9216xf32, #tpu.memory_space<vmem>>, vector<16xf32>,
      %mul3A_1357 = vector.broadcast %reduce_sum3A_464 : f32 to vector<16xf32>
      %mul3A_1358 = arith.mulf %mul3A_1357, %get3A_1356 : vector<16xf32>
      %add3A_1359 = arith.constant 1024 : i32
      %add3A_1360 = arith.addi %add3A_1359, %add3A_1352 : i32
      %get3A_1361 = arith.index_cast %add3A_1360 : i32 to index
      %get3A_1362 = tpu.vector_load %arg10[%get3A_1361] {strides = array<i32>} : memref<9216xf32, #tpu.memory_space<vmem>>, vector<16xf32>,
      %mul3A_1363 = vector.broadcast %reduce_sum3A_522 : f32 to vector<16xf32>
      %mul3A_1364 = arith.mulf %mul3A_1363, %get3A_1362 : vector<16xf32>
      %add3A_1365 = arith.addf %mul3A_1358, %mul3A_1364 : vector<16xf32>
      %add3A_1366 = arith.constant 2048 : i32
      %add3A_1367 = arith.addi %add3A_1366, %add3A_1352 : i32
      %get3A_1368 = arith.index_cast %add3A_1367 : i32 to index
      %get3A_1369 = tpu.vector_load %arg10[%get3A_1368] {strides = array<i32>} : memref<9216xf32, #tpu.memory_space<vmem>>, vector<16xf32>,
      %mul3A_1370 = vector.broadcast %reduce_sum3A_580 : f32 to vector<16xf32>
      %mul3A_1371 = arith.mulf %mul3A_1370, %get3A_1369 : vector<16xf32>
      %add3A_1372 = arith.addf %add3A_1365, %mul3A_1371 : vector<16xf32>
      %add3A_1373 = arith.constant 0 : i32
      %add3A_1374 = arith.addi %add3A_1373, %add3A_1352 : i32
      %swap3A_1375 = arith.index_cast %add3A_1374 : i32 to index
      %swap3A_1376 = tpu.vector_load %arg11[%swap3A_1375] {strides = array<i32>} : memref<3072xf32, #tpu.memory_space<vmem>>, vector<16xf32>,
      tpu.vector_store %arg11[%swap3A_1375], %add3A_1372 {strides = array<i32>} : memref<3072xf32, #tpu.memory_space<vmem>>, vector<16xf32>,
      %add3A_1377 = arith.constant 48 : i32
      %add3A_1378 = arith.addi %multiple_of3A_1299, %add3A_1377 : i32
      %add3A_1379 = arith.constant 0 : i32
      %add3A_1380 = arith.addi %add3A_1379, %add3A_1378 : i32
      %get3A_1381 = arith.index_cast %add3A_1380 : i32 to index
      %get3A_1382 = tpu.vector_load %arg10[%get3A_1381] {strides = array<i32>} : memref<9216xf32, #tpu.memory_space<vmem>>, vector<16xf32>,
      %mul3A_1383 = vector.broadcast %reduce_sum3A_464 : f32 to vector<16xf32>
      %mul3A_1384 = arith.mulf %mul3A_1383, %get3A_1382 : vector<16xf32>
      %add3A_1385 = arith.constant 1024 : i32
      %add3A_1386 = arith.addi %add3A_1385, %add3A_1378 : i32
      %get3A_1387 = arith.index_cast %add3A_1386 : i32 to index
      %get3A_1388 = tpu.vector_load %arg10[%get3A_1387] {strides = array<i32>} : memref<9216xf32, #tpu.memory_space<vmem>>, vector<16xf32>,
      %mul3A_1389 = vector.broadcast %reduce_sum3A_522 : f32 to vector<16xf32>
      %mul3A_1390 = arith.mulf %mul3A_1389, %get3A_1388 : vector<16xf32>
      %add3A_1391 = arith.addf %mul3A_1384, %mul3A_1390 : vector<16xf32>
      %add3A_1392 = arith.constant 2048 : i32
      %add3A_1393 = arith.addi %add3A_1392, %add3A_1378 : i32
      %get3A_1394 = arith.index_cast %add3A_1393 : i32 to index
      %get3A_1395 = tpu.vector_load %arg10[%get3A_1394] {strides = array<i32>} : memref<9216xf32, #tpu.memory_space<vmem>>, vector<16xf32>,
      %mul3A_1396 = vector.broadcast %reduce_sum3A_580 : f32 to vector<16xf32>
      %mul3A_1397 = arith.mulf %mul3A_1396, %get3A_1395 : vector<16xf32>
      %add3A_1398 = arith.addf %add3A_1391, %mul3A_1397 : vector<16xf32>
      %add3A_1399 = arith.constant 0 : i32
      %add3A_1400 = arith.addi %add3A_1399, %add3A_1378 : i32
      %swap3A_1401 = arith.index_cast %add3A_1400 : i32 to index
      %swap3A_1402 = tpu.vector_load %arg11[%swap3A_1401] {strides = array<i32>} : memref<3072xf32, #tpu.memory_space<vmem>>, vector<16xf32>,
      tpu.vector_store %arg11[%swap3A_1401], %add3A_1398 {strides = array<i32>} : memref<3072xf32, #tpu.memory_space<vmem>>, vector<16xf32>,
      %add3A_1403 = arith.constant 64 : i32
      %add3A_1404 = arith.addi %multiple_of3A_1299, %add3A_1403 : i32
      %add3A_1405 = arith.constant 0 : i32
      %add3A_1406 = arith.addi %add3A_1405, %add3A_1404 : i32
      %get3A_1407 = arith.index_cast %add3A_1406 : i32 to index
      %get3A_1408 = tpu.vector_load %arg10[%get3A_1407] {strides = array<i32>} : memref<9216xf32, #tpu.memory_space<vmem>>, vector<16xf32>,
      %mul3A_1409 = vector.broadcast %reduce_sum3A_464 : f32 to vector<16xf32>
      %mul3A_1410 = arith.mulf %mul3A_1409, %get3A_1408 : vector<16xf32>
      %add3A_1411 = arith.constant 1024 : i32
      %add3A_1412 = arith.addi %add3A_1411, %add3A_1404 : i32
      %get3A_1413 = arith.index_cast %add3A_1412 : i32 to index
      %get3A_1414 = tpu.vector_load %arg10[%get3A_1413] {strides = array<i32>} : memref<9216xf32, #tpu.memory_space<vmem>>, vector<16xf32>,
      %mul3A_1415 = vector.broadcast %reduce_sum3A_522 : f32 to vector<16xf32>
      %mul3A_1416 = arith.mulf %mul3A_1415, %get3A_1414 : vector<16xf32>
      %add3A_1417 = arith.addf %mul3A_1410, %mul3A_1416 : vector<16xf32>
      %add3A_1418 = arith.constant 2048 : i32
      %add3A_1419 = arith.addi %add3A_1418, %add3A_1404 : i32
      %get3A_1420 = arith.index_cast %add3A_1419 : i32 to index
      %get3A_1421 = tpu.vector_load %arg10[%get3A_1420] {strides = array<i32>} : memref<9216xf32, #tpu.memory_space<vmem>>, vector<16xf32>,
      %mul3A_1422 = vector.broadcast %reduce_sum3A_580 : f32 to vector<16xf32>
      %mul3A_1423 = arith.mulf %mul3A_1422, %get3A_1421 : vector<16xf32>
      %add3A_1424 = arith.addf %add3A_1417, %mul3A_1423 : vector<16xf32>
      %add3A_1425 = arith.constant 0 : i32
      %add3A_1426 = arith.addi %add3A_1425, %add3A_1404 : i32
      %swap3A_1427 = arith.index_cast %add3A_1426 : i32 to index
      %swap3A_1428 = tpu.vector_load %arg11[%swap3A_1427] {strides = array<i32>} : memref<3072xf32, #tpu.memory_space<vmem>>, vector<16xf32>,
      tpu.vector_store %arg11[%swap3A_1427], %add3A_1424 {strides = array<i32>} : memref<3072xf32, #tpu.memory_space<vmem>>, vector<16xf32>,
      %add3A_1429 = arith.constant 80 : i32
      %add3A_1430 = arith.addi %multiple_of3A_1299, %add3A_1429 : i32
      %add3A_1431 = arith.constant 0 : i32
      %add3A_1432 = arith.addi %add3A_1431, %add3A_1430 : i32
      %get3A_1433 = arith.index_cast %add3A_1432 : i32 to index
      %get3A_1434 = tpu.vector_load %arg10[%get3A_1433] {strides = array<i32>} : memref<9216xf32, #tpu.memory_space<vmem>>, vector<16xf32>,
      %mul3A_1435 = vector.broadcast %reduce_sum3A_464 : f32 to vector<16xf32>
      %mul3A_1436 = arith.mulf %mul3A_1435, %get3A_1434 : vector<16xf32>
      %add3A_1437 = arith.constant 1024 : i32
      %add3A_1438 = arith.addi %add3A_1437, %add3A_1430 : i32
      %get3A_1439 = arith.index_cast %add3A_1438 : i32 to index
      %get3A_1440 = tpu.vector_load %arg10[%get3A_1439] {strides = array<i32>} : memref<9216xf32, #tpu.memory_space<vmem>>, vector<16xf32>,
      %mul3A_1441 = vector.broadcast %reduce_sum3A_522 : f32 to vector<16xf32>
      %mul3A_1442 = arith.mulf %mul3A_1441, %get3A_1440 : vector<16xf32>
      %add3A_1443 = arith.addf %mul3A_1436, %mul3A_1442 : vector<16xf32>
      %add3A_1444 = arith.constant 2048 : i32
      %add3A_1445 = arith.addi %add3A_1444, %add3A_1430 : i32
      %get3A_1446 = arith.index_cast %add3A_1445 : i32 to index
      %get3A_1447 = tpu.vector_load %arg10[%get3A_1446] {strides = array<i32>} : memref<9216xf32, #tpu.memory_space<vmem>>, vector<16xf32>,
      %mul3A_1448 = vector.broadcast %reduce_sum3A_580 : f32 to vector<16xf32>
      %mul3A_1449 = arith.mulf %mul3A_1448, %get3A_1447 : vector<16xf32>
      %add3A_1450 = arith.addf %add3A_1443, %mul3A_1449 : vector<16xf32>
      %add3A_1451 = arith.constant 0 : i32
      %add3A_1452 = arith.addi %add3A_1451, %add3A_1430 : i32
      %swap3A_1453 = arith.index_cast %add3A_1452 : i32 to index
      %swap3A_1454 = tpu.vector_load %arg11[%swap3A_1453] {strides = array<i32>} : memref<3072xf32, #tpu.memory_space<vmem>>, vector<16xf32>,
      tpu.vector_store %arg11[%swap3A_1453], %add3A_1450 {strides = array<i32>} : memref<3072xf32, #tpu.memory_space<vmem>>, vector<16xf32>,
      %add3A_1455 = arith.constant 96 : i32
      %add3A_1456 = arith.addi %multiple_of3A_1299, %add3A_1455 : i32
      %add3A_1457 = arith.constant 0 : i32
      %add3A_1458 = arith.addi %add3A_1457, %add3A_1456 : i32
      %get3A_1459 = arith.index_cast %add3A_1458 : i32 to index
      %get3A_1460 = tpu.vector_load %arg10[%get3A_1459] {strides = array<i32>} : memref<9216xf32, #tpu.memory_space<vmem>>, vector<16xf32>,
      %mul3A_1461 = vector.broadcast %reduce_sum3A_464 : f32 to vector<16xf32>
      %mul3A_1462 = arith.mulf %mul3A_1461, %get3A_1460 : vector<16xf32>
      %add3A_1463 = arith.constant 1024 : i32
      %add3A_1464 = arith.addi %add3A_1463, %add3A_1456 : i32
      %get3A_1465 = arith.index_cast %add3A_1464 : i32 to index
      %get3A_1466 = tpu.vector_load %arg10[%get3A_1465] {strides = array<i32>} : memref<9216xf32, #tpu.memory_space<vmem>>, vector<16xf32>,
      %mul3A_1467 = vector.broadcast %reduce_sum3A_522 : f32 to vector<16xf32>
      %mul3A_1468 = arith.mulf %mul3A_1467, %get3A_1466 : vector<16xf32>
      %add3A_1469 = arith.addf %mul3A_1462, %mul3A_1468 : vector<16xf32>
      %add3A_1470 = arith.constant 2048 : i32
      %add3A_1471 = arith.addi %add3A_1470, %add3A_1456 : i32
      %get3A_1472 = arith.index_cast %add3A_1471 : i32 to index
      %get3A_1473 = tpu.vector_load %arg10[%get3A_1472] {strides = array<i32>} : memref<9216xf32, #tpu.memory_space<vmem>>, vector<16xf32>,
      %mul3A_1474 = vector.broadcast %reduce_sum3A_580 : f32 to vector<16xf32>
      %mul3A_1475 = arith.mulf %mul3A_1474, %get3A_1473 : vector<16xf32>
      %add3A_1476 = arith.addf %add3A_1469, %mul3A_1475 : vector<16xf32>
      %add3A_1477 = arith.constant 0 : i32
      %add3A_1478 = arith.addi %add3A_1477, %add3A_1456 : i32
      %swap3A_1479 = arith.index_cast %add3A_1478 : i32 to index
      %swap3A_1480 = tpu.vector_load %arg11[%swap3A_1479] {strides = array<i32>} : memref<3072xf32, #tpu.memory_space<vmem>>, vector<16xf32>,
      tpu.vector_store %arg11[%swap3A_1479], %add3A_1476 {strides = array<i32>} : memref<3072xf32, #tpu.memory_space<vmem>>, vector<16xf32>,
      %add3A_1481 = arith.constant 112 : i32
      %add3A_1482 = arith.addi %multiple_of3A_1299, %add3A_1481 : i32
      %add3A_1483 = arith.constant 0 : i32
      %add3A_1484 = arith.addi %add3A_1483, %add3A_1482 : i32
      %get3A_1485 = arith.index_cast %add3A_1484 : i32 to index
      %get3A_1486 = tpu.vector_load %arg10[%get3A_1485] {strides = array<i32>} : memref<9216xf32, #tpu.memory_space<vmem>>, vector<16xf32>,
      %mul3A_1487 = vector.broadcast %reduce_sum3A_464 : f32 to vector<16xf32>
      %mul3A_1488 = arith.mulf %mul3A_1487, %get3A_1486 : vector<16xf32>
      %add3A_1489 = arith.constant 1024 : i32
      %add3A_1490 = arith.addi %add3A_1489, %add3A_1482 : i32
      %get3A_1491 = arith.index_cast %add3A_1490 : i32 to index
      %get3A_1492 = tpu.vector_load %arg10[%get3A_1491] {strides = array<i32>} : memref<9216xf32, #tpu.memory_space<vmem>>, vector<16xf32>,
      %mul3A_1493 = vector.broadcast %reduce_sum3A_522 : f32 to vector<16xf32>
      %mul3A_1494 = arith.mulf %mul3A_1493, %get3A_1492 : vector<16xf32>
      %add3A_1495 = arith.addf %mul3A_1488, %mul3A_1494 : vector<16xf32>
      %add3A_1496 = arith.constant 2048 : i32
      %add3A_1497 = arith.addi %add3A_1496, %add3A_1482 : i32
      %get3A_1498 = arith.index_cast %add3A_1497 : i32 to index
      %get3A_1499 = tpu.vector_load %arg10[%get3A_1498] {strides = array<i32>} : memref<9216xf32, #tpu.memory_space<vmem>>, vector<16xf32>,
      %mul3A_1500 = vector.broadcast %reduce_sum3A_580 : f32 to vector<16xf32>
      %mul3A_1501 = arith.mulf %mul3A_1500, %get3A_1499 : vector<16xf32>
      %add3A_1502 = arith.addf %add3A_1495, %mul3A_1501 : vector<16xf32>
      %add3A_1503 = arith.constant 0 : i32
      %add3A_1504 = arith.addi %add3A_1503, %add3A_1482 : i32
      %swap3A_1505 = arith.index_cast %add3A_1504 : i32 to index
      %swap3A_1506 = tpu.vector_load %arg11[%swap3A_1505] {strides = array<i32>} : memref<3072xf32, #tpu.memory_space<vmem>>, vector<16xf32>,
      tpu.vector_store %arg11[%swap3A_1505], %add3A_1502 {strides = array<i32>} : memref<3072xf32, #tpu.memory_space<vmem>>, vector<16xf32>,
    }
    %scan3A_1043 = arith.constant 8 : i32
    %jit3A_1044 = arith.constant 32 : i32
    %div3A_1045 = arith.divsi %add3A_31, %jit3A_1044 : i32
    %sign3A_1046 = arith.constant 0 : i32
    %sign3A_1047 = arith.cmpi sgt, %add3A_31, %sign3A_1046 : i32
    %sign3A_1048 = arith.extui %sign3A_1047 : i1 to i32
    %sign3A_1049 = arith.constant 0 : i32
    %sign3A_1050 = arith.cmpi slt, %add3A_31, %sign3A_1049 : i32
    %sign3A_1051 = arith.extui %sign3A_1050 : i1 to i32
    %sign3A_1052 = arith.subi %sign3A_1048, %sign3A_1051 : i32
    %sign3A_1053 = arith.constant 0 : i32
    %sign3A_1054 = arith.cmpi sgt, %jit3A_1044, %sign3A_1053 : i32
    %sign3A_1055 = arith.extui %sign3A_1054 : i1 to i32
    %sign3A_1056 = arith.constant 0 : i32
    %sign3A_1057 = arith.cmpi slt, %jit3A_1044, %sign3A_1056 : i32
    %sign3A_1058 = arith.extui %sign3A_1057 : i1 to i32
    %sign3A_1059 = arith.subi %sign3A_1055, %sign3A_1058 : i32
    %ne3A_1060 = arith.cmpi ne, %sign3A_1052, %sign3A_1059 : i32
    %rem3A_1061 = arith.remsi %add3A_31, %jit3A_1044 : i32
    %ne3A_1062 = arith.constant 0 : i32
    %ne3A_1063 = arith.cmpi ne, %rem3A_1061, %ne3A_1062 : i32
    %and3A_1064 = arith.andi %ne3A_1060, %ne3A_1063 : i1
    %sub3A_1065 = arith.constant 1 : i32
    %sub3A_1066 = arith.subi %div3A_1045, %sub3A_1065 : i32
    %select_n3A_1067 = arith.select %and3A_1064, %sub3A_1066, %div3A_1045 : i32
    %jit3A_1068 = arith.constant 32 : i32
    %eq3A_1069 = arith.constant 0 : i32
    %eq3A_1070 = arith.cmpi eq, %jit3A_1068, %eq3A_1069 : i32
    %jit3A_1071 = arith.constant 1 : i32
    %select_n3A_1072 = arith.select %eq3A_1070, %jit3A_1071, %jit3A_1068 : i32
    %rem3A_1073 = arith.remsi %add3A_31, %select_n3A_1072 : i32
    %ne3A_1074 = arith.constant 0 : i32
    %ne3A_1075 = arith.cmpi ne, %rem3A_1073, %ne3A_1074 : i32
    %lt3A_1076 = arith.constant 0 : i32
    %lt3A_1077 = arith.cmpi slt, %rem3A_1073, %lt3A_1076 : i32
    %lt3A_1078 = arith.constant 0 : i32
    %lt3A_1079 = arith.cmpi slt, %select_n3A_1072, %lt3A_1078 : i32
    %ne3A_1080 = arith.xori %lt3A_1077, %lt3A_1079 : i1
    %and3A_1081 = arith.andi %ne3A_1080, %ne3A_1075 : i1
    %add3A_1082 = arith.addi %rem3A_1073, %select_n3A_1072 : i32
    %select_n3A_1083 = arith.select %and3A_1081, %add3A_1082, %rem3A_1073 : i32
    %dma_start3A_1084 = arith.constant 0 : i32
    %dma_start3A_1085 = tpu.memref_slice %arg11[%dma_start3A_1084] : memref<3072xf32, #tpu.memory_space<vmem>> -> memref<1024xf32, #tpu.memory_space<vmem>>
    %dma_start3A_1086 = arith.constant 0 : i32
    %dma_start3A_1087 = tpu.memref_slice %arg6[%select_n3A_1067, %select_n3A_1083, %dma_start3A_1086] : memref<3x32x1024xf32, #tpu.memory_space<hbm>> -> memref<1x1x1024xf32, #tpu.memory_space<hbm>>
    %dma_start3A_1088 = tpu.memref_squeeze %dma_start3A_1087 : memref<1x1x1024xf32, #tpu.memory_space<hbm>> -> memref<1024xf32, #tpu.memory_space<hbm>>
    %dma_start3A_1089 = arith.constant 0 : i32
    %dma_start3A_1090 = tpu.memref_slice %arg6[%select_n3A_1067, %select_n3A_1083, %dma_start3A_1089] : memref<3x32x1024xf32, #tpu.memory_space<hbm>> -> memref<1x1x1024xf32, #tpu.memory_space<hbm>>
    %dma_start3A_1091 = tpu.memref_squeeze %dma_start3A_1090 : memref<1x1x1024xf32, #tpu.memory_space<hbm>> -> memref<1024xf32, #tpu.memory_space<hbm>>
    %dma_start3A_1092 = arith.constant 0 : i32
    %dma_start3A_1093 = tpu.memref_slice %arg11[%dma_start3A_1092] : memref<3072xf32, #tpu.memory_space<vmem>> -> memref<1024xf32, #tpu.memory_space<vmem>>
    tpu.enqueue_dma source(%dma_start3A_1093 : memref<1024xf32, #tpu.memory_space<vmem>>) target(%dma_start3A_1091 : memref<1024xf32, #tpu.memory_space<hbm>>) target_semaphore(%arg14 : memref<!tpu.dma_semaphore, #tpu.memory_space<semaphore_mem>>)
    %dma_wait3A_1094 = arith.constant 3072 : i32
    %dma_wait3A_1095 = tpu.memref_slice %arg10[%dma_wait3A_1094] : memref<9216xf32, #tpu.memory_space<vmem>> -> memref<1024xf32, #tpu.memory_space<vmem>>
    %dma_wait3A_1096 = arith.constant 0 : i32
    %dma_wait3A_1097 = tpu.memref_slice %arg2[%select_n3A_604, %reduce_sum3A_640, %dma_wait3A_1096] : memref<3x6890x1024xf32, #tpu.memory_space<hbm>> -> memref<1x1x1024xf32, #tpu.memory_space<hbm>>
    %dma_wait3A_1098 = tpu.memref_squeeze %dma_wait3A_1097 : memref<1x1x1024xf32, #tpu.memory_space<hbm>> -> memref<1024xf32, #tpu.memory_space<hbm>>
    %dma_wait3A_1099 = arith.constant 3072 : i32
    %dma_wait3A_1100 = tpu.memref_slice %arg10[%dma_wait3A_1099] : memref<9216xf32, #tpu.memory_space<vmem>> -> memref<1024xf32, #tpu.memory_space<vmem>>
    %dma_wait3A_1101 = arith.constant 0 : i32
    %dma_wait3A_1102 = tpu.memref_slice %arg2[%select_n3A_604, %reduce_sum3A_640, %dma_wait3A_1101] : memref<3x6890x1024xf32, #tpu.memory_space<hbm>> -> memref<1x1x1024xf32, #tpu.memory_space<hbm>>
    %dma_wait3A_1103 = tpu.memref_squeeze %dma_wait3A_1102 : memref<1x1x1024xf32, #tpu.memory_space<hbm>> -> memref<1024xf32, #tpu.memory_space<hbm>>
    tpu.wait_dma2 semaphore(%arg13 : memref<!tpu.dma_semaphore, #tpu.memory_space<semaphore_mem>>) src(%dma_wait3A_1103 : memref<1024xf32, #tpu.memory_space<hbm>>) dst(%dma_wait3A_1100 : memref<1024xf32, #tpu.memory_space<vmem>>)
    %dma_wait3A_1104 = arith.constant 4096 : i32
    %dma_wait3A_1105 = tpu.memref_slice %arg10[%dma_wait3A_1104] : memref<9216xf32, #tpu.memory_space<vmem>> -> memref<1024xf32, #tpu.memory_space<vmem>>
    %dma_wait3A_1106 = arith.constant 0 : i32
    %dma_wait3A_1107 = tpu.memref_slice %arg2[%select_n3A_604, %reduce_sum3A_698, %dma_wait3A_1106] : memref<3x6890x1024xf32, #tpu.memory_space<hbm>> -> memref<1x1x1024xf32, #tpu.memory_space<hbm>>
    %dma_wait3A_1108 = tpu.memref_squeeze %dma_wait3A_1107 : memref<1x1x1024xf32, #tpu.memory_space<hbm>> -> memref<1024xf32, #tpu.memory_space<hbm>>
    %dma_wait3A_1109 = arith.constant 4096 : i32
    %dma_wait3A_1110 = tpu.memref_slice %arg10[%dma_wait3A_1109] : memref<9216xf32, #tpu.memory_space<vmem>> -> memref<1024xf32, #tpu.memory_space<vmem>>
    %dma_wait3A_1111 = arith.constant 0 : i32
    %dma_wait3A_1112 = tpu.memref_slice %arg2[%select_n3A_604, %reduce_sum3A_698, %dma_wait3A_1111] : memref<3x6890x1024xf32, #tpu.memory_space<hbm>> -> memref<1x1x1024xf32, #tpu.memory_space<hbm>>
    %dma_wait3A_1113 = tpu.memref_squeeze %dma_wait3A_1112 : memref<1x1x1024xf32, #tpu.memory_space<hbm>> -> memref<1024xf32, #tpu.memory_space<hbm>>
    tpu.wait_dma2 semaphore(%arg13 : memref<!tpu.dma_semaphore, #tpu.memory_space<semaphore_mem>>) src(%dma_wait3A_1113 : memref<1024xf32, #tpu.memory_space<hbm>>) dst(%dma_wait3A_1110 : memref<1024xf32, #tpu.memory_space<vmem>>)
    %dma_wait3A_1114 = arith.constant 5120 : i32
    %dma_wait3A_1115 = tpu.memref_slice %arg10[%dma_wait3A_1114] : memref<9216xf32, #tpu.memory_space<vmem>> -> memref<1024xf32, #tpu.memory_space<vmem>>
    %dma_wait3A_1116 = arith.constant 0 : i32
    %dma_wait3A_1117 = tpu.memref_slice %arg2[%select_n3A_604, %reduce_sum3A_756, %dma_wait3A_1116] : memref<3x6890x1024xf32, #tpu.memory_space<hbm>> -> memref<1x1x1024xf32, #tpu.memory_space<hbm>>
    %dma_wait3A_1118 = tpu.memref_squeeze %dma_wait3A_1117 : memref<1x1x1024xf32, #tpu.memory_space<hbm>> -> memref<1024xf32, #tpu.memory_space<hbm>>
    %dma_wait3A_1119 = arith.constant 5120 : i32
    %dma_wait3A_1120 = tpu.memref_slice %arg10[%dma_wait3A_1119] : memref<9216xf32, #tpu.memory_space<vmem>> -> memref<1024xf32, #tpu.memory_space<vmem>>
    %dma_wait3A_1121 = arith.constant 0 : i32
    %dma_wait3A_1122 = tpu.memref_slice %arg2[%select_n3A_604, %reduce_sum3A_756, %dma_wait3A_1121] : memref<3x6890x1024xf32, #tpu.memory_space<hbm>> -> memref<1x1x1024xf32, #tpu.memory_space<hbm>>
    %dma_wait3A_1123 = tpu.memref_squeeze %dma_wait3A_1122 : memref<1x1x1024xf32, #tpu.memory_space<hbm>> -> memref<1024xf32, #tpu.memory_space<hbm>>
    tpu.wait_dma2 semaphore(%arg13 : memref<!tpu.dma_semaphore, #tpu.memory_space<semaphore_mem>>) src(%dma_wait3A_1123 : memref<1024xf32, #tpu.memory_space<hbm>>) dst(%dma_wait3A_1120 : memref<1024xf32, #tpu.memory_space<vmem>>)
    %scan3A_1124 = arith.constant 0 : i32
    %scan3A_1125 = arith.constant 0 : i32
    %scan3A_1126 = arith.constant 8 : i32
    %scan3A_1127 = arith.addi %scan3A_1125, %scan3A_1126 : i32
    %scan3A_1128 = arith.constant 1 : i32
    scf.for %scan3A_1296 = %scan3A_1125 to %scan3A_1127 step %scan3A_1128  : i32 {
      %mul3A_1297 = arith.constant 128 : i32
      %mul3A_1298 = arith.muli %scan3A_1296, %mul3A_1297 : i32
      %multiple_of3A_1299 = tpu.assume_multiple %mul3A_1298, 128 : i32
      %add3A_1300 = arith.constant 0 : i32
      %add3A_1301 = arith.addi %multiple_of3A_1299, %add3A_1300 : i32
      %add3A_1302 = arith.constant 3072 : i32
      %add3A_1303 = arith.addi %add3A_1302, %add3A_1301 : i32
      %get3A_1304 = arith.index_cast %add3A_1303 : i32 to index
      %get3A_1305 = tpu.vector_load %arg10[%get3A_1304] {strides = array<i32>} : memref<9216xf32, #tpu.memory_space<vmem>>, vector<16xf32>,
      %mul3A_1306 = vector.broadcast %reduce_sum3A_678 : f32 to vector<16xf32>
      %mul3A_1307 = arith.mulf %mul3A_1306, %get3A_1305 : vector<16xf32>
      %add3A_1308 = arith.constant 4096 : i32
      %add3A_1309 = arith.addi %add3A_1308, %add3A_1301 : i32
      %get3A_1310 = arith.index_cast %add3A_1309 : i32 to index
      %get3A_1311 = tpu.vector_load %arg10[%get3A_1310] {strides = array<i32>} : memref<9216xf32, #tpu.memory_space<vmem>>, vector<16xf32>,
      %mul3A_1312 = vector.broadcast %reduce_sum3A_736 : f32 to vector<16xf32>
      %mul3A_1313 = arith.mulf %mul3A_1312, %get3A_1311 : vector<16xf32>
      %add3A_1314 = arith.addf %mul3A_1307, %mul3A_1313 : vector<16xf32>
      %add3A_1315 = arith.constant 5120 : i32
      %add3A_1316 = arith.addi %add3A_1315, %add3A_1301 : i32
      %get3A_1317 = arith.index_cast %add3A_1316 : i32 to index
      %get3A_1318 = tpu.vector_load %arg10[%get3A_1317] {strides = array<i32>} : memref<9216xf32, #tpu.memory_space<vmem>>, vector<16xf32>,
      %mul3A_1319 = vector.broadcast %reduce_sum3A_794 : f32 to vector<16xf32>
      %mul3A_1320 = arith.mulf %mul3A_1319, %get3A_1318 : vector<16xf32>
      %add3A_1321 = arith.addf %add3A_1314, %mul3A_1320 : vector<16xf32>
      %add3A_1322 = arith.constant 1024 : i32
      %add3A_1323 = arith.addi %add3A_1322, %add3A_1301 : i32
      %swap3A = arith.index_cast %add3A_1323 : i32 to index
      %swap3A_1324 = tpu.vector_load %arg11[%swap3A] {strides = array<i32>} : memref<3072xf32, #tpu.memory_space<vmem>>, vector<16xf32>,
      tpu.vector_store %arg11[%swap3A], %add3A_1321 {strides = array<i32>} : memref<3072xf32, #tpu.memory_space<vmem>>, vector<16xf32>,
      %add3A_1325 = arith.constant 16 : i32
      %add3A_1326 = arith.addi %multiple_of3A_1299, %add3A_1325 : i32
      %add3A_1327 = arith.constant 3072 : i32
      %add3A_1328 = arith.addi %add3A_1327, %add3A_1326 : i32
      %get3A_1329 = arith.index_cast %add3A_1328 : i32 to index
      %get3A_1330 = tpu.vector_load %arg10[%get3A_1329] {strides = array<i32>} : memref<9216xf32, #tpu.memory_space<vmem>>, vector<16xf32>,
      %mul3A_1331 = vector.broadcast %reduce_sum3A_678 : f32 to vector<16xf32>
      %mul3A_1332 = arith.mulf %mul3A_1331, %get3A_1330 : vector<16xf32>
      %add3A_1333 = arith.constant 4096 : i32
      %add3A_1334 = arith.addi %add3A_1333, %add3A_1326 : i32
      %get3A_1335 = arith.index_cast %add3A_1334 : i32 to index
      %get3A_1336 = tpu.vector_load %arg10[%get3A_1335] {strides = array<i32>} : memref<9216xf32, #tpu.memory_space<vmem>>, vector<16xf32>,
      %mul3A_1337 = vector.broadcast %reduce_sum3A_736 : f32 to vector<16xf32>
      %mul3A_1338 = arith.mulf %mul3A_1337, %get3A_1336 : vector<16xf32>
      %add3A_1339 = arith.addf %mul3A_1332, %mul3A_1338 : vector<16xf32>
      %add3A_1340 = arith.constant 5120 : i32
      %add3A_1341 = arith.addi %add3A_1340, %add3A_1326 : i32
      %get3A_1342 = arith.index_cast %add3A_1341 : i32 to index
      %get3A_1343 = tpu.vector_load %arg10[%get3A_1342] {strides = array<i32>} : memref<9216xf32, #tpu.memory_space<vmem>>, vector<16xf32>,
      %mul3A_1344 = vector.broadcast %reduce_sum3A_794 : f32 to vector<16xf32>
      %mul3A_1345 = arith.mulf %mul3A_1344, %get3A_1343 : vector<16xf32>
      %add3A_1346 = arith.addf %add3A_1339, %mul3A_1345 : vector<16xf32>
      %add3A_1347 = arith.constant 1024 : i32
      %add3A_1348 = arith.addi %add3A_1347, %add3A_1326 : i32
      %swap3A_1349 = arith.index_cast %add3A_1348 : i32 to index
      %swap3A_1350 = tpu.vector_load %arg11[%swap3A_1349] {strides = array<i32>} : memref<3072xf32, #tpu.memory_space<vmem>>, vector<16xf32>,
      tpu.vector_store %arg11[%swap3A_1349], %add3A_1346 {strides = array<i32>} : memref<3072xf32, #tpu.memory_space<vmem>>, vector<16xf32>,
      %add3A_1351 = arith.constant 32 : i32
      %add3A_1352 = arith.addi %multiple_of3A_1299, %add3A_1351 : i32
      %add3A_1353 = arith.constant 3072 : i32
      %add3A_1354 = arith.addi %add3A_1353, %add3A_1352 : i32
      %get3A_1355 = arith.index_cast %add3A_1354 : i32 to index
      %get3A_1356 = tpu.vector_load %arg10[%get3A_1355] {strides = array<i32>} : memref<9216xf32, #tpu.memory_space<vmem>>, vector<16xf32>,
      %mul3A_1357 = vector.broadcast %reduce_sum3A_678 : f32 to vector<16xf32>
      %mul3A_1358 = arith.mulf %mul3A_1357, %get3A_1356 : vector<16xf32>
      %add3A_1359 = arith.constant 4096 : i32
      %add3A_1360 = arith.addi %add3A_1359, %add3A_1352 : i32
      %get3A_1361 = arith.index_cast %add3A_1360 : i32 to index
      %get3A_1362 = tpu.vector_load %arg10[%get3A_1361] {strides = array<i32>} : memref<9216xf32, #tpu.memory_space<vmem>>, vector<16xf32>,
      %mul3A_1363 = vector.broadcast %reduce_sum3A_736 : f32 to vector<16xf32>
      %mul3A_1364 = arith.mulf %mul3A_1363, %get3A_1362 : vector<16xf32>
      %add3A_1365 = arith.addf %mul3A_1358, %mul3A_1364 : vector<16xf32>
      %add3A_1366 = arith.constant 5120 : i32
      %add3A_1367 = arith.addi %add3A_1366, %add3A_1352 : i32
      %get3A_1368 = arith.index_cast %add3A_1367 : i32 to index
      %get3A_1369 = tpu.vector_load %arg10[%get3A_1368] {strides = array<i32>} : memref<9216xf32, #tpu.memory_space<vmem>>, vector<16xf32>,
      %mul3A_1370 = vector.broadcast %reduce_sum3A_794 : f32 to vector<16xf32>
      %mul3A_1371 = arith.mulf %mul3A_1370, %get3A_1369 : vector<16xf32>
      %add3A_1372 = arith.addf %add3A_1365, %mul3A_1371 : vector<16xf32>
      %add3A_1373 = arith.constant 1024 : i32
      %add3A_1374 = arith.addi %add3A_1373, %add3A_1352 : i32
      %swap3A_1375 = arith.index_cast %add3A_1374 : i32 to index
      %swap3A_1376 = tpu.vector_load %arg11[%swap3A_1375] {strides = array<i32>} : memref<3072xf32, #tpu.memory_space<vmem>>, vector<16xf32>,
      tpu.vector_store %arg11[%swap3A_1375], %add3A_1372 {strides = array<i32>} : memref<3072xf32, #tpu.memory_space<vmem>>, vector<16xf32>,
      %add3A_1377 = arith.constant 48 : i32
      %add3A_1378 = arith.addi %multiple_of3A_1299, %add3A_1377 : i32
      %add3A_1379 = arith.constant 3072 : i32
      %add3A_1380 = arith.addi %add3A_1379, %add3A_1378 : i32
      %get3A_1381 = arith.index_cast %add3A_1380 : i32 to index
      %get3A_1382 = tpu.vector_load %arg10[%get3A_1381] {strides = array<i32>} : memref<9216xf32, #tpu.memory_space<vmem>>, vector<16xf32>,
      %mul3A_1383 = vector.broadcast %reduce_sum3A_678 : f32 to vector<16xf32>
      %mul3A_1384 = arith.mulf %mul3A_1383, %get3A_1382 : vector<16xf32>
      %add3A_1385 = arith.constant 4096 : i32
      %add3A_1386 = arith.addi %add3A_1385, %add3A_1378 : i32
      %get3A_1387 = arith.index_cast %add3A_1386 : i32 to index
      %get3A_1388 = tpu.vector_load %arg10[%get3A_1387] {strides = array<i32>} : memref<9216xf32, #tpu.memory_space<vmem>>, vector<16xf32>,
      %mul3A_1389 = vector.broadcast %reduce_sum3A_736 : f32 to vector<16xf32>
      %mul3A_1390 = arith.mulf %mul3A_1389, %get3A_1388 : vector<16xf32>
      %add3A_1391 = arith.addf %mul3A_1384, %mul3A_1390 : vector<16xf32>
      %add3A_1392 = arith.constant 5120 : i32
      %add3A_1393 = arith.addi %add3A_1392, %add3A_1378 : i32
      %get3A_1394 = arith.index_cast %add3A_1393 : i32 to index
      %get3A_1395 = tpu.vector_load %arg10[%get3A_1394] {strides = array<i32>} : memref<9216xf32, #tpu.memory_space<vmem>>, vector<16xf32>,
      %mul3A_1396 = vector.broadcast %reduce_sum3A_794 : f32 to vector<16xf32>
      %mul3A_1397 = arith.mulf %mul3A_1396, %get3A_1395 : vector<16xf32>
      %add3A_1398 = arith.addf %add3A_1391, %mul3A_1397 : vector<16xf32>
      %add3A_1399 = arith.constant 1024 : i32
      %add3A_1400 = arith.addi %add3A_1399, %add3A_1378 : i32
      %swap3A_1401 = arith.index_cast %add3A_1400 : i32 to index
      %swap3A_1402 = tpu.vector_load %arg11[%swap3A_1401] {strides = array<i32>} : memref<3072xf32, #tpu.memory_space<vmem>>, vector<16xf32>,
      tpu.vector_store %arg11[%swap3A_1401], %add3A_1398 {strides = array<i32>} : memref<3072xf32, #tpu.memory_space<vmem>>, vector<16xf32>,
      %add3A_1403 = arith.constant 64 : i32
      %add3A_1404 = arith.addi %multiple_of3A_1299, %add3A_1403 : i32
      %add3A_1405 = arith.constant 3072 : i32
      %add3A_1406 = arith.addi %add3A_1405, %add3A_1404 : i32
      %get3A_1407 = arith.index_cast %add3A_1406 : i32 to index
      %get3A_1408 = tpu.vector_load %arg10[%get3A_1407] {strides = array<i32>} : memref<9216xf32, #tpu.memory_space<vmem>>, vector<16xf32>,
      %mul3A_1409 = vector.broadcast %reduce_sum3A_678 : f32 to vector<16xf32>
      %mul3A_1410 = arith.mulf %mul3A_1409, %get3A_1408 : vector<16xf32>
      %add3A_1411 = arith.constant 4096 : i32
      %add3A_1412 = arith.addi %add3A_1411, %add3A_1404 : i32
      %get3A_1413 = arith.index_cast %add3A_1412 : i32 to index
      %get3A_1414 = tpu.vector_load %arg10[%get3A_1413] {strides = array<i32>} : memref<9216xf32, #tpu.memory_space<vmem>>, vector<16xf32>,
      %mul3A_1415 = vector.broadcast %reduce_sum3A_736 : f32 to vector<16xf32>
      %mul3A_1416 = arith.mulf %mul3A_1415, %get3A_1414 : vector<16xf32>
      %add3A_1417 = arith.addf %mul3A_1410, %mul3A_1416 : vector<16xf32>
      %add3A_1418 = arith.constant 5120 : i32
      %add3A_1419 = arith.addi %add3A_1418, %add3A_1404 : i32
      %get3A_1420 = arith.index_cast %add3A_1419 : i32 to index
      %get3A_1421 = tpu.vector_load %arg10[%get3A_1420] {strides = array<i32>} : memref<9216xf32, #tpu.memory_space<vmem>>, vector<16xf32>,
      %mul3A_1422 = vector.broadcast %reduce_sum3A_794 : f32 to vector<16xf32>
      %mul3A_1423 = arith.mulf %mul3A_1422, %get3A_1421 : vector<16xf32>
      %add3A_1424 = arith.addf %add3A_1417, %mul3A_1423 : vector<16xf32>
      %add3A_1425 = arith.constant 1024 : i32
      %add3A_1426 = arith.addi %add3A_1425, %add3A_1404 : i32
      %swap3A_1427 = arith.index_cast %add3A_1426 : i32 to index
      %swap3A_1428 = tpu.vector_load %arg11[%swap3A_1427] {strides = array<i32>} : memref<3072xf32, #tpu.memory_space<vmem>>, vector<16xf32>,
      tpu.vector_store %arg11[%swap3A_1427], %add3A_1424 {strides = array<i32>} : memref<3072xf32, #tpu.memory_space<vmem>>, vector<16xf32>,
      %add3A_1429 = arith.constant 80 : i32
      %add3A_1430 = arith.addi %multiple_of3A_1299, %add3A_1429 : i32
      %add3A_1431 = arith.constant 3072 : i32
      %add3A_1432 = arith.addi %add3A_1431, %add3A_1430 : i32
      %get3A_1433 = arith.index_cast %add3A_1432 : i32 to index
      %get3A_1434 = tpu.vector_load %arg10[%get3A_1433] {strides = array<i32>} : memref<9216xf32, #tpu.memory_space<vmem>>, vector<16xf32>,
      %mul3A_1435 = vector.broadcast %reduce_sum3A_678 : f32 to vector<16xf32>
      %mul3A_1436 = arith.mulf %mul3A_1435, %get3A_1434 : vector<16xf32>
      %add3A_1437 = arith.constant 4096 : i32
      %add3A_1438 = arith.addi %add3A_1437, %add3A_1430 : i32
      %get3A_1439 = arith.index_cast %add3A_1438 : i32 to index
      %get3A_1440 = tpu.vector_load %arg10[%get3A_1439] {strides = array<i32>} : memref<9216xf32, #tpu.memory_space<vmem>>, vector<16xf32>,
      %mul3A_1441 = vector.broadcast %reduce_sum3A_736 : f32 to vector<16xf32>
      %mul3A_1442 = arith.mulf %mul3A_1441, %get3A_1440 : vector<16xf32>
      %add3A_1443 = arith.addf %mul3A_1436, %mul3A_1442 : vector<16xf32>
      %add3A_1444 = arith.constant 5120 : i32
      %add3A_1445 = arith.addi %add3A_1444, %add3A_1430 : i32
      %get3A_1446 = arith.index_cast %add3A_1445 : i32 to index
      %get3A_1447 = tpu.vector_load %arg10[%get3A_1446] {strides = array<i32>} : memref<9216xf32, #tpu.memory_space<vmem>>, vector<16xf32>,
      %mul3A_1448 = vector.broadcast %reduce_sum3A_794 : f32 to vector<16xf32>
      %mul3A_1449 = arith.mulf %mul3A_1448, %get3A_1447 : vector<16xf32>
      %add3A_1450 = arith.addf %add3A_1443, %mul3A_1449 : vector<16xf32>
      %add3A_1451 = arith.constant 1024 : i32
      %add3A_1452 = arith.addi %add3A_1451, %add3A_1430 : i32
      %swap3A_1453 = arith.index_cast %add3A_1452 : i32 to index
      %swap3A_1454 = tpu.vector_load %arg11[%swap3A_1453] {strides = array<i32>} : memref<3072xf32, #tpu.memory_space<vmem>>, vector<16xf32>,
      tpu.vector_store %arg11[%swap3A_1453], %add3A_1450 {strides = array<i32>} : memref<3072xf32, #tpu.memory_space<vmem>>, vector<16xf32>,
      %add3A_1455 = arith.constant 96 : i32
      %add3A_1456 = arith.addi %multiple_of3A_1299, %add3A_1455 : i32
      %add3A_1457 = arith.constant 3072 : i32
      %add3A_1458 = arith.addi %add3A_1457, %add3A_1456 : i32
      %get3A_1459 = arith.index_cast %add3A_1458 : i32 to index
      %get3A_1460 = tpu.vector_load %arg10[%get3A_1459] {strides = array<i32>} : memref<9216xf32, #tpu.memory_space<vmem>>, vector<16xf32>,
      %mul3A_1461 = vector.broadcast %reduce_sum3A_678 : f32 to vector<16xf32>
      %mul3A_1462 = arith.mulf %mul3A_1461, %get3A_1460 : vector<16xf32>
      %add3A_1463 = arith.constant 4096 : i32
      %add3A_1464 = arith.addi %add3A_1463, %add3A_1456 : i32
      %get3A_1465 = arith.index_cast %add3A_1464 : i32 to index
      %get3A_1466 = tpu.vector_load %arg10[%get3A_1465] {strides = array<i32>} : memref<9216xf32, #tpu.memory_space<vmem>>, vector<16xf32>,
      %mul3A_1467 = vector.broadcast %reduce_sum3A_736 : f32 to vector<16xf32>
      %mul3A_1468 = arith.mulf %mul3A_1467, %get3A_1466 : vector<16xf32>
      %add3A_1469 = arith.addf %mul3A_1462, %mul3A_1468 : vector<16xf32>
      %add3A_1470 = arith.constant 5120 : i32
      %add3A_1471 = arith.addi %add3A_1470, %add3A_1456 : i32
      %get3A_1472 = arith.index_cast %add3A_1471 : i32 to index
      %get3A_1473 = tpu.vector_load %arg10[%get3A_1472] {strides = array<i32>} : memref<9216xf32, #tpu.memory_space<vmem>>, vector<16xf32>,
      %mul3A_1474 = vector.broadcast %reduce_sum3A_794 : f32 to vector<16xf32>
      %mul3A_1475 = arith.mulf %mul3A_1474, %get3A_1473 : vector<16xf32>
      %add3A_1476 = arith.addf %add3A_1469, %mul3A_1475 : vector<16xf32>
      %add3A_1477 = arith.constant 1024 : i32
      %add3A_1478 = arith.addi %add3A_1477, %add3A_1456 : i32
      %swap3A_1479 = arith.index_cast %add3A_1478 : i32 to index
      %swap3A_1480 = tpu.vector_load %arg11[%swap3A_1479] {strides = array<i32>} : memref<3072xf32, #tpu.memory_space<vmem>>, vector<16xf32>,
      tpu.vector_store %arg11[%swap3A_1479], %add3A_1476 {strides = array<i32>} : memref<3072xf32, #tpu.memory_space<vmem>>, vector<16xf32>,
      %add3A_1481 = arith.constant 112 : i32
      %add3A_1482 = arith.addi %multiple_of3A_1299, %add3A_1481 : i32
      %add3A_1483 = arith.constant 3072 : i32
      %add3A_1484 = arith.addi %add3A_1483, %add3A_1482 : i32
      %get3A_1485 = arith.index_cast %add3A_1484 : i32 to index
      %get3A_1486 = tpu.vector_load %arg10[%get3A_1485] {strides = array<i32>} : memref<9216xf32, #tpu.memory_space<vmem>>, vector<16xf32>,
      %mul3A_1487 = vector.broadcast %reduce_sum3A_678 : f32 to vector<16xf32>
      %mul3A_1488 = arith.mulf %mul3A_1487, %get3A_1486 : vector<16xf32>
      %add3A_1489 = arith.constant 4096 : i32
      %add3A_1490 = arith.addi %add3A_1489, %add3A_1482 : i32
      %get3A_1491 = arith.index_cast %add3A_1490 : i32 to index
      %get3A_1492 = tpu.vector_load %arg10[%get3A_1491] {strides = array<i32>} : memref<9216xf32, #tpu.memory_space<vmem>>, vector<16xf32>,
      %mul3A_1493 = vector.broadcast %reduce_sum3A_736 : f32 to vector<16xf32>
      %mul3A_1494 = arith.mulf %mul3A_1493, %get3A_1492 : vector<16xf32>
      %add3A_1495 = arith.addf %mul3A_1488, %mul3A_1494 : vector<16xf32>
      %add3A_1496 = arith.constant 5120 : i32
      %add3A_1497 = arith.addi %add3A_1496, %add3A_1482 : i32
      %get3A_1498 = arith.index_cast %add3A_1497 : i32 to index
      %get3A_1499 = tpu.vector_load %arg10[%get3A_1498] {strides = array<i32>} : memref<9216xf32, #tpu.memory_space<vmem>>, vector<16xf32>,
      %mul3A_1500 = vector.broadcast %reduce_sum3A_794 : f32 to vector<16xf32>
      %mul3A_1501 = arith.mulf %mul3A_1500, %get3A_1499 : vector<16xf32>
      %add3A_1502 = arith.addf %add3A_1495, %mul3A_1501 : vector<16xf32>
      %add3A_1503 = arith.constant 1024 : i32
      %add3A_1504 = arith.addi %add3A_1503, %add3A_1482 : i32
      %swap3A_1505 = arith.index_cast %add3A_1504 : i32 to index
      %swap3A_1506 = tpu.vector_load %arg11[%swap3A_1505] {strides = array<i32>} : memref<3072xf32, #tpu.memory_space<vmem>>, vector<16xf32>,
      tpu.vector_store %arg11[%swap3A_1505], %add3A_1502 {strides = array<i32>} : memref<3072xf32, #tpu.memory_space<vmem>>, vector<16xf32>,
    }
    %scan3A_1129 = arith.constant 8 : i32
    %jit3A_1130 = arith.constant 32 : i32
    %div3A_1131 = arith.divsi %add3A_35, %jit3A_1130 : i32
    %sign3A_1132 = arith.constant 0 : i32
    %sign3A_1133 = arith.cmpi sgt, %add3A_35, %sign3A_1132 : i32
    %sign3A_1134 = arith.extui %sign3A_1133 : i1 to i32
    %sign3A_1135 = arith.constant 0 : i32
    %sign3A_1136 = arith.cmpi slt, %add3A_35, %sign3A_1135 : i32
    %sign3A_1137 = arith.extui %sign3A_1136 : i1 to i32
    %sign3A_1138 = arith.subi %sign3A_1134, %sign3A_1137 : i32
    %sign3A_1139 = arith.constant 0 : i32
    %sign3A_1140 = arith.cmpi sgt, %jit3A_1130, %sign3A_1139 : i32
    %sign3A_1141 = arith.extui %sign3A_1140 : i1 to i32
    %sign3A_1142 = arith.constant 0 : i32
    %sign3A_1143 = arith.cmpi slt, %jit3A_1130, %sign3A_1142 : i32
    %sign3A_1144 = arith.extui %sign3A_1143 : i1 to i32
    %sign3A_1145 = arith.subi %sign3A_1141, %sign3A_1144 : i32
    %ne3A_1146 = arith.cmpi ne, %sign3A_1138, %sign3A_1145 : i32
    %rem3A_1147 = arith.remsi %add3A_35, %jit3A_1130 : i32
    %ne3A_1148 = arith.constant 0 : i32
    %ne3A_1149 = arith.cmpi ne, %rem3A_1147, %ne3A_1148 : i32
    %and3A_1150 = arith.andi %ne3A_1146, %ne3A_1149 : i1
    %sub3A_1151 = arith.constant 1 : i32
    %sub3A_1152 = arith.subi %div3A_1131, %sub3A_1151 : i32
    %select_n3A_1153 = arith.select %and3A_1150, %sub3A_1152, %div3A_1131 : i32
    %jit3A_1154 = arith.constant 32 : i32
    %eq3A_1155 = arith.constant 0 : i32
    %eq3A_1156 = arith.cmpi eq, %jit3A_1154, %eq3A_1155 : i32
    %jit3A_1157 = arith.constant 1 : i32
    %select_n3A_1158 = arith.select %eq3A_1156, %jit3A_1157, %jit3A_1154 : i32
    %rem3A_1159 = arith.remsi %add3A_35, %select_n3A_1158 : i32
    %ne3A_1160 = arith.constant 0 : i32
    %ne3A_1161 = arith.cmpi ne, %rem3A_1159, %ne3A_1160 : i32
    %lt3A_1162 = arith.constant 0 : i32
    %lt3A_1163 = arith.cmpi slt, %rem3A_1159, %lt3A_1162 : i32
    %lt3A_1164 = arith.constant 0 : i32
    %lt3A_1165 = arith.cmpi slt, %select_n3A_1158, %lt3A_1164 : i32
    %ne3A_1166 = arith.xori %lt3A_1163, %lt3A_1165 : i1
    %and3A_1167 = arith.andi %ne3A_1166, %ne3A_1161 : i1
    %add3A_1168 = arith.addi %rem3A_1159, %select_n3A_1158 : i32
    %select_n3A_1169 = arith.select %and3A_1167, %add3A_1168, %rem3A_1159 : i32
    %dma_start3A_1170 = arith.constant 1024 : i32
    %dma_start3A_1171 = tpu.memref_slice %arg11[%dma_start3A_1170] : memref<3072xf32, #tpu.memory_space<vmem>> -> memref<1024xf32, #tpu.memory_space<vmem>>
    %dma_start3A_1172 = arith.constant 0 : i32
    %dma_start3A_1173 = tpu.memref_slice %arg6[%select_n3A_1153, %select_n3A_1169, %dma_start3A_1172] : memref<3x32x1024xf32, #tpu.memory_space<hbm>> -> memref<1x1x1024xf32, #tpu.memory_space<hbm>>
    %dma_start3A_1174 = tpu.memref_squeeze %dma_start3A_1173 : memref<1x1x1024xf32, #tpu.memory_space<hbm>> -> memref<1024xf32, #tpu.memory_space<hbm>>
    %dma_start3A_1175 = arith.constant 0 : i32
    %dma_start3A_1176 = tpu.memref_slice %arg6[%select_n3A_1153, %select_n3A_1169, %dma_start3A_1175] : memref<3x32x1024xf32, #tpu.memory_space<hbm>> -> memref<1x1x1024xf32, #tpu.memory_space<hbm>>
    %dma_start3A_1177 = tpu.memref_squeeze %dma_start3A_1176 : memref<1x1x1024xf32, #tpu.memory_space<hbm>> -> memref<1024xf32, #tpu.memory_space<hbm>>
    %dma_start3A_1178 = arith.constant 1024 : i32
    %dma_start3A_1179 = tpu.memref_slice %arg11[%dma_start3A_1178] : memref<3072xf32, #tpu.memory_space<vmem>> -> memref<1024xf32, #tpu.memory_space<vmem>>
    tpu.enqueue_dma source(%dma_start3A_1179 : memref<1024xf32, #tpu.memory_space<vmem>>) target(%dma_start3A_1177 : memref<1024xf32, #tpu.memory_space<hbm>>) target_semaphore(%arg14 : memref<!tpu.dma_semaphore, #tpu.memory_space<semaphore_mem>>)
    %dma_wait3A_1180 = arith.constant 6144 : i32
    %dma_wait3A_1181 = tpu.memref_slice %arg10[%dma_wait3A_1180] : memref<9216xf32, #tpu.memory_space<vmem>> -> memref<1024xf32, #tpu.memory_space<vmem>>
    %dma_wait3A_1182 = arith.constant 0 : i32
    %dma_wait3A_1183 = tpu.memref_slice %arg2[%select_n3A_818, %reduce_sum3A_854, %dma_wait3A_1182] : memref<3x6890x1024xf32, #tpu.memory_space<hbm>> -> memref<1x1x1024xf32, #tpu.memory_space<hbm>>
    %dma_wait3A_1184 = tpu.memref_squeeze %dma_wait3A_1183 : memref<1x1x1024xf32, #tpu.memory_space<hbm>> -> memref<1024xf32, #tpu.memory_space<hbm>>
    %dma_wait3A_1185 = arith.constant 6144 : i32
    %dma_wait3A_1186 = tpu.memref_slice %arg10[%dma_wait3A_1185] : memref<9216xf32, #tpu.memory_space<vmem>> -> memref<1024xf32, #tpu.memory_space<vmem>>
    %dma_wait3A_1187 = arith.constant 0 : i32
    %dma_wait3A_1188 = tpu.memref_slice %arg2[%select_n3A_818, %reduce_sum3A_854, %dma_wait3A_1187] : memref<3x6890x1024xf32, #tpu.memory_space<hbm>> -> memref<1x1x1024xf32, #tpu.memory_space<hbm>>
    %dma_wait3A_1189 = tpu.memref_squeeze %dma_wait3A_1188 : memref<1x1x1024xf32, #tpu.memory_space<hbm>> -> memref<1024xf32, #tpu.memory_space<hbm>>
    tpu.wait_dma2 semaphore(%arg13 : memref<!tpu.dma_semaphore, #tpu.memory_space<semaphore_mem>>) src(%dma_wait3A_1189 : memref<1024xf32, #tpu.memory_space<hbm>>) dst(%dma_wait3A_1186 : memref<1024xf32, #tpu.memory_space<vmem>>)
    %dma_wait3A_1190 = arith.constant 7168 : i32
    %dma_wait3A_1191 = tpu.memref_slice %arg10[%dma_wait3A_1190] : memref<9216xf32, #tpu.memory_space<vmem>> -> memref<1024xf32, #tpu.memory_space<vmem>>
    %dma_wait3A_1192 = arith.constant 0 : i32
    %dma_wait3A_1193 = tpu.memref_slice %arg2[%select_n3A_818, %reduce_sum3A_912, %dma_wait3A_1192] : memref<3x6890x1024xf32, #tpu.memory_space<hbm>> -> memref<1x1x1024xf32, #tpu.memory_space<hbm>>
    %dma_wait3A_1194 = tpu.memref_squeeze %dma_wait3A_1193 : memref<1x1x1024xf32, #tpu.memory_space<hbm>> -> memref<1024xf32, #tpu.memory_space<hbm>>
    %dma_wait3A_1195 = arith.constant 7168 : i32
    %dma_wait3A_1196 = tpu.memref_slice %arg10[%dma_wait3A_1195] : memref<9216xf32, #tpu.memory_space<vmem>> -> memref<1024xf32, #tpu.memory_space<vmem>>
    %dma_wait3A_1197 = arith.constant 0 : i32
    %dma_wait3A_1198 = tpu.memref_slice %arg2[%select_n3A_818, %reduce_sum3A_912, %dma_wait3A_1197] : memref<3x6890x1024xf32, #tpu.memory_space<hbm>> -> memref<1x1x1024xf32, #tpu.memory_space<hbm>>
    %dma_wait3A_1199 = tpu.memref_squeeze %dma_wait3A_1198 : memref<1x1x1024xf32, #tpu.memory_space<hbm>> -> memref<1024xf32, #tpu.memory_space<hbm>>
    tpu.wait_dma2 semaphore(%arg13 : memref<!tpu.dma_semaphore, #tpu.memory_space<semaphore_mem>>) src(%dma_wait3A_1199 : memref<1024xf32, #tpu.memory_space<hbm>>) dst(%dma_wait3A_1196 : memref<1024xf32, #tpu.memory_space<vmem>>)
    %dma_wait3A_1200 = arith.constant 8192 : i32
    %dma_wait3A_1201 = tpu.memref_slice %arg10[%dma_wait3A_1200] : memref<9216xf32, #tpu.memory_space<vmem>> -> memref<1024xf32, #tpu.memory_space<vmem>>
    %dma_wait3A_1202 = arith.constant 0 : i32
    %dma_wait3A_1203 = tpu.memref_slice %arg2[%select_n3A_818, %reduce_sum3A_970, %dma_wait3A_1202] : memref<3x6890x1024xf32, #tpu.memory_space<hbm>> -> memref<1x1x1024xf32, #tpu.memory_space<hbm>>
    %dma_wait3A_1204 = tpu.memref_squeeze %dma_wait3A_1203 : memref<1x1x1024xf32, #tpu.memory_space<hbm>> -> memref<1024xf32, #tpu.memory_space<hbm>>
    %dma_wait3A_1205 = arith.constant 8192 : i32
    %dma_wait3A_1206 = tpu.memref_slice %arg10[%dma_wait3A_1205] : memref<9216xf32, #tpu.memory_space<vmem>> -> memref<1024xf32, #tpu.memory_space<vmem>>
    %dma_wait3A_1207 = arith.constant 0 : i32
    %dma_wait3A_1208 = tpu.memref_slice %arg2[%select_n3A_818, %reduce_sum3A_970, %dma_wait3A_1207] : memref<3x6890x1024xf32, #tpu.memory_space<hbm>> -> memref<1x1x1024xf32, #tpu.memory_space<hbm>>
    %dma_wait3A_1209 = tpu.memref_squeeze %dma_wait3A_1208 : memref<1x1x1024xf32, #tpu.memory_space<hbm>> -> memref<1024xf32, #tpu.memory_space<hbm>>
    tpu.wait_dma2 semaphore(%arg13 : memref<!tpu.dma_semaphore, #tpu.memory_space<semaphore_mem>>) src(%dma_wait3A_1209 : memref<1024xf32, #tpu.memory_space<hbm>>) dst(%dma_wait3A_1206 : memref<1024xf32, #tpu.memory_space<vmem>>)
    %scan3A_1210 = arith.constant 0 : i32
    %scan3A_1211 = arith.constant 0 : i32
    %scan3A_1212 = arith.constant 8 : i32
    %scan3A_1213 = arith.addi %scan3A_1211, %scan3A_1212 : i32
    %scan3A_1214 = arith.constant 1 : i32
    scf.for %scan3A_1296 = %scan3A_1211 to %scan3A_1213 step %scan3A_1214  : i32 {
      %mul3A_1297 = arith.constant 128 : i32
      %mul3A_1298 = arith.muli %scan3A_1296, %mul3A_1297 : i32
      %multiple_of3A_1299 = tpu.assume_multiple %mul3A_1298, 128 : i32
      %add3A_1300 = arith.constant 0 : i32
      %add3A_1301 = arith.addi %multiple_of3A_1299, %add3A_1300 : i32
      %add3A_1302 = arith.constant 6144 : i32
      %add3A_1303 = arith.addi %add3A_1302, %add3A_1301 : i32
      %get3A_1304 = arith.index_cast %add3A_1303 : i32 to index
      %get3A_1305 = tpu.vector_load %arg10[%get3A_1304] {strides = array<i32>} : memref<9216xf32, #tpu.memory_space<vmem>>, vector<16xf32>,
      %mul3A_1306 = vector.broadcast %reduce_sum3A_892 : f32 to vector<16xf32>
      %mul3A_1307 = arith.mulf %mul3A_1306, %get3A_1305 : vector<16xf32>
      %add3A_1308 = arith.constant 7168 : i32
      %add3A_1309 = arith.addi %add3A_1308, %add3A_1301 : i32
      %get3A_1310 = arith.index_cast %add3A_1309 : i32 to index
      %get3A_1311 = tpu.vector_load %arg10[%get3A_1310] {strides = array<i32>} : memref<9216xf32, #tpu.memory_space<vmem>>, vector<16xf32>,
      %mul3A_1312 = vector.broadcast %reduce_sum3A_950 : f32 to vector<16xf32>
      %mul3A_1313 = arith.mulf %mul3A_1312, %get3A_1311 : vector<16xf32>
      %add3A_1314 = arith.addf %mul3A_1307, %mul3A_1313 : vector<16xf32>
      %add3A_1315 = arith.constant 8192 : i32
      %add3A_1316 = arith.addi %add3A_1315, %add3A_1301 : i32
      %get3A_1317 = arith.index_cast %add3A_1316 : i32 to index
      %get3A_1318 = tpu.vector_load %arg10[%get3A_1317] {strides = array<i32>} : memref<9216xf32, #tpu.memory_space<vmem>>, vector<16xf32>,
      %mul3A_1319 = vector.broadcast %reduce_sum3A_1008 : f32 to vector<16xf32>
      %mul3A_1320 = arith.mulf %mul3A_1319, %get3A_1318 : vector<16xf32>
      %add3A_1321 = arith.addf %add3A_1314, %mul3A_1320 : vector<16xf32>
      %add3A_1322 = arith.constant 2048 : i32
      %add3A_1323 = arith.addi %add3A_1322, %add3A_1301 : i32
      %swap3A = arith.index_cast %add3A_1323 : i32 to index
      %swap3A_1324 = tpu.vector_load %arg11[%swap3A] {strides = array<i32>} : memref<3072xf32, #tpu.memory_space<vmem>>, vector<16xf32>,
      tpu.vector_store %arg11[%swap3A], %add3A_1321 {strides = array<i32>} : memref<3072xf32, #tpu.memory_space<vmem>>, vector<16xf32>,
      %add3A_1325 = arith.constant 16 : i32
      %add3A_1326 = arith.addi %multiple_of3A_1299, %add3A_1325 : i32
      %add3A_1327 = arith.constant 6144 : i32
      %add3A_1328 = arith.addi %add3A_1327, %add3A_1326 : i32
      %get3A_1329 = arith.index_cast %add3A_1328 : i32 to index
      %get3A_1330 = tpu.vector_load %arg10[%get3A_1329] {strides = array<i32>} : memref<9216xf32, #tpu.memory_space<vmem>>, vector<16xf32>,
      %mul3A_1331 = vector.broadcast %reduce_sum3A_892 : f32 to vector<16xf32>
      %mul3A_1332 = arith.mulf %mul3A_1331, %get3A_1330 : vector<16xf32>
      %add3A_1333 = arith.constant 7168 : i32
      %add3A_1334 = arith.addi %add3A_1333, %add3A_1326 : i32
      %get3A_1335 = arith.index_cast %add3A_1334 : i32 to index
      %get3A_1336 = tpu.vector_load %arg10[%get3A_1335] {strides = array<i32>} : memref<9216xf32, #tpu.memory_space<vmem>>, vector<16xf32>,
      %mul3A_1337 = vector.broadcast %reduce_sum3A_950 : f32 to vector<16xf32>
      %mul3A_1338 = arith.mulf %mul3A_1337, %get3A_1336 : vector<16xf32>
      %add3A_1339 = arith.addf %mul3A_1332, %mul3A_1338 : vector<16xf32>
      %add3A_1340 = arith.constant 8192 : i32
      %add3A_1341 = arith.addi %add3A_1340, %add3A_1326 : i32
      %get3A_1342 = arith.index_cast %add3A_1341 : i32 to index
      %get3A_1343 = tpu.vector_load %arg10[%get3A_1342] {strides = array<i32>} : memref<9216xf32, #tpu.memory_space<vmem>>, vector<16xf32>,
      %mul3A_1344 = vector.broadcast %reduce_sum3A_1008 : f32 to vector<16xf32>
      %mul3A_1345 = arith.mulf %mul3A_1344, %get3A_1343 : vector<16xf32>
      %add3A_1346 = arith.addf %add3A_1339, %mul3A_1345 : vector<16xf32>
      %add3A_1347 = arith.constant 2048 : i32
      %add3A_1348 = arith.addi %add3A_1347, %add3A_1326 : i32
      %swap3A_1349 = arith.index_cast %add3A_1348 : i32 to index
      %swap3A_1350 = tpu.vector_load %arg11[%swap3A_1349] {strides = array<i32>} : memref<3072xf32, #tpu.memory_space<vmem>>, vector<16xf32>,
      tpu.vector_store %arg11[%swap3A_1349], %add3A_1346 {strides = array<i32>} : memref<3072xf32, #tpu.memory_space<vmem>>, vector<16xf32>,
      %add3A_1351 = arith.constant 32 : i32
      %add3A_1352 = arith.addi %multiple_of3A_1299, %add3A_1351 : i32
      %add3A_1353 = arith.constant 6144 : i32
      %add3A_1354 = arith.addi %add3A_1353, %add3A_1352 : i32
      %get3A_1355 = arith.index_cast %add3A_1354 : i32 to index
      %get3A_1356 = tpu.vector_load %arg10[%get3A_1355] {strides = array<i32>} : memref<9216xf32, #tpu.memory_space<vmem>>, vector<16xf32>,
      %mul3A_1357 = vector.broadcast %reduce_sum3A_892 : f32 to vector<16xf32>
      %mul3A_1358 = arith.mulf %mul3A_1357, %get3A_1356 : vector<16xf32>
      %add3A_1359 = arith.constant 7168 : i32
      %add3A_1360 = arith.addi %add3A_1359, %add3A_1352 : i32
      %get3A_1361 = arith.index_cast %add3A_1360 : i32 to index
      %get3A_1362 = tpu.vector_load %arg10[%get3A_1361] {strides = array<i32>} : memref<9216xf32, #tpu.memory_space<vmem>>, vector<16xf32>,
      %mul3A_1363 = vector.broadcast %reduce_sum3A_950 : f32 to vector<16xf32>
      %mul3A_1364 = arith.mulf %mul3A_1363, %get3A_1362 : vector<16xf32>
      %add3A_1365 = arith.addf %mul3A_1358, %mul3A_1364 : vector<16xf32>
      %add3A_1366 = arith.constant 8192 : i32
      %add3A_1367 = arith.addi %add3A_1366, %add3A_1352 : i32
      %get3A_1368 = arith.index_cast %add3A_1367 : i32 to index
      %get3A_1369 = tpu.vector_load %arg10[%get3A_1368] {strides = array<i32>} : memref<9216xf32, #tpu.memory_space<vmem>>, vector<16xf32>,
      %mul3A_1370 = vector.broadcast %reduce_sum3A_1008 : f32 to vector<16xf32>
      %mul3A_1371 = arith.mulf %mul3A_1370, %get3A_1369 : vector<16xf32>
      %add3A_1372 = arith.addf %add3A_1365, %mul3A_1371 : vector<16xf32>
      %add3A_1373 = arith.constant 2048 : i32
      %add3A_1374 = arith.addi %add3A_1373, %add3A_1352 : i32
      %swap3A_1375 = arith.index_cast %add3A_1374 : i32 to index
      %swap3A_1376 = tpu.vector_load %arg11[%swap3A_1375] {strides = array<i32>} : memref<3072xf32, #tpu.memory_space<vmem>>, vector<16xf32>,
      tpu.vector_store %arg11[%swap3A_1375], %add3A_1372 {strides = array<i32>} : memref<3072xf32, #tpu.memory_space<vmem>>, vector<16xf32>,
      %add3A_1377 = arith.constant 48 : i32
      %add3A_1378 = arith.addi %multiple_of3A_1299, %add3A_1377 : i32
      %add3A_1379 = arith.constant 6144 : i32
      %add3A_1380 = arith.addi %add3A_1379, %add3A_1378 : i32
      %get3A_1381 = arith.index_cast %add3A_1380 : i32 to index
      %get3A_1382 = tpu.vector_load %arg10[%get3A_1381] {strides = array<i32>} : memref<9216xf32, #tpu.memory_space<vmem>>, vector<16xf32>,
      %mul3A_1383 = vector.broadcast %reduce_sum3A_892 : f32 to vector<16xf32>
      %mul3A_1384 = arith.mulf %mul3A_1383, %get3A_1382 : vector<16xf32>
      %add3A_1385 = arith.constant 7168 : i32
      %add3A_1386 = arith.addi %add3A_1385, %add3A_1378 : i32
      %get3A_1387 = arith.index_cast %add3A_1386 : i32 to index
      %get3A_1388 = tpu.vector_load %arg10[%get3A_1387] {strides = array<i32>} : memref<9216xf32, #tpu.memory_space<vmem>>, vector<16xf32>,
      %mul3A_1389 = vector.broadcast %reduce_sum3A_950 : f32 to vector<16xf32>
      %mul3A_1390 = arith.mulf %mul3A_1389, %get3A_1388 : vector<16xf32>
      %add3A_1391 = arith.addf %mul3A_1384, %mul3A_1390 : vector<16xf32>
      %add3A_1392 = arith.constant 8192 : i32
      %add3A_1393 = arith.addi %add3A_1392, %add3A_1378 : i32
      %get3A_1394 = arith.index_cast %add3A_1393 : i32 to index
      %get3A_1395 = tpu.vector_load %arg10[%get3A_1394] {strides = array<i32>} : memref<9216xf32, #tpu.memory_space<vmem>>, vector<16xf32>,
      %mul3A_1396 = vector.broadcast %reduce_sum3A_1008 : f32 to vector<16xf32>
      %mul3A_1397 = arith.mulf %mul3A_1396, %get3A_1395 : vector<16xf32>
      %add3A_1398 = arith.addf %add3A_1391, %mul3A_1397 : vector<16xf32>
      %add3A_1399 = arith.constant 2048 : i32
      %add3A_1400 = arith.addi %add3A_1399, %add3A_1378 : i32
      %swap3A_1401 = arith.index_cast %add3A_1400 : i32 to index
      %swap3A_1402 = tpu.vector_load %arg11[%swap3A_1401] {strides = array<i32>} : memref<3072xf32, #tpu.memory_space<vmem>>, vector<16xf32>,
      tpu.vector_store %arg11[%swap3A_1401], %add3A_1398 {strides = array<i32>} : memref<3072xf32, #tpu.memory_space<vmem>>, vector<16xf32>,
      %add3A_1403 = arith.constant 64 : i32
      %add3A_1404 = arith.addi %multiple_of3A_1299, %add3A_1403 : i32
      %add3A_1405 = arith.constant 6144 : i32
      %add3A_1406 = arith.addi %add3A_1405, %add3A_1404 : i32
      %get3A_1407 = arith.index_cast %add3A_1406 : i32 to index
      %get3A_1408 = tpu.vector_load %arg10[%get3A_1407] {strides = array<i32>} : memref<9216xf32, #tpu.memory_space<vmem>>, vector<16xf32>,
      %mul3A_1409 = vector.broadcast %reduce_sum3A_892 : f32 to vector<16xf32>
      %mul3A_1410 = arith.mulf %mul3A_1409, %get3A_1408 : vector<16xf32>
      %add3A_1411 = arith.constant 7168 : i32
      %add3A_1412 = arith.addi %add3A_1411, %add3A_1404 : i32
      %get3A_1413 = arith.index_cast %add3A_1412 : i32 to index
      %get3A_1414 = tpu.vector_load %arg10[%get3A_1413] {strides = array<i32>} : memref<9216xf32, #tpu.memory_space<vmem>>, vector<16xf32>,
      %mul3A_1415 = vector.broadcast %reduce_sum3A_950 : f32 to vector<16xf32>
      %mul3A_1416 = arith.mulf %mul3A_1415, %get3A_1414 : vector<16xf32>
      %add3A_1417 = arith.addf %mul3A_1410, %mul3A_1416 : vector<16xf32>
      %add3A_1418 = arith.constant 8192 : i32
      %add3A_1419 = arith.addi %add3A_1418, %add3A_1404 : i32
      %get3A_1420 = arith.index_cast %add3A_1419 : i32 to index
      %get3A_1421 = tpu.vector_load %arg10[%get3A_1420] {strides = array<i32>} : memref<9216xf32, #tpu.memory_space<vmem>>, vector<16xf32>,
      %mul3A_1422 = vector.broadcast %reduce_sum3A_1008 : f32 to vector<16xf32>
      %mul3A_1423 = arith.mulf %mul3A_1422, %get3A_1421 : vector<16xf32>
      %add3A_1424 = arith.addf %add3A_1417, %mul3A_1423 : vector<16xf32>
      %add3A_1425 = arith.constant 2048 : i32
      %add3A_1426 = arith.addi %add3A_1425, %add3A_1404 : i32
      %swap3A_1427 = arith.index_cast %add3A_1426 : i32 to index
      %swap3A_1428 = tpu.vector_load %arg11[%swap3A_1427] {strides = array<i32>} : memref<3072xf32, #tpu.memory_space<vmem>>, vector<16xf32>,
      tpu.vector_store %arg11[%swap3A_1427], %add3A_1424 {strides = array<i32>} : memref<3072xf32, #tpu.memory_space<vmem>>, vector<16xf32>,
      %add3A_1429 = arith.constant 80 : i32
      %add3A_1430 = arith.addi %multiple_of3A_1299, %add3A_1429 : i32
      %add3A_1431 = arith.constant 6144 : i32
      %add3A_1432 = arith.addi %add3A_1431, %add3A_1430 : i32
      %get3A_1433 = arith.index_cast %add3A_1432 : i32 to index
      %get3A_1434 = tpu.vector_load %arg10[%get3A_1433] {strides = array<i32>} : memref<9216xf32, #tpu.memory_space<vmem>>, vector<16xf32>,
      %mul3A_1435 = vector.broadcast %reduce_sum3A_892 : f32 to vector<16xf32>
      %mul3A_1436 = arith.mulf %mul3A_1435, %get3A_1434 : vector<16xf32>
      %add3A_1437 = arith.constant 7168 : i32
      %add3A_1438 = arith.addi %add3A_1437, %add3A_1430 : i32
      %get3A_1439 = arith.index_cast %add3A_1438 : i32 to index
      %get3A_1440 = tpu.vector_load %arg10[%get3A_1439] {strides = array<i32>} : memref<9216xf32, #tpu.memory_space<vmem>>, vector<16xf32>,
      %mul3A_1441 = vector.broadcast %reduce_sum3A_950 : f32 to vector<16xf32>
      %mul3A_1442 = arith.mulf %mul3A_1441, %get3A_1440 : vector<16xf32>
      %add3A_1443 = arith.addf %mul3A_1436, %mul3A_1442 : vector<16xf32>
      %add3A_1444 = arith.constant 8192 : i32
      %add3A_1445 = arith.addi %add3A_1444, %add3A_1430 : i32
      %get3A_1446 = arith.index_cast %add3A_1445 : i32 to index
      %get3A_1447 = tpu.vector_load %arg10[%get3A_1446] {strides = array<i32>} : memref<9216xf32, #tpu.memory_space<vmem>>, vector<16xf32>,
      %mul3A_1448 = vector.broadcast %reduce_sum3A_1008 : f32 to vector<16xf32>
      %mul3A_1449 = arith.mulf %mul3A_1448, %get3A_1447 : vector<16xf32>
      %add3A_1450 = arith.addf %add3A_1443, %mul3A_1449 : vector<16xf32>
      %add3A_1451 = arith.constant 2048 : i32
      %add3A_1452 = arith.addi %add3A_1451, %add3A_1430 : i32
      %swap3A_1453 = arith.index_cast %add3A_1452 : i32 to index
      %swap3A_1454 = tpu.vector_load %arg11[%swap3A_1453] {strides = array<i32>} : memref<3072xf32, #tpu.memory_space<vmem>>, vector<16xf32>,
      tpu.vector_store %arg11[%swap3A_1453], %add3A_1450 {strides = array<i32>} : memref<3072xf32, #tpu.memory_space<vmem>>, vector<16xf32>,
      %add3A_1455 = arith.constant 96 : i32
      %add3A_1456 = arith.addi %multiple_of3A_1299, %add3A_1455 : i32
      %add3A_1457 = arith.constant 6144 : i32
      %add3A_1458 = arith.addi %add3A_1457, %add3A_1456 : i32
      %get3A_1459 = arith.index_cast %add3A_1458 : i32 to index
      %get3A_1460 = tpu.vector_load %arg10[%get3A_1459] {strides = array<i32>} : memref<9216xf32, #tpu.memory_space<vmem>>, vector<16xf32>,
      %mul3A_1461 = vector.broadcast %reduce_sum3A_892 : f32 to vector<16xf32>
      %mul3A_1462 = arith.mulf %mul3A_1461, %get3A_1460 : vector<16xf32>
      %add3A_1463 = arith.constant 7168 : i32
      %add3A_1464 = arith.addi %add3A_1463, %add3A_1456 : i32
      %get3A_1465 = arith.index_cast %add3A_1464 : i32 to index
      %get3A_1466 = tpu.vector_load %arg10[%get3A_1465] {strides = array<i32>} : memref<9216xf32, #tpu.memory_space<vmem>>, vector<16xf32>,
      %mul3A_1467 = vector.broadcast %reduce_sum3A_950 : f32 to vector<16xf32>
      %mul3A_1468 = arith.mulf %mul3A_1467, %get3A_1466 : vector<16xf32>
      %add3A_1469 = arith.addf %mul3A_1462, %mul3A_1468 : vector<16xf32>
      %add3A_1470 = arith.constant 8192 : i32
      %add3A_1471 = arith.addi %add3A_1470, %add3A_1456 : i32
      %get3A_1472 = arith.index_cast %add3A_1471 : i32 to index
      %get3A_1473 = tpu.vector_load %arg10[%get3A_1472] {strides = array<i32>} : memref<9216xf32, #tpu.memory_space<vmem>>, vector<16xf32>,
      %mul3A_1474 = vector.broadcast %reduce_sum3A_1008 : f32 to vector<16xf32>
      %mul3A_1475 = arith.mulf %mul3A_1474, %get3A_1473 : vector<16xf32>
      %add3A_1476 = arith.addf %add3A_1469, %mul3A_1475 : vector<16xf32>
      %add3A_1477 = arith.constant 2048 : i32
      %add3A_1478 = arith.addi %add3A_1477, %add3A_1456 : i32
      %swap3A_1479 = arith.index_cast %add3A_1478 : i32 to index
      %swap3A_1480 = tpu.vector_load %arg11[%swap3A_1479] {strides = array<i32>} : memref<3072xf32, #tpu.memory_space<vmem>>, vector<16xf32>,
      tpu.vector_store %arg11[%swap3A_1479], %add3A_1476 {strides = array<i32>} : memref<3072xf32, #tpu.memory_space<vmem>>, vector<16xf32>,
      %add3A_1481 = arith.constant 112 : i32
      %add3A_1482 = arith.addi %multiple_of3A_1299, %add3A_1481 : i32
      %add3A_1483 = arith.constant 6144 : i32
      %add3A_1484 = arith.addi %add3A_1483, %add3A_1482 : i32
      %get3A_1485 = arith.index_cast %add3A_1484 : i32 to index
      %get3A_1486 = tpu.vector_load %arg10[%get3A_1485] {strides = array<i32>} : memref<9216xf32, #tpu.memory_space<vmem>>, vector<16xf32>,
      %mul3A_1487 = vector.broadcast %reduce_sum3A_892 : f32 to vector<16xf32>
      %mul3A_1488 = arith.mulf %mul3A_1487, %get3A_1486 : vector<16xf32>
      %add3A_1489 = arith.constant 7168 : i32
      %add3A_1490 = arith.addi %add3A_1489, %add3A_1482 : i32
      %get3A_1491 = arith.index_cast %add3A_1490 : i32 to index
      %get3A_1492 = tpu.vector_load %arg10[%get3A_1491] {strides = array<i32>} : memref<9216xf32, #tpu.memory_space<vmem>>, vector<16xf32>,
      %mul3A_1493 = vector.broadcast %reduce_sum3A_950 : f32 to vector<16xf32>
      %mul3A_1494 = arith.mulf %mul3A_1493, %get3A_1492 : vector<16xf32>
      %add3A_1495 = arith.addf %mul3A_1488, %mul3A_1494 : vector<16xf32>
      %add3A_1496 = arith.constant 8192 : i32
      %add3A_1497 = arith.addi %add3A_1496, %add3A_1482 : i32
      %get3A_1498 = arith.index_cast %add3A_1497 : i32 to index
      %get3A_1499 = tpu.vector_load %arg10[%get3A_1498] {strides = array<i32>} : memref<9216xf32, #tpu.memory_space<vmem>>, vector<16xf32>,
      %mul3A_1500 = vector.broadcast %reduce_sum3A_1008 : f32 to vector<16xf32>
      %mul3A_1501 = arith.mulf %mul3A_1500, %get3A_1499 : vector<16xf32>
      %add3A_1502 = arith.addf %add3A_1495, %mul3A_1501 : vector<16xf32>
      %add3A_1503 = arith.constant 2048 : i32
      %add3A_1504 = arith.addi %add3A_1503, %add3A_1482 : i32
      %swap3A_1505 = arith.index_cast %add3A_1504 : i32 to index
      %swap3A_1506 = tpu.vector_load %arg11[%swap3A_1505] {strides = array<i32>} : memref<3072xf32, #tpu.memory_space<vmem>>, vector<16xf32>,
      tpu.vector_store %arg11[%swap3A_1505], %add3A_1502 {strides = array<i32>} : memref<3072xf32, #tpu.memory_space<vmem>>, vector<16xf32>,
    }
    %scan3A_1215 = arith.constant 8 : i32
    %jit3A_1216 = arith.constant 32 : i32
    %div3A_1217 = arith.divsi %add3A_39, %jit3A_1216 : i32
    %sign3A_1218 = arith.constant 0 : i32
    %sign3A_1219 = arith.cmpi sgt, %add3A_39, %sign3A_1218 : i32
    %sign3A_1220 = arith.extui %sign3A_1219 : i1 to i32
    %sign3A_1221 = arith.constant 0 : i32
    %sign3A_1222 = arith.cmpi slt, %add3A_39, %sign3A_1221 : i32
    %sign3A_1223 = arith.extui %sign3A_1222 : i1 to i32
    %sign3A_1224 = arith.subi %sign3A_1220, %sign3A_1223 : i32
    %sign3A_1225 = arith.constant 0 : i32
    %sign3A_1226 = arith.cmpi sgt, %jit3A_1216, %sign3A_1225 : i32
    %sign3A_1227 = arith.extui %sign3A_1226 : i1 to i32
    %sign3A_1228 = arith.constant 0 : i32
    %sign3A_1229 = arith.cmpi slt, %jit3A_1216, %sign3A_1228 : i32
    %sign3A_1230 = arith.extui %sign3A_1229 : i1 to i32
    %sign3A_1231 = arith.subi %sign3A_1227, %sign3A_1230 : i32
    %ne3A_1232 = arith.cmpi ne, %sign3A_1224, %sign3A_1231 : i32
    %rem3A_1233 = arith.remsi %add3A_39, %jit3A_1216 : i32
    %ne3A_1234 = arith.constant 0 : i32
    %ne3A_1235 = arith.cmpi ne, %rem3A_1233, %ne3A_1234 : i32
    %and3A_1236 = arith.andi %ne3A_1232, %ne3A_1235 : i1
    %sub3A_1237 = arith.constant 1 : i32
    %sub3A_1238 = arith.subi %div3A_1217, %sub3A_1237 : i32
    %select_n3A_1239 = arith.select %and3A_1236, %sub3A_1238, %div3A_1217 : i32
    %jit3A_1240 = arith.constant 32 : i32
    %eq3A_1241 = arith.constant 0 : i32
    %eq3A_1242 = arith.cmpi eq, %jit3A_1240, %eq3A_1241 : i32
    %jit3A_1243 = arith.constant 1 : i32
    %select_n3A_1244 = arith.select %eq3A_1242, %jit3A_1243, %jit3A_1240 : i32
    %rem3A_1245 = arith.remsi %add3A_39, %select_n3A_1244 : i32
    %ne3A_1246 = arith.constant 0 : i32
    %ne3A_1247 = arith.cmpi ne, %rem3A_1245, %ne3A_1246 : i32
    %lt3A_1248 = arith.constant 0 : i32
    %lt3A_1249 = arith.cmpi slt, %rem3A_1245, %lt3A_1248 : i32
    %lt3A_1250 = arith.constant 0 : i32
    %lt3A_1251 = arith.cmpi slt, %select_n3A_1244, %lt3A_1250 : i32
    %ne3A_1252 = arith.xori %lt3A_1249, %lt3A_1251 : i1
    %and3A_1253 = arith.andi %ne3A_1252, %ne3A_1247 : i1
    %add3A_1254 = arith.addi %rem3A_1245, %select_n3A_1244 : i32
    %select_n3A_1255 = arith.select %and3A_1253, %add3A_1254, %rem3A_1245 : i32
    %dma_start3A_1256 = arith.constant 2048 : i32
    %dma_start3A_1257 = tpu.memref_slice %arg11[%dma_start3A_1256] : memref<3072xf32, #tpu.memory_space<vmem>> -> memref<1024xf32, #tpu.memory_space<vmem>>
    %dma_start3A_1258 = arith.constant 0 : i32
    %dma_start3A_1259 = tpu.memref_slice %arg6[%select_n3A_1239, %select_n3A_1255, %dma_start3A_1258] : memref<3x32x1024xf32, #tpu.memory_space<hbm>> -> memref<1x1x1024xf32, #tpu.memory_space<hbm>>
    %dma_start3A_1260 = tpu.memref_squeeze %dma_start3A_1259 : memref<1x1x1024xf32, #tpu.memory_space<hbm>> -> memref<1024xf32, #tpu.memory_space<hbm>>
    %dma_start3A_1261 = arith.constant 0 : i32
    %dma_start3A_1262 = tpu.memref_slice %arg6[%select_n3A_1239, %select_n3A_1255, %dma_start3A_1261] : memref<3x32x1024xf32, #tpu.memory_space<hbm>> -> memref<1x1x1024xf32, #tpu.memory_space<hbm>>
    %dma_start3A_1263 = tpu.memref_squeeze %dma_start3A_1262 : memref<1x1x1024xf32, #tpu.memory_space<hbm>> -> memref<1024xf32, #tpu.memory_space<hbm>>
    %dma_start3A_1264 = arith.constant 2048 : i32
    %dma_start3A_1265 = tpu.memref_slice %arg11[%dma_start3A_1264] : memref<3072xf32, #tpu.memory_space<vmem>> -> memref<1024xf32, #tpu.memory_space<vmem>>
    tpu.enqueue_dma source(%dma_start3A_1265 : memref<1024xf32, #tpu.memory_space<vmem>>) target(%dma_start3A_1263 : memref<1024xf32, #tpu.memory_space<hbm>>) target_semaphore(%arg14 : memref<!tpu.dma_semaphore, #tpu.memory_space<semaphore_mem>>)
    %dma_wait3A_1266 = arith.constant 0 : i32
    %dma_wait3A_1267 = tpu.memref_slice %arg11[%dma_wait3A_1266] : memref<3072xf32, #tpu.memory_space<vmem>> -> memref<1024xf32, #tpu.memory_space<vmem>>
    %dma_wait3A_1268 = arith.constant 0 : i32
    %dma_wait3A_1269 = tpu.memref_slice %arg6[%select_n3A_1067, %select_n3A_1083, %dma_wait3A_1268] : memref<3x32x1024xf32, #tpu.memory_space<hbm>> -> memref<1x1x1024xf32, #tpu.memory_space<hbm>>
    %dma_wait3A_1270 = tpu.memref_squeeze %dma_wait3A_1269 : memref<1x1x1024xf32, #tpu.memory_space<hbm>> -> memref<1024xf32, #tpu.memory_space<hbm>>
    %dma_wait3A_1271 = arith.constant 0 : i32
    %dma_wait3A_1272 = tpu.memref_slice %arg6[%select_n3A_1067, %select_n3A_1083, %dma_wait3A_1271] : memref<3x32x1024xf32, #tpu.memory_space<hbm>> -> memref<1x1x1024xf32, #tpu.memory_space<hbm>>
    %dma_wait3A_1273 = tpu.memref_squeeze %dma_wait3A_1272 : memref<1x1x1024xf32, #tpu.memory_space<hbm>> -> memref<1024xf32, #tpu.memory_space<hbm>>
    %dma_wait3A_1274 = arith.constant 0 : i32
    %dma_wait3A_1275 = tpu.memref_slice %arg11[%dma_wait3A_1274] : memref<3072xf32, #tpu.memory_space<vmem>> -> memref<1024xf32, #tpu.memory_space<vmem>>
    tpu.wait_dma2 semaphore(%arg14 : memref<!tpu.dma_semaphore, #tpu.memory_space<semaphore_mem>>) src(%dma_wait3A_1275 : memref<1024xf32, #tpu.memory_space<vmem>>) dst(%dma_wait3A_1273 : memref<1024xf32, #tpu.memory_space<hbm>>)
    %dma_wait3A_1276 = arith.constant 1024 : i32
    %dma_wait3A_1277 = tpu.memref_slice %arg11[%dma_wait3A_1276] : memref<3072xf32, #tpu.memory_space<vmem>> -> memref<1024xf32, #tpu.memory_space<vmem>>
    %dma_wait3A_1278 = arith.constant 0 : i32
    %dma_wait3A_1279 = tpu.memref_slice %arg6[%select_n3A_1153, %select_n3A_1169, %dma_wait3A_1278] : memref<3x32x1024xf32, #tpu.memory_space<hbm>> -> memref<1x1x1024xf32, #tpu.memory_space<hbm>>
    %dma_wait3A_1280 = tpu.memref_squeeze %dma_wait3A_1279 : memref<1x1x1024xf32, #tpu.memory_space<hbm>> -> memref<1024xf32, #tpu.memory_space<hbm>>
    %dma_wait3A_1281 = arith.constant 0 : i32
    %dma_wait3A_1282 = tpu.memref_slice %arg6[%select_n3A_1153, %select_n3A_1169, %dma_wait3A_1281] : memref<3x32x1024xf32, #tpu.memory_space<hbm>> -> memref<1x1x1024xf32, #tpu.memory_space<hbm>>
    %dma_wait3A_1283 = tpu.memref_squeeze %dma_wait3A_1282 : memref<1x1x1024xf32, #tpu.memory_space<hbm>> -> memref<1024xf32, #tpu.memory_space<hbm>>
    %dma_wait3A_1284 = arith.constant 1024 : i32
    %dma_wait3A_1285 = tpu.memref_slice %arg11[%dma_wait3A_1284] : memref<3072xf32, #tpu.memory_space<vmem>> -> memref<1024xf32, #tpu.memory_space<vmem>>
    tpu.wait_dma2 semaphore(%arg14 : memref<!tpu.dma_semaphore, #tpu.memory_space<semaphore_mem>>) src(%dma_wait3A_1285 : memref<1024xf32, #tpu.memory_space<vmem>>) dst(%dma_wait3A_1283 : memref<1024xf32, #tpu.memory_space<hbm>>)
    %dma_wait3A_1286 = arith.constant 2048 : i32
    %dma_wait3A_1287 = tpu.memref_slice %arg11[%dma_wait3A_1286] : memref<3072xf32, #tpu.memory_space<vmem>> -> memref<1024xf32, #tpu.memory_space<vmem>>
    %dma_wait3A_1288 = arith.constant 0 : i32
    %dma_wait3A_1289 = tpu.memref_slice %arg6[%select_n3A_1239, %select_n3A_1255, %dma_wait3A_1288] : memref<3x32x1024xf32, #tpu.memory_space<hbm>> -> memref<1x1x1024xf32, #tpu.memory_space<hbm>>
    %dma_wait3A_1290 = tpu.memref_squeeze %dma_wait3A_1289 : memref<1x1x1024xf32, #tpu.memory_space<hbm>> -> memref<1024xf32, #tpu.memory_space<hbm>>
    %dma_wait3A_1291 = arith.constant 0 : i32
    %dma_wait3A_1292 = tpu.memref_slice %arg6[%select_n3A_1239, %select_n3A_1255, %dma_wait3A_1291] : memref<3x32x1024xf32, #tpu.memory_space<hbm>> -> memref<1x1x1024xf32, #tpu.memory_space<hbm>>
    %dma_wait3A_1293 = tpu.memref_squeeze %dma_wait3A_1292 : memref<1x1x1024xf32, #tpu.memory_space<hbm>> -> memref<1024xf32, #tpu.memory_space<hbm>>
    %dma_wait3A_1294 = arith.constant 2048 : i32
    %dma_wait3A_1295 = tpu.memref_slice %arg11[%dma_wait3A_1294] : memref<3072xf32, #tpu.memory_space<vmem>> -> memref<1024xf32, #tpu.memory_space<vmem>>
    tpu.wait_dma2 semaphore(%arg14 : memref<!tpu.dma_semaphore, #tpu.memory_space<semaphore_mem>>) src(%dma_wait3A_1295 : memref<1024xf32, #tpu.memory_space<vmem>>) dst(%dma_wait3A_1293 : memref<1024xf32, #tpu.memory_space<hbm>>)
    return
  }
}

</mosaic_0001>

<sc_bundles>
// kernel: _joints_sc.3.cloned.1.call-start
scs
__scs_entry_jumppad:
0x0: {  	(pc) =	sbr.rel $0x88, $3  }
0x1: {  	(tag) =	ssettag $0x0;
	lr =	simm.s32 $0x1  }
0x2: {  	[smem:$0x3F9D] =	sst lr;
	_ =	strace $0xD0000000  }
0x3: {  	_ = 	snop  }
0x4: {  	_ = 	snop  }
0x5: {  	_ = 	snop  }
0x6: {  	_ = 	snop  }
0x7: {  	_ = 	snop  }
__scs_overlays_trampoline_lowered:
0x8: {  	[smem:$0x3FAC] =	sst s0  }
0x9: {  	[smem:$0x3FAD] =	sst s1  }
0xa: {  	[smem:$0x3FAE] =	sst s2  }
0xb: {  	[smem:$0x3FAF] =	sst s3  }
0xc: {  	[smem:$0x3FB0] =	sst s4  }
0xd: {  	[smem:$0x3FB1] =	sst s5  }
0xe: {  	[smem:$0x3FB2] =	sst s6  }
0xf: {  	[smem:$0x3FB3] =	sst s7  }
0x10: {  	[smem:$0x3FB4] =	sst s8  }
0x11: {  	[smem:$0x3FB5] =	sst s9;
	s0 =	simm.s32 @!p0 $0x0  }
0x12: {  	s1 =	sld [smem:$0x3F9B];
	s0 =	simm.s32 @p0 $0x1  }
0x13: {  	[smem:$0x3FB6] =	sst s0;
	s0 =	simm.s32 @!p1 $0x0  }
0x14: {  	s2 =	sld [smem:$0x3F9A];
	s0 =	simm.s32 @p1 $0x1  }
0x15: {  	[smem:$0x3FB7] =	sst s0;
	s0 =	simm.s32 @!p2 $0x0  }
0x16: {  	s3 =	sld [smem:$0x3FDB];
	s0 =	simm.s32 @p2 $0x1  }
0x17: {  	s4 =	simm.s32 $0x1BF5;
	[smem:$0x3FB9] =	sst s0  }
0x18: {  	s0 =	sld [smem:$0x3F9C];
	_ =	swait.ge [sflag:s4], $0x0  }
0x19: {  	s7 =	sld [smem:$0x3F9D]  }
0x1a: {  	s8 =	sadd.s32 $0xFFFFE003, lr  }
0x1b: {  	s9 =	sadd.s32 $0xFFFFFEF7, lr;
	s5 =	simm.s32 $0xFFFFFFFF;
	p2 =	slt.u32 s8, $0xFFFFF086  }
0x1c: {  	p1 =	slt.u32 s9, $0xF7A;
	s5 =	simm.s32 @!p2 $0x0  }
0x1d: {  	s5 =	simm.s32 @p1 $0x1;
	p0 =	seq.s32 s7, s2  }
0x1e: {  	s7 =	smul.u32 @!p0 $0xF7A, s2;
	p2 =	seq.s32 @!p0 s5, $0x0  }
0x1f: {  	s9 =	smul.u32 $0xF7A, s1;
	s8 =	simm.s32 @!p0 $0x1BF5;
	p2 =	por !p2, p0  }
0x20: {  	[sflag:s8] =	ssyncset.s32 @!p0 $0xFFFFF086;
	s6 =	sadd.s32 @!p0 s3, s7;
	s7 =	simm.s32 @!p0 $0x108  }
0x21: {  	s3 =	sadd.s32 s3, s9;
	s6 =	sadd.s32 @!p0 $0x88, s6;
	s7 =	simm.s32 @p2 $0x1082  }
0x22: {  	[simem:s7], [sflag:s8] =	dma.local @!p0 [hbm:s6], $0xF7A  }
0x23: {  	s9 =	sor.u32 $0xD0000000, s2;
	s6 =	simm.s32 $0x108;
	_ =	swait.ge @!p0 [sflag:s8], $0x0  }
0x24: {  	s3 =	sadd.s32 $0x88, s3;
	s6 =	simm.s32 @!p1 $0x1082;
	[sflag:s4] =	ssyncset.s32 $0xFFFFF086  }
0x25: {  	[simem:s6], [sflag:s4] =	dma.local [hbm:s3], $0xF7A  }
0x26: {  	[smem:$0x3F9D] =	sst s1;
	(tag) =	ssettag s2;
	_ =	strace s9  }
0x27: {  	s1 =	sld [smem:$0x3FAD]  }
0x28: {  	s2 =	sld [smem:$0x3FAE]  }
0x29: {  	s4 =	sld [smem:$0x3FB0]  }
0x2a: {  	p0 =	seq.s32 s5, $0x0;
	s5 =	sld [smem:$0x3FB1]  }
0x2b: {  	s6 =	sld [smem:$0x3FB2]  }
0x2c: {  	s7 =	sld [smem:$0x3FB3]  }
0x2d: {  	s3 =	simm.s32 $0x108;
	s8 =	sld [smem:$0x3FB4]  }
0x2e: {  	s3 =	simm.s32 @!p0 $0x1082;
	s9 =	sld [smem:$0x3FB5]  }
0x2f: {  	lr =	sadd.s32 s0, s3;
	s0 =	sld [smem:$0x3FAC]  }
0x30: {  	s3 =	sld [smem:$0x3FAF]  }
0x31: {  	[smem:$0x3FB8] =	sst s10  }
0x32: {  	s10 =	sld [smem:$0x3FB6];
	_ =	sdelay $0x3  }
0x33: {  	p0 =	seq.s32 s10, $0x1;
	s10 =	sld [smem:$0x3FB8];
	_ =	sdelay $0x3  }
0x34: {  	[smem:$0x3FB8] =	sst s10  }
0x35: {  	s10 =	sld [smem:$0x3FB7];
	_ =	sdelay $0x3  }
0x36: {  	p1 =	seq.s32 s10, $0x1;
	s10 =	sld [smem:$0x3FB8];
	_ =	sdelay $0x3  }
0x37: {  	[smem:$0x3FB8] =	sst s10  }
0x38: {  	s10 =	sld [smem:$0x3FB9]  }
0x39: {  	_ = 	snop;
	(pc) =	sbr.ind lr, $3  }
0x3a: {  	_ = 	snop  }
0x3b: {  	_ = 	snop  }
0x3c: {  	p2 =	seq.s32 s10, $0x1;
	s10 =	sld [smem:$0x3FB8]  }
0x3d: {  	_ =	shalt  }
0x3e: {  	_ =	shalt  }
0x3f: {  	_ =	shalt  }
0x40: {  	_ =	shalt  }
0x41: {  	_ =	shalt  }
0x42: {  	_ =	shalt  }
0x43: {  	_ =	shalt  }
0x44: {  	_ =	shalt  }
0x45: {  	_ =	shalt  }
0x46: {  	_ =	shalt  }
0x47: {  	_ =	shalt  }
0x48: {  	_ =	shalt  }
0x49: {  	_ =	shalt  }
0x4a: {  	_ =	shalt  }
0x4b: {  	_ =	shalt  }
0x4c: {  	_ =	shalt  }
0x4d: {  	_ =	shalt  }
0x4e: {  	_ =	shalt  }
0x4f: {  	_ =	shalt  }
0x50: {  	_ =	shalt  }
0x51: {  	_ =	shalt  }
0x52: {  	_ =	shalt  }
0x53: {  	_ =	shalt  }
0x54: {  	_ =	shalt  }
0x55: {  	_ =	shalt  }
0x56: {  	_ =	shalt  }
0x57: {  	_ =	shalt  }
0x58: {  	_ =	shalt  }
0x59: {  	_ =	shalt  }
0x5a: {  	_ =	shalt  }
0x5b: {  	_ =	shalt  }
0x5c: {  	_ =	shalt  }
0x5d: {  	_ =	shalt  }
0x5e: {  	_ =	shalt  }
0x5f: {  	_ =	shalt  }
0x60: {  	_ =	shalt  }
0x61: {  	_ =	shalt  }
0x62: {  	_ =	shalt  }
0x63: {  	_ =	shalt  }
0x64: {  	_ =	shalt  }
0x65: {  	_ =	shalt  }
0x66: {  	_ =	shalt  }
0x67: {  	_ =	shalt  }
0x68: {  	_ =	shalt  }
0x69: {  	_ =	shalt  }
0x6a: {  	_ =	shalt  }
0x6b: {  	_ =	shalt  }
0x6c: {  	_ =	shalt  }
0x6d: {  	_ =	shalt  }
0x6e: {  	_ =	shalt  }
0x6f: {  	_ =	shalt  }
0x70: {  	_ =	shalt  }
0x71: {  	_ =	shalt  }
0x72: {  	_ =	shalt  }
0x73: {  	_ =	shalt  }
0x74: {  	_ =	shalt  }
0x75: {  	_ =	shalt  }
0x76: {  	_ =	shalt  }
0x77: {  	_ =	shalt  }
0x78: {  	_ =	shalt  }
0x79: {  	_ =	shalt  }
0x7a: {  	_ =	shalt  }
0x7b: {  	_ =	shalt  }
0x7c: {  	_ =	shalt  }
0x7d: {  	_ =	shalt  }
0x7e: {  	_ =	shalt  }
0x7f: {  	_ =	shalt  }
0x80: {  	_ =	shalt  }
0x81: {  	_ =	shalt  }
0x82: {  	_ =	shalt  }
0x83: {  	_ =	shalt  }
0x84: {  	_ =	shalt  }
0x85: {  	_ =	shalt  }
0x86: {  	_ =	shalt  }
0x87: {  	_ =	shalt  }
.Lfunc_end0:
.L_simem_size_0:
called_computation_lowered:
.L_overlay_start_0:
0x88: {  	s2 =	sld [smem:$0x3FD9]  }
0x89: {  	s3 =	sld [smem:$0x3FFE];
	_ =	sdelay $0x1  }
0x8a: {  	s1 =	srdreg.scid  }
0x8b: {  	s0 =	sand.u32 $0x1, s1  }
0x8c: {  	s18 =	sshll.u32 s0, $0xA;
	s2 =	sadd.s32 s3, s2  }
0x8d: {  	s2 =	sadd.s32 s2, s18  }
0x8e: {  	[smem:$0x3FC4] =	sst s2  }
0x8f: {  	_ = 	snop  }
0x90: {  	s2 =	sld [smem:$0x3FC9]  }
0x91: {  	s19 =	sld [smem:$0x3FC8]  }
0x92: {  	s4 =	sld [smem:$0x3FC7]  }
0x93: {  	s5 =	sld [smem:$0x3FC6]  }
0x94: {  	s6 =	sld [smem:$0x3FD0];
	(tm) =	ssettm $0x1  }
0x95: {  	s7 =	sld [smem:$0x3FFB];
	_ =	sdelay $0x3  }
0x96: {  	_ =	strace s7  }
0x97: {  	s7 =	sld [smem:$0x3FFC];
	_ =	sdelay $0x3  }
0x98: {  	_ =	strace s7  }
0x99: {  	s7 =	sld [smem:$0x3FFD];
	_ =	sdelay $0x3  }
0x9a: {  	_ =	strace s7  }
0x9b: {  	_ =	strace $0x8FFFFFFF  }
0x9c: {  	s20 =	sld [smem:$0x3FDB];
	_ =	sdelay $0x1  }
0x9d: {  	s8 =	simm.s32 $_scs_section_size  }
0x9e: {  	s9 =	simm.s32 $_size__tile_overlayer_lowered;
	s10 =	simm.s32 $_tile_overlayer_lowered  }
0x9f: {  	s23 =	simm.s32 $0x1BFF;
	s22 =	sshll.u32 s10, $0x1;
	s7 =	sadd.s32 s8, s20  }
0xa0: {  	s11 =	simm.s32 $0x0;
	s21 =	sshll.u32 s9, $0x1;
	s9 =	sadd.s32 s22, s7  }
0xa1: {  	[timem:s11], [sflag:s23] =	dma.local [hbm:s9], s21  }
0xa2: {  	_ =	swait.ge [sflag:s23], s21  }
0xa3: {  	s8 =	ssub.s32 $0x0, s21;
	[sflag:s23] =	ssyncset.done $0x0  }
0xa4: {  	[sflag:s23] =	ssyncadd.s32 s8;
	_ =	sdelay $0x1  }
0xa5: {  	s24 =	simm.s32 $0x1B8B  }
0xa6: {  	_ =	swait.ge [sflag:s24], $0x1  }
0xa7: {  	[sflag:s24] =	ssyncset.done $0x0  }
0xa8: {  	s25 =	simm.s32 $0x1B8E;
	[sflag:s24] =	ssyncadd.s32 $0xFFFFFFFF  }
0xa9: {  	s26 =	simm.s32 $execute0_lowered;
	[smem:$0x3FD2] =	sst s25  }
0xaa: {  	s8 =	sshll.u32 s26, $0x1;
	_ =	strace $0x80000046;
	[dreg:$0x1] =	wrdreg $0xFFFFFFFF  }
0xab: {  	s28 =	simm.s32 $_size_execute0_lowered;
	s7 =	sadd.s32 s7, s8;
	[dreg:$0x0] =	wrdreg $0x0  }
0xac: {  	s8 =	sshll.u32 s28, $0x1;
	[dreg:$0x2] =	wrdreg s7  }
0xad: {  	[dreg:$0x3] =	wrdreg s8  }
0xae: {  	[dreg:$0x4] =	wrdreg $0xC0  }
0xaf: {  	_ =	task [dreg:s11], $0x5FFFF  }
0xb0: {  	[dreg:$0x1] =	wrdreg $0xFFFFFFFF  }
0xb1: {  	[dreg:$0x0] =	wrdreg $0x60  }
0xb2: {  	[dreg:$0x2] =	wrdreg s2  }
0xb3: {  	[dreg:$0x3] =	wrdreg s19  }
0xb4: {  	[dreg:$0x4] =	wrdreg s4  }
0xb5: {  	[dreg:$0x5] =	wrdreg s5  }
0xb6: {  	[dreg:$0x6] =	wrdreg s6  }
0xb7: {  	[dreg:$0x7] =	wrdreg $0x9  }
0xb8: {  	_ =	task.clear_ibuf [dreg:s11], $0x8FFFF;
	_ =	strace $0x90000046  }
0xb9: {  	s29 =	simm.s32 $0x9;
	_ =	strace $0x80000048  }
0xba: {  	_ =	swait.ge [sflag:s29], $0x1  }
0xbb: {  	[sflag:s29] =	ssyncadd.s32 $0xFFFFFFFF  }
0xbc: {  	_ =	strace $0x90000048  }
0xbd: {  	_ =	sfence  }
0xbe: {  	s30 =	sld [smem:$0x0];
	_ =	sdelay $0x2  }
0xbf: {  	s31 =	sshll.u32 s1, $0xD;
	s1 =	sshrl.u32 s1, $0x2  }
0xc0: {  	s3 =	sand.u32 $0x4000, s31;
	s1 =	sadd.s32 s1, s30  }
0xc1: {  	s0 =	sor.u32 s3, s0;
	s1 =	sshll.u32 s1, $0x11  }
0xc2: {  	s0 =	sor.u32 s1, s0  }
0xc3: {  	s0 =	sadd.s32 $0x8F2B, s0  }
0xc4: {  	[sflag:s0] =	ssyncadd.remote.s32 $0x1  }
0xc5: {  	_ =	sfence.sel $0xFFFF  }
0xc6: {  	[dreg:$0x0] =	wrdreg $0xFFFFFFFF;
	(pc) =	sbr.abs _section_cstart, $3  }
0xc7: {  	[dreg:$0x1] =	wrdreg $0xFFFFFFFF  }
0xc8: {  	_ =	task.clear_ibuf [dreg:s11], $0x2FFFF;
	_ =	strace $0x9FFFFFFF  }
0xc9: {  	(tm) =	ssettm $0x7FFFFFFF  }
tec
execute0_lowered:
.L_overlay_start_1:
0x0: {  	(tag) =	ssettag $0x1  }
0x1: {  	s0 =	rddreg [dreg:$0x0]  }
0x2: {  	s2 =	rddreg [dreg:$0x1]  }
0x3: {  	s1 =	rddreg [dreg:$0x4]  }
0x4: {  	s3 =	srdreg.scid;
	s4 =	stileid.u32;
	s6 =	simm.s32 $0x0  }
0x5: {  	s29 =	simm.s32 $0x400;
	s3 =	sand.u32 $0x1, s3;
	s4 =	sshll.u32 s4, $0x1  }
0x6: {  	s28 =	simm.s32 $0x0;
	s5 =	ssub.s32 $0x2, s3;
	s3 =	sor.u32 s3, s4  }
0x7: {  	[smem:$0x7FF] =	sst s6;
	s7 =	sadd.s32 $0x10, s2;
	s3 =	smul.u32 $0x3, s3  }
0x8: {  	s8 =	sadd.s32 $0x20, s2;
	_ =	strace $0x80000047;
	s20 =	sshrl.u32 s5, $0x1  }
0x9: {  	s4 =	ssub.s32 s5, s20;
	s21 =	sadd.s32 $0x1, s3;
	s13 =	sadd.s32 $0x2, s3  }
0xa: {  	s16 =	sand.u32 $0x1F, s3;
	s19 =	sand.u32 $0xF, s3;
	s11 =	sshrl.u32 s3, $0x5  }
0xb: {  	s12 =	sshll.u32 s3, $0x7;
	s3 =	sshll.u32 s3, $0x4;
	s17 =	sand.u32 $0x1F, s21  }
0xc: {  	s22 =	sand.u32 $0xF, s21;
	s18 =	sand.u32 $0x1F, s13;
	s9 =	smul.u32 $0x6BC000, s11  }
0xd: {  	s14 =	sshrl.u32 s21, $0x5;
	s11 =	sshll.u32 s11, $0xC;
	s12 =	sand.u32 $0xC00, s12  }
0xe: {  	s15 =	sshrl.u32 s13, $0x5;
	s3 =	sand.u32 $0x70, s3;
	s23 =	sand.u32 $0xF, s13  }
0xf: {  	s25 =	sshll.u32 s21, $0x7;
	s5 =	sshll.u32 s21, $0x4;
	s30 =	sshll.u32 s13, $0x7  }
0x10: {  	s20 =	sshll.u32 s13, $0x4;
	p2 =	slt.u32 s16, $0x10;
	s16 =	simm.s32 $0x4  }
0x11: {  	v1 =	vmov s19;
	s19 =	simm.s32 $0x1B80;
	s21 =	simm.s32 $0x2380;
	s10 =	smul.u32 $0x6BC000, s14  }
0x12: {  	s11 =	sadd.s32 s1, s11;
	s24 =	sshll.u32 s14, $0xC;
	s14 =	sand.u32 $0xC00, s25  }
0x13: {  	s5 =	sand.u32 $0x70, s5;
	s26 =	sshll.u32 s15, $0xC;
	s31 =	sand.u32 $0x70, s20  }
0x14: {  	p0 =	slt.u32 s18, $0x10;
	p1 =	slt.u32 s17, $0x10;
	s17 =	simm.s32 $0x80  }
0x15: {  	s18 =	simm.s32 $0x1;
	s20 =	simm.s32 $0x1F80;
	v2 =	vmov s22;
	s22 =	simm.s32 $0x2  }
0x16: {  	v3 =	vmov s23;
	s23 =	simm.s32 $0x2780;
	s25 =	simm.s32 $0x2F80;
	s12 =	sadd.s32 s12, s11  }
0x17: {  	s11 =	smul.u32 $0x6BC000, s15;
	s15 =	sand.u32 $0xC00, s30;
	s12 =	sadd.s32 s3, s12  }
0x18: {  	s3 =	sadd.s32 s1, s24;
	s1 =	sadd.s32 s1, s26;
	s24 =	simm.s32 $0x2B80  }
0x19: {  	v0 =	vlaneseq.u32;
	s26 =	simm.s32 $0x3;
	s3 =	sadd.s32 s14, s3;
	s1 =	sadd.s32 s15, s1  }
0x1a: {  	vm2 =	veq.s32 v1, v0;
	vm0 =	veq.s32 v3, v0;
	vm1 =	veq.s32 v2, v0;
	s15 =	smax.u32 s4, $0x1;
	s13 =	sadd.s32 s5, s3;
	s14 =	sadd.s32 s31, s1  }
.LBB2_1:
0x1b: {  	s1 =	rddreg [dreg:$0x2]  }
0x1c: {  	[tilespmem:s6], [sflag:$0x4] =	stream.linear.gather [hbm4b:s1+s6], $0x80, $0x38;
	[tilespmem:$0x3380] =	vst v63  }
0x1d: {  	_ =	swait.ge [sflag:s16], $0x80  }
0x1e: {  	[sflag:s16] =	ssyncset.done $0x0  }
0x1f: {  	[sflag:s16] =	ssyncadd.s32 $0xFFFFFF80  }
0x20: {  	s3 =	rddreg [dreg:$0x3]  }
0x21: {  	[tilespmem:s17], [sflag:$0x4] =	stream.linear.gather [hbm4b:s3+s6], $0x180, $0x38;
	[tilespmem:$0x3380] =	vst v63  }
0x22: {  	_ =	swait.ge [sflag:s16], $0x180  }
0x23: {  	[sflag:s16] =	ssyncset.done $0x0  }
0x24: {  	[sflag:s16] =	ssyncadd.s32 $0xFFFFFE80  }
0x25: {  	v7 =	vld [tilespmem:$0x0]  }
0x26: {  	v8 =	vld [tilespmem:$0x10];
	_ =	sdelay $0x4  }
0x27: {  	v1 =	vpsel p2, v7, v8  }
0x28: {  	v1 =	vnsel vm2, $0x0, v1  }
0x29: {  	(xrf0) =	vadd.scan.msk.s32 $0xffff, v1;
	_ =	sdelay $0x5  }
0x2a: {  	v1, _, _ =	vpop (xrf0)  }
0x2b: {  	(v2sf) =	vpush v1, $0xF;
	_ =	sdelay $0x8  }
0x2c: {  	v1 =	vpsel p1, v7, v8  }
0x2d: {  	v1 =	vnsel vm1, $0x0, v1  }
0x2e: {  	(xrf0) =	vadd.scan.msk.s32 $0xffff, v1;
	_ =	sdelay $0x3  }
0x2f: {  	s1 =	spop (v2sf)  }
0x30: {  	s30 =	sshra.s32 s1, $0x1F  }
0x31: {  	v1, _, _ =	vpop (xrf0);
	s30 =	sshrl.u32 s30, $0x1C  }
0x32: {  	(v2sf) =	vpush v1, $0xF;
	s30 =	sadd.s32 s30, s1  }
0x33: {  	s31 =	sand.u32 $0xFFFFFFF0, s30  }
0x34: {  	p3 =	slt.s32 s1, $0x1;
	p4 =	sne.s32 s1, s31  }
0x35: {  	p3 =	por !p3, !p4  }
0x36: {  	s31 =	simm.s32 $0x1;
	p3 =	por !p3, !p3  }
0x37: {  	s30 =	sshra.s32 s30, $0x4;
	s31 =	simm.s32 @!p3 $0x0  }
0x38: {  	s30 =	ssub.s32 s30, s31  }
0x39: {  	v3 =	vld [tilespmem:$0x80];
	s31 =	sshll.u32 s30, $0x4;
	s30 =	sshll.u32 s30, $0x6  }
0x3a: {  	v2 =	vld [tilespmem:$0x100];
	s31 =	sand.u32 $0x70, s31;
	s30 =	sand.u32 $0xFFFFFE00, s30  }
0x3b: {  	v6 =	vld [tilespmem:$0x90];
	s30 =	sor.u32 s31, s30  }
0x3c: {  	v5 =	vld [tilespmem:$0x110];
	v7 =	vpsel p0, v7, v8;
	s30 =	sshrl.u32 s30, $0x3  }
0x3d: {  	s3 =	simm.s32 $0x280;
	v4 =	vld [tilespmem:$0x190];
	v7 =	vnsel vm0, $0x0, v7;
	s31 =	sadd.s32 s2, s30  }
0x3e: {  	(xrf0) =	vadd.scan.msk.s32 $0xffff, v7;
	v1 =	vld [tilespmem:$0x180];
	[tilespmem:s3], [sflag:$0x1] =	stream.linear.gather [hbm4b:s31+s6], $0x10, $0x38  }
0x3f: {  	s4 =	simm.s32 $0x290;
	s31 =	sadd.s32 s30, s7  }
0x40: {  	[tilespmem:s4], [sflag:$0x1] =	stream.linear.gather [hbm4b:s31+s6], $0x10, $0x38;
	[tilespmem:$0x3380] =	vst v63  }
0x41: {  	s5 =	simm.s32 $0x2A0;
	s30 =	sadd.s32 s30, s8;
	s31 =	spop (v2sf)  }
0x42: {  	[tilespmem:s5], [sflag:$0x1] =	stream.linear.gather [hbm4b:s30+s6], $0x10, $0x38;
	[tilespmem:$0x3380] =	vst v63  }
0x43: {  	s30 =	sshra.s32 s31, $0x1F  }
0x44: {  	v7, _, _ =	vpop (xrf0);
	s30 =	sshrl.u32 s30, $0x1C  }
0x45: {  	(v2sf) =	vpush v7, $0xF;
	s30 =	sadd.s32 s30, s31  }
0x46: {  	s4 =	sand.u32 $0xFFFFFFF0, s30  }
0x47: {  	p5 =	slt.s32 s31, $0x1;
	p6 =	sne.s32 s31, s4  }
0x48: {  	p3 =	por !p5, !p6  }
0x49: {  	s3 =	simm.s32 $0x1;
	p3 =	por !p3, !p3  }
0x4a: {  	s30 =	sshra.s32 s30, $0x4;
	s3 =	simm.s32 @!p3 $0x0  }
0x4b: {  	s3 =	ssub.s32 s30, s3  }
0x4c: {  	s30 =	sshll.u32 s3, $0x4;
	s3 =	sshll.u32 s3, $0x6  }
0x4d: {  	s30 =	sand.u32 $0x70, s30;
	s3 =	sand.u32 $0xFFFFFE00, s3  }
0x4e: {  	s3 =	sor.u32 s30, s3  }
0x4f: {  	s3 =	sshrl.u32 s3, $0x3  }
0x50: {  	s4 =	simm.s32 $0x2B0;
	s30 =	sadd.s32 s2, s3  }
0x51: {  	[tilespmem:s4], [sflag:$0x1] =	stream.linear.gather [hbm4b:s30+s6], $0x10, $0x38;
	[tilespmem:$0x3380] =	vst v63  }
0x52: {  	s5 =	simm.s32 $0x2C0;
	s30 =	sadd.s32 s3, s7  }
0x53: {  	[tilespmem:s5], [sflag:$0x1] =	stream.linear.gather [hbm4b:s30+s6], $0x10, $0x38;
	[tilespmem:$0x3380] =	vst v63  }
0x54: {  	s30 =	spop (v2sf)  }
0x55: {  	s3 =	sadd.s32 s3, s8;
	s5 =	simm.s32 $0x2D0;
	s4 =	sshra.s32 s30, $0x1F  }
0x56: {  	[tilespmem:s5], [sflag:$0x1] =	stream.linear.gather [hbm4b:s3+s6], $0x10, $0x38;
	[tilespmem:$0x3380] =	vst v63  }
0x57: {  	s3 =	sshrl.u32 s4, $0x1C  }
0x58: {  	s3 =	sadd.s32 s3, s30  }
0x59: {  	s5 =	sand.u32 $0xFFFFFFF0, s3  }
0x5a: {  	p5 =	slt.s32 s30, $0x1;
	p6 =	sne.s32 s30, s5  }
0x5b: {  	p3 =	por !p5, !p6  }
0x5c: {  	s4 =	simm.s32 $0x1;
	p3 =	por !p3, !p3  }
0x5d: {  	s3 =	sshra.s32 s3, $0x4;
	s4 =	simm.s32 @!p3 $0x0  }
0x5e: {  	s3 =	ssub.s32 s3, s4  }
0x5f: {  	s4 =	sshll.u32 s3, $0x4;
	s3 =	sshll.u32 s3, $0x6  }
0x60: {  	s4 =	sand.u32 $0x70, s4;
	s3 =	sand.u32 $0xFFFFFE00, s3  }
0x61: {  	s3 =	sor.u32 s4, s3  }
0x62: {  	s3 =	sshrl.u32 s3, $0x3  }
0x63: {  	s5 =	simm.s32 $0x2E0;
	s4 =	sadd.s32 s2, s3  }
0x64: {  	[tilespmem:s5], [sflag:$0x1] =	stream.linear.gather [hbm4b:s4+s6], $0x10, $0x38;
	[tilespmem:$0x3380] =	vst v63  }
0x65: {  	s4 =	sadd.s32 s3, s7;
	s5 =	simm.s32 $0x2F0  }
0x66: {  	[tilespmem:s5], [sflag:$0x1] =	stream.linear.gather [hbm4b:s4+s6], $0x10, $0x38;
	[tilespmem:$0x3380] =	vst v63  }
0x67: {  	s3 =	sadd.s32 s3, s8;
	s5 =	simm.s32 $0x300  }
0x68: {  	[tilespmem:s5], [sflag:$0x1] =	stream.linear.gather [hbm4b:s3+s6], $0x10, $0x38;
	[tilespmem:$0x3380] =	vst v63  }
0x69: {  	_ =	swait.ge [sflag:s18], $0x10  }
0x6a: {  	[sflag:s18] =	ssyncset.done $0x0  }
0x6b: {  	[sflag:s18] =	ssyncadd.s32 $0xFFFFFFF0  }
0x6c: {  	v7 =	vld [tilespmem:$0x280];
	_ =	sdelay $0x1  }
0x6d: {  	s1 =	sand.u32 $0xF, s1  }
0x6e: {  	v8 =	vmov s1  }
0x6f: {  	vm3 =	veq.s32 v8, v0  }
0x70: {  	v7 =	vnsel vm3, $0x0, v7  }
0x71: {  	(xrf0) =	vadd.scan.msk.s32 $0xffff, v7;
	_ =	sdelay $0x5  }
0x72: {  	v7, _, _ =	vpop (xrf0)  }
0x73: {  	(v2sf) =	vpush v7, $0xF;
	_ =	sdelay $0x9  }
0x74: {  	v7 =	vpsel p2, v3, v6  }
0x75: {  	v7 =	vnsel vm2, $0x0, v7  }
0x76: {  	(xrf2) =	vadd.scan.msk.f32 $0xffff, v7;
	_ =	sdelay $0x2  }
0x77: {  	s5 =	spop (v2sf)  }
0x78: {  	s4 =	sshll.u32 s5, $0xA  }
0x79: {  	s1 =	sshll.u32 s5, $0x7;
	s3 =	sand.u32 $0xFFFFE000, s4  }
0x7a: {  	s1 =	sand.u32 $0x380, s1;
	s3 =	sadd.s32 s9, s3  }
0x7b: {  	s1 =	sor.u32 s1, s3  }
0x7c: {  	s1 =	sshrl.u32 s1, $0x3  }
0x7d: {  	s5 =	simm.s32 $0x380;
	s1 =	sadd.s32 s0, s1  }
0x7e: {  	v7, _, _ =	vpop (xrf2);
	[tilespmem:s5], [sflag:$0x2] =	stream.strided.gather [hbm4b:s1+s17], $0x400, s29, s17, $0x38;
	[tilespmem:$0x3380] =	vst v63  }
0x7f: {  	_ =	swait.ge [sflag:s18], $0x10  }
0x80: {  	[sflag:s18] =	ssyncset.done $0x0  }
0x81: {  	[sflag:s18] =	ssyncadd.s32 $0xFFFFFFF0  }
0x82: {  	v8 =	vld [tilespmem:$0x290];
	_ =	sdelay $0x4  }
0x83: {  	v8 =	vnsel vm3, $0x0, v8  }
0x84: {  	(xrf0) =	vadd.scan.msk.s32 $0xffff, v8;
	_ =	sdelay $0x5  }
0x85: {  	v8, _, _ =	vpop (xrf0)  }
0x86: {  	(v2sf) =	vpush v8, $0xF;
	_ =	sdelay $0x9  }
0x87: {  	v8 =	vpsel p2, v2, v5  }
0x88: {  	v8 =	vnsel vm2, $0x0, v8  }
0x89: {  	(xrf2) =	vadd.scan.msk.f32 $0xffff, v8;
	_ =	sdelay $0x2  }
0x8a: {  	s4 =	spop (v2sf)  }
0x8b: {  	s5 =	sshll.u32 s4, $0xA  }
0x8c: {  	s1 =	sshll.u32 s4, $0x7;
	s3 =	sand.u32 $0xFFFFE000, s5  }
0x8d: {  	s1 =	sand.u32 $0x380, s1;
	s3 =	sadd.s32 s9, s3  }
0x8e: {  	s1 =	sor.u32 s1, s3  }
0x8f: {  	s1 =	sshrl.u32 s1, $0x3  }
0x90: {  	s4 =	simm.s32 $0x780;
	s1 =	sadd.s32 s0, s1  }
0x91: {  	v8, _, _ =	vpop (xrf2);
	[tilespmem:s4], [sflag:$0x2] =	stream.strided.gather [hbm4b:s1+s17], $0x400, s29, s17, $0x38;
	[tilespmem:$0x3380] =	vst v63  }
0x92: {  	_ =	swait.ge [sflag:s18], $0x10  }
0x93: {  	[sflag:s18] =	ssyncset.done $0x0  }
0x94: {  	[sflag:s18] =	ssyncadd.s32 $0xFFFFFFF0  }
0x95: {  	v9 =	vld [tilespmem:$0x2A0];
	_ =	sdelay $0x4  }
0x96: {  	v9 =	vnsel vm3, $0x0, v9  }
0x97: {  	(xrf0) =	vadd.scan.msk.s32 $0xffff, v9;
	_ =	sdelay $0x5  }
0x98: {  	v9, _, _ =	vpop (xrf0)  }
0x99: {  	(v2sf) =	vpush v9, $0xF;
	_ =	sdelay $0x9  }
0x9a: {  	v9 =	vpsel p2, v1, v4  }
0x9b: {  	v9 =	vnsel vm2, $0x0, v9  }
0x9c: {  	(xrf2) =	vadd.scan.msk.f32 $0xffff, v9;
	_ =	sdelay $0x2  }
0x9d: {  	s5 =	spop (v2sf)  }
0x9e: {  	s4 =	sshll.u32 s5, $0xA  }
0x9f: {  	s1 =	sshll.u32 s5, $0x7;
	s3 =	sand.u32 $0xFFFFE000, s4  }
0xa0: {  	s1 =	sand.u32 $0x380, s1;
	s3 =	sadd.s32 s9, s3  }
0xa1: {  	s1 =	sor.u32 s1, s3  }
0xa2: {  	s1 =	sshrl.u32 s1, $0x3  }
0xa3: {  	s5 =	simm.s32 $0xB80;
	s1 =	sadd.s32 s0, s1  }
0xa4: {  	v10, _, _ =	vpop (xrf2);
	[tilespmem:s5], [sflag:$0x2] =	stream.strided.gather [hbm4b:s1+s17], $0x400, s29, s17, $0x38;
	[tilespmem:$0x3380] =	vst v63  }
0xa5: {  	_ =	swait.ge [sflag:s18], $0x10  }
0xa6: {  	[sflag:s18] =	ssyncset.done $0x0  }
0xa7: {  	[sflag:s18] =	ssyncadd.s32 $0xFFFFFFF0  }
0xa8: {  	v9 =	vld [tilespmem:$0x2B0];
	_ =	sdelay $0x1  }
0xa9: {  	s4 =	sand.u32 $0xF, s31  }
0xaa: {  	v11 =	vmov s4  }
0xab: {  	vm3 =	veq.s32 v11, v0  }
0xac: {  	v9 =	vnsel vm3, $0x0, v9  }
0xad: {  	(xrf0) =	vadd.scan.msk.s32 $0xffff, v9;
	_ =	sdelay $0x5  }
0xae: {  	v9, _, _ =	vpop (xrf0)  }
0xaf: {  	(v2sf) =	vpush v9, $0xF;
	_ =	sdelay $0xe  }
0xb0: {  	s5 =	spop (v2sf)  }
0xb1: {  	s4 =	sshll.u32 s5, $0xA  }
0xb2: {  	s1 =	sshll.u32 s5, $0x7;
	s3 =	sand.u32 $0xFFFFE000, s4  }
0xb3: {  	s1 =	sand.u32 $0x380, s1;
	s3 =	sadd.s32 s10, s3  }
0xb4: {  	s1 =	sor.u32 s1, s3  }
0xb5: {  	s1 =	sshrl.u32 s1, $0x3  }
0xb6: {  	s5 =	simm.s32 $0xF80;
	s1 =	sadd.s32 s0, s1  }
0xb7: {  	[tilespmem:s5], [sflag:$0x2] =	stream.strided.gather [hbm4b:s1+s17], $0x400, s29, s17, $0x38;
	[tilespmem:$0x3380] =	vst v63  }
0xb8: {  	_ =	swait.ge [sflag:s18], $0x10  }
0xb9: {  	[sflag:s18] =	ssyncset.done $0x0  }
0xba: {  	[sflag:s18] =	ssyncadd.s32 $0xFFFFFFF0  }
0xbb: {  	v9 =	vld [tilespmem:$0x2C0];
	_ =	sdelay $0x4  }
0xbc: {  	v9 =	vnsel vm3, $0x0, v9  }
0xbd: {  	(xrf0) =	vadd.scan.msk.s32 $0xffff, v9;
	_ =	sdelay $0x5  }
0xbe: {  	v9, _, _ =	vpop (xrf0)  }
0xbf: {  	(v2sf) =	vpush v9, $0xF;
	_ =	sdelay $0xe  }
0xc0: {  	s4 =	spop (v2sf)  }
0xc1: {  	s5 =	sshll.u32 s4, $0xA  }
0xc2: {  	s1 =	sshll.u32 s4, $0x7;
	s3 =	sand.u32 $0xFFFFE000, s5  }
0xc3: {  	s1 =	sand.u32 $0x380, s1;
	s3 =	sadd.s32 s10, s3  }
0xc4: {  	s1 =	sor.u32 s1, s3  }
0xc5: {  	s1 =	sshrl.u32 s1, $0x3  }
0xc6: {  	s4 =	simm.s32 $0x1380;
	s1 =	sadd.s32 s0, s1  }
0xc7: {  	[tilespmem:s4], [sflag:$0x2] =	stream.strided.gather [hbm4b:s1+s17], $0x400, s29, s17, $0x38;
	[tilespmem:$0x3380] =	vst v63  }
0xc8: {  	_ =	swait.ge [sflag:s18], $0x10  }
0xc9: {  	[sflag:s18] =	ssyncset.done $0x0  }
0xca: {  	[sflag:s18] =	ssyncadd.s32 $0xFFFFFFF0  }
0xcb: {  	v9 =	vld [tilespmem:$0x2D0];
	_ =	sdelay $0x4  }
0xcc: {  	v9 =	vnsel vm3, $0x0, v9  }
0xcd: {  	(xrf0) =	vadd.scan.msk.s32 $0xffff, v9;
	_ =	sdelay $0x5  }
0xce: {  	v9, _, _ =	vpop (xrf0)  }
0xcf: {  	(v2sf) =	vpush v9, $0xF;
	_ =	sdelay $0xe  }
0xd0: {  	s5 =	spop (v2sf)  }
0xd1: {  	s4 =	sshll.u32 s5, $0xA  }
0xd2: {  	s1 =	sshll.u32 s5, $0x7;
	s3 =	sand.u32 $0xFFFFE000, s4  }
0xd3: {  	s1 =	sand.u32 $0x380, s1;
	s3 =	sadd.s32 s10, s3  }
0xd4: {  	s1 =	sor.u32 s1, s3  }
0xd5: {  	s1 =	sshrl.u32 s1, $0x3  }
0xd6: {  	s5 =	simm.s32 $0x1780;
	s1 =	sadd.s32 s0, s1  }
0xd7: {  	[tilespmem:s5], [sflag:$0x2] =	stream.strided.gather [hbm4b:s1+s17], $0x400, s29, s17, $0x38;
	[tilespmem:$0x3380] =	vst v63  }
0xd8: {  	_ =	swait.ge [sflag:s18], $0x10  }
0xd9: {  	[sflag:s18] =	ssyncset.done $0x0  }
0xda: {  	[sflag:s18] =	ssyncadd.s32 $0xFFFFFFF0  }
0xdb: {  	v9 =	vld [tilespmem:$0x2E0];
	_ =	sdelay $0x1  }
0xdc: {  	s3 =	sand.u32 $0xF, s30  }
0xdd: {  	v11 =	vmov s3  }
0xde: {  	vm3 =	veq.s32 v11, v0  }
0xdf: {  	v9 =	vnsel vm3, $0x0, v9  }
0xe0: {  	(xrf0) =	vadd.scan.msk.s32 $0xffff, v9;
	_ =	sdelay $0x5  }
0xe1: {  	v9, _, _ =	vpop (xrf0)  }
0xe2: {  	(v2sf) =	vpush v9, $0xF;
	_ =	sdelay $0xe  }
0xe3: {  	s4 =	spop (v2sf)  }
0xe4: {  	s5 =	sshll.u32 s4, $0xA  }
0xe5: {  	s1 =	sshll.u32 s4, $0x7;
	s3 =	sand.u32 $0xFFFFE000, s5  }
0xe6: {  	s1 =	sand.u32 $0x380, s1;
	s3 =	sadd.s32 s11, s3  }
0xe7: {  	s1 =	sor.u32 s1, s3  }
0xe8: {  	s1 =	sshrl.u32 s1, $0x3  }
0xe9: {  	s1 =	sadd.s32 s0, s1  }
0xea: {  	[tilespmem:s19], [sflag:$0x2] =	stream.strided.gather [hbm4b:s1+s17], $0x400, s29, s17, $0x38;
	[tilespmem:$0x3380] =	vst v63  }
0xeb: {  	_ =	swait.ge [sflag:s18], $0x10  }
0xec: {  	[sflag:s18] =	ssyncset.done $0x0  }
0xed: {  	[sflag:s18] =	ssyncadd.s32 $0xFFFFFFF0  }
0xee: {  	v9 =	vld [tilespmem:$0x2F0];
	_ =	sdelay $0x4  }
0xef: {  	v9 =	vnsel vm3, $0x0, v9  }
0xf0: {  	(xrf0) =	vadd.scan.msk.s32 $0xffff, v9;
	_ =	sdelay $0x5  }
0xf1: {  	v9, _, _ =	vpop (xrf0)  }
0xf2: {  	(v2sf) =	vpush v9, $0xF;
	_ =	sdelay $0xe  }
0xf3: {  	s4 =	spop (v2sf)  }
0xf4: {  	s5 =	sshll.u32 s4, $0xA  }
0xf5: {  	s1 =	sshll.u32 s4, $0x7;
	s3 =	sand.u32 $0xFFFFE000, s5  }
0xf6: {  	s1 =	sand.u32 $0x380, s1;
	s3 =	sadd.s32 s11, s3  }
0xf7: {  	s1 =	sor.u32 s1, s3  }
0xf8: {  	s1 =	sshrl.u32 s1, $0x3  }
0xf9: {  	s1 =	sadd.s32 s0, s1  }
0xfa: {  	[tilespmem:s20], [sflag:$0x2] =	stream.strided.gather [hbm4b:s1+s17], $0x400, s29, s17, $0x38;
	[tilespmem:$0x3380] =	vst v63  }
0xfb: {  	_ =	swait.ge [sflag:s18], $0x10  }
0xfc: {  	[sflag:s18] =	ssyncset.done $0x0  }
0xfd: {  	[sflag:s18] =	ssyncadd.s32 $0xFFFFFFF0  }
0xfe: {  	v9 =	vld [tilespmem:$0x300];
	_ =	sdelay $0x4  }
0xff: {  	v9 =	vnsel vm3, $0x0, v9  }
0x100: {  	(xrf0) =	vadd.scan.msk.s32 $0xffff, v9;
	_ =	sdelay $0x5  }
0x101: {  	v9, _, _ =	vpop (xrf0)  }
0x102: {  	(v2sf) =	vpush v9, $0xF;
	_ =	sdelay $0xe  }
0x103: {  	s4 =	spop (v2sf)  }
0x104: {  	s5 =	sshll.u32 s4, $0xA  }
0x105: {  	s1 =	sshll.u32 s4, $0x7;
	s3 =	sand.u32 $0xFFFFE000, s5  }
0x106: {  	s1 =	sand.u32 $0x380, s1;
	s3 =	sadd.s32 s11, s3  }
0x107: {  	s1 =	sor.u32 s1, s3  }
0x108: {  	s1 =	sshrl.u32 s1, $0x3  }
0x109: {  	s1 =	sadd.s32 s0, s1  }
0x10a: {  	[tilespmem:s21], [sflag:$0x2] =	stream.strided.gather [hbm4b:s1+s17], $0x400, s29, s17, $0x38;
	[tilespmem:$0x3380] =	vst v63  }
0x10b: {  	_ =	swait.ge [sflag:s22], $0x400  }
0x10c: {  	[sflag:s22] =	ssyncset.done $0x0  }
0x10d: {  	[sflag:s22] =	ssyncadd.s32 $0xFFFFFC00  }
0x10e: {  	_ =	swait.ge [sflag:s22], $0x400  }
0x10f: {  	[sflag:s22] =	ssyncset.done $0x0  }
0x110: {  	[sflag:s22] =	ssyncadd.s32 $0xFFFFFC00  }
0x111: {  	_ =	swait.ge [sflag:s22], $0x400  }
0x112: {  	[sflag:s22] =	ssyncset.done $0x0  }
0x113: {  	s30 =	simm.s32 $0x0;
	[sflag:s22] =	ssyncadd.s32 $0xFFFFFC00  }
0x114: {  	v11 =	vld [tilespmem:s30+$0x3F0]  }
0x115: {  	v12 =	vld [tilespmem:s30+$0x7F0]  }
0x116: {  	v13 =	vld [tilespmem:s30+$0x380]  }
0x117: {  	v14 =	vld [tilespmem:s30+$0xBF0]  }
0x118: {  	v15 =	vld [tilespmem:s30+$0x780]  }
0x119: {  	v16 =	vld [tilespmem:s30+$0x390]  }
0x11a: {  	v9 =	vbroadcast v7, $0xF;
	v7 =	vbroadcast v10, $0xF;
	v10 =	vld [tilespmem:s30+$0x790]  }
0x11b: {  	v17 =	vld [tilespmem:s30+$0x3A0]  }
0x11c: {  	v8 =	vbroadcast v8, $0xF;
	v18 =	vld [tilespmem:s30+$0x7A0]  }
0x11d: {  	v19 =	vld [tilespmem:s30+$0x7B0]  }
0x11e: {  	v20 =	vld [tilespmem:s30+$0x7C0];
	v11 =	vmul.f32 v11, v9;
	v12 =	vmul.f32 v12, v8  }
0x11f: {  	v21 =	vld [tilespmem:s30+$0x7D0]  }
0x120: {  	v22 =	vld [tilespmem:s30+$0x3E0];
	v11 =	vadd.f32 v12, v11;
	v12 =	vmul.f32 v14, v7  }
0x121: {  	v23 =	vld [tilespmem:s30+$0x7E0]  }
0x122: {  	v14 =	vld [tilespmem:s30+$0x3B0];
	v11 =	vadd.f32 v12, v11  }
0x123: {  	v13 =	vmul.f32 v13, v9;
	v12 =	vld [tilespmem:s30+$0x3C0]  }
0x124: {  	v15 =	vmul.f32 v15, v8;
	v16 =	vmul.f32 v16, v9;
	[tilespmem:s30+$0x27F0] =	vst v11;
	v11 =	vld [tilespmem:s30+$0x3D0]  }
0x125: {  	v24 =	vld [tilespmem:s30+$0xB80];
	v10 =	vmul.f32 v10, v8;
	v17 =	vmul.f32 v17, v9  }
0x126: {  	v25 =	vld [tilespmem:s30+$0xB90];
	v18 =	vmul.f32 v18, v8;
	v21 =	vmul.f32 v21, v8  }
0x127: {  	v27 =	vld [tilespmem:s30+$0xBA0];
	v22 =	vmul.f32 v22, v9;
	v26 =	vadd.f32 v15, v13;
	v13 =	vmul.f32 v19, v8  }
0x128: {  	v10 =	vadd.f32 v10, v16;
	v16 =	vmul.f32 v20, v8;
	v20 =	vld [tilespmem:s30+$0xBB0];
	v14 =	vmul.f32 v14, v9  }
0x129: {  	v15 =	vmul.f32 v12, v9;
	v19 =	vmul.f32 v11, v9;
	v11 =	vadd.f32 v18, v17;
	v17 =	vld [tilespmem:s30+$0xBC0]  }
0x12a: {  	v23 =	vmul.f32 v23, v8;
	v24 =	vmul.f32 v24, v7;
	v12 =	vadd.f32 v13, v14;
	v18 =	vld [tilespmem:s30+$0xBD0]  }
0x12b: {  	s31 =	simm.s32 $0x80;
	v14 =	vadd.f32 v16, v15;
	v13 =	vadd.f32 v21, v19;
	v21 =	vmul.f32 v25, v7;
	v19 =	vld [tilespmem:s30+$0xBE0]  }
0x12c: {  	s1 =	simm.s32 $0x400;
	v15 =	vadd.f32 v23, v22;
	v16 =	vld [tilespmem:s31+$0x3F0];
	v23 =	vadd.f32 v24, v26;
	v22 =	vmul.f32 v27, v7  }
.LBB2_2:
0x12d: {  	p3 =	sne.s32 s1, $0xE00;
	v24 =	vld [tilespmem:s31+$0x7F0];
	v10 =	vadd.f32 v21, v10;
	v20 =	vmul.f32 v20, v7  }
0x12e: {  	v21 =	vld [tilespmem:s31+$0x380];
	[tilespmem:s30+$0x2780] =	vst v23;
	v11 =	vadd.f32 v22, v11;
	v17 =	vmul.f32 v17, v7  }
0x12f: {  	v22 =	vld [tilespmem:s31+$0xBF0];
	[tilespmem:s30+$0x2790] =	vst v10;
	v10 =	vadd.f32 v20, v12;
	v12 =	vmul.f32 v18, v7  }
0x130: {  	v18 =	vld [tilespmem:s31+$0x780];
	[tilespmem:s30+$0x27A0] =	vst v11;
	v11 =	vadd.f32 v17, v14;
	v14 =	vmul.f32 v19, v7  }
0x131: {  	v17 =	vld [tilespmem:s31+$0x390];
	[tilespmem:s30+$0x27B0] =	vst v10;
	v10 =	vadd.f32 v12, v13  }
0x132: {  	v13 =	vmul.f32 v16, v9;
	v12 =	vld [tilespmem:s31+$0x790];
	v16 =	vmul.f32 v24, v8;
	[tilespmem:s30+$0x27C0] =	vst v11;
	v11 =	vadd.f32 v14, v15  }
0x133: {  	v14 =	vmul.f32 v21, v9;
	v15 =	vld [tilespmem:s31+$0x3A0];
	[tilespmem:s30+$0x27D0] =	vst v10  }
0x134: {  	v19 =	vld [tilespmem:s31+$0x7A0];
	v10 =	vadd.f32 v16, v13;
	v13 =	vmul.f32 v22, v7;
	[tilespmem:s30+$0x27E0] =	vst v11;
	s30 =	smov.u32 s31  }
0x135: {  	v11 =	vmul.f32 v18, v8;
	v16 =	vld [tilespmem:s30+$0x3B0]  }
0x136: {  	v17 =	vmul.f32 v17, v9;
	v18 =	vld [tilespmem:s30+$0x7B0];
	v10 =	vadd.f32 v13, v10  }
0x137: {  	v22 =	vadd.f32 v11, v14;
	v11 =	vmul.f32 v12, v8;
	v12 =	vld [tilespmem:s30+$0x3C0]  }
0x138: {  	v13 =	vmul.f32 v15, v9;
	v14 =	vld [tilespmem:s30+$0x7C0];
	[tilespmem:s30+$0x27F0] =	vst v10  }
0x139: {  	v10 =	vadd.f32 v11, v17;
	v11 =	vmul.f32 v19, v8;
	v15 =	vld [tilespmem:s30+$0x3D0]  }
0x13a: {  	v16 =	vmul.f32 v16, v9;
	v17 =	vld [tilespmem:s30+$0x7D0]  }
0x13b: {  	v11 =	vadd.f32 v11, v13;
	v13 =	vmul.f32 v18, v8;
	v18 =	vld [tilespmem:s30+$0x3E0]  }
0x13c: {  	v19 =	vmul.f32 v12, v9;
	v21 =	vld [tilespmem:s30+$0x7E0]  }
0x13d: {  	v23 =	vld [tilespmem:s30+$0xB80];
	v12 =	vadd.f32 v13, v16;
	v13 =	vmul.f32 v14, v8  }
0x13e: {  	v16 =	vld [tilespmem:s30+$0xB90];
	v15 =	vmul.f32 v15, v9  }
0x13f: {  	v24 =	vld [tilespmem:s30+$0xBA0];
	v14 =	vadd.f32 v13, v19;
	v13 =	vmul.f32 v17, v8  }
.Ltmp0:
0x140: {  	v20 =	vld [tilespmem:s30+$0xBB0];
	v19 =	vmul.f32 v18, v9;
	(pc) =	sbr.rel @p3 .LBB2_2-.Ltmp0, $4  }
0x141: {  	v17 =	vld [tilespmem:s30+$0xBC0];
	v13 =	vadd.f32 v13, v15;
	v15 =	vmul.f32 v21, v8  }
0x142: {  	v23 =	vmul.f32 v23, v7;
	v18 =	vld [tilespmem:s30+$0xBD0]  }
0x143: {  	s31 =	sshra.s32 s1, $0x2;
	v21 =	vmul.f32 v16, v7;
	v15 =	vadd.f32 v15, v19;
	v19 =	vld [tilespmem:s30+$0xBE0]  }
0x144: {  	s1 =	sadd.s32 $0x200, s1;
	v16 =	vld [tilespmem:s31+$0x3F0];
	v23 =	vadd.f32 v23, v22;
	v22 =	vmul.f32 v24, v7  }
0x145: {  	v24 =	vld [tilespmem:s31+$0x7F0];
	v10 =	vadd.f32 v21, v10;
	v20 =	vmul.f32 v20, v7  }
0x146: {  	v25 =	vld [tilespmem:s31+$0x380];
	[tilespmem:s30+$0x2780] =	vst v23;
	v11 =	vadd.f32 v22, v11;
	v17 =	vmul.f32 v17, v7  }
0x147: {  	v21 =	vld [tilespmem:s31+$0xBF0];
	[tilespmem:s30+$0x2790] =	vst v10;
	v12 =	vadd.f32 v20, v12;
	v18 =	vmul.f32 v18, v7  }
0x148: {  	v10 =	vld [tilespmem:s31+$0x780];
	[tilespmem:s30+$0x27A0] =	vst v11;
	v14 =	vadd.f32 v17, v14;
	v17 =	vmul.f32 v19, v7  }
0x149: {  	v11 =	vld [tilespmem:s31+$0x390];
	[tilespmem:s30+$0x27B0] =	vst v12;
	v13 =	vadd.f32 v18, v13  }
0x14a: {  	v12 =	vld [tilespmem:s31+$0x790];
	[tilespmem:s30+$0x27C0] =	vst v14;
	v15 =	vadd.f32 v17, v15  }
0x14b: {  	v14 =	vld [tilespmem:s31+$0x3A0];
	[tilespmem:s30+$0x27D0] =	vst v13;
	v13 =	vmul.f32 v16, v9;
	v16 =	vmul.f32 v24, v8  }
0x14c: {  	v17 =	vld [tilespmem:s31+$0x7A0];
	[tilespmem:s30+$0x27E0] =	vst v15  }
0x14d: {  	v13 =	vadd.f32 v16, v13;
	v16 =	vld [tilespmem:s31+$0x3B0]  }
0x14e: {  	v18 =	vld [tilespmem:s31+$0x7B0]  }
0x14f: {  	v19 =	vld [tilespmem:s31+$0x7C0]  }
0x150: {  	v20 =	vld [tilespmem:s31+$0x7D0]  }
0x151: {  	v15 =	vmul.f32 v21, v7;
	v22 =	vld [tilespmem:s31+$0x3E0]  }
0x152: {  	v23 =	vld [tilespmem:s31+$0x7E0]  }
0x153: {  	v21 =	vmul.f32 v25, v9;
	v10 =	vmul.f32 v10, v8;
	v56 =	vld [tilespmem:s31+$0xB80];
	v13 =	vadd.f32 v15, v13  }
0x154: {  	v11 =	vmul.f32 v11, v9;
	v15 =	vld [tilespmem:s31+$0x3C0];
	v12 =	vmul.f32 v12, v8  }
0x155: {  	v14 =	vmul.f32 v14, v9;
	[tilespmem:s31+$0x27F0] =	vst v13;
	v13 =	vld [tilespmem:s31+$0x3D0];
	v17 =	vmul.f32 v17, v8  }
0x156: {  	v10 =	vadd.f32 v10, v21;
	v11 =	vadd.f32 v12, v11;
	v12 =	vmul.f32 v16, v9;
	v16 =	vld [tilespmem:s31+$0xB90]  }
0x157: {  	v21 =	vpsel p1, v3, v6;
	v14 =	vadd.f32 v17, v14;
	v17 =	vmul.f32 v18, v8;
	v18 =	vld [tilespmem:s31+$0xBA0]  }
0x158: {  	v26 =	vpsel p1, v2, v5;
	v58 =	vpsel p1, v1, v4;
	v57 =	vld [tilespmem:s31+$0xBB0];
	v21 =	vnsel vm1, $0x0, v21  }
0x159: {  	v27 =	vld [tilespmem:s31+$0xBC0];
	(xrf2) =	vadd.scan.msk.f32 $0xffff, v21;
	v21 =	vnsel vm1, $0x0, v26;
	v19 =	vmul.f32 v19, v8;
	v15 =	vmul.f32 v15, v9  }
0x15a: {  	v59 =	vnsel vm1, $0x0, v58;
	(xrf2) =	vadd.scan.msk.f32 $0xffff, v21;
	v21 =	vld [tilespmem:s31+$0xBD0];
	v12 =	vadd.f32 v17, v12;
	v17 =	vmul.f32 v56, v7  }
0x15b: {  	v20 =	vmul.f32 v20, v8;
	v15 =	vadd.f32 v19, v15;
	v19 =	vld [tilespmem:s31+$0xBE0];
	v16 =	vmul.f32 v16, v7  }
0x15c: {  	(xrf2) =	vadd.scan.msk.f32 $0xffff, v59;
	v13 =	vmul.f32 v13, v9;
	v10 =	vadd.f32 v17, v10;
	v17 =	vmul.f32 v18, v7  }
0x15d: {  	v8 =	vmul.f32 v23, v8;
	v11 =	vadd.f32 v16, v11;
	v16 =	vmul.f32 v57, v7  }
0x15e: {  	v9 =	vmul.f32 v22, v9;
	v13 =	vadd.f32 v20, v13;
	[tilespmem:s31+$0x2780] =	vst v10;
	v10 =	vadd.f32 v17, v14  }
0x15f: {  	v14 =	vmul.f32 v27, v7;
	[tilespmem:s31+$0x2790] =	vst v11;
	v11 =	vadd.f32 v16, v12;
	v12 =	vmul.f32 v21, v7  }
0x160: {  	v8 =	vadd.f32 v8, v9;
	v7 =	vmul.f32 v19, v7  }
0x161: {  	[tilespmem:s31+$0x27A0] =	vst v10;
	v9 =	vadd.f32 v14, v15;
	v10 =	vadd.f32 v12, v13  }
0x162: {  	[tilespmem:s31+$0x27B0] =	vst v11;
	v7 =	vadd.f32 v7, v8  }
0x163: {  	[tilespmem:s31+$0x27C0] =	vst v9  }
0x164: {  	v8, _, _ =	vpop (xrf2);
	[tilespmem:s31+$0x27D0] =	vst v10  }
0x165: {  	[tilespmem:s31+$0x27E0] =	vst v7;
	v10, _, _ =	vpop (xrf2)  }
0x166: {  	[hbm4b:s12+s17] =	stream.strided.scatter [tilespmem:s23], [sflag:$0x3], $0x400, s29, s17, $0x38;
	v7, _, _ =	vpop (xrf2);
	[tilespmem:$0x3380] =	vst v63  }
0x167: {  	_ =	swait.ge [sflag:s22], $0x400  }
0x168: {  	[sflag:s22] =	ssyncset.done $0x0  }
0x169: {  	[sflag:s22] =	ssyncadd.s32 $0xFFFFFC00  }
0x16a: {  	_ =	swait.ge [sflag:s22], $0x400  }
0x16b: {  	[sflag:s22] =	ssyncset.done $0x0  }
0x16c: {  	[sflag:s22] =	ssyncadd.s32 $0xFFFFFC00  }
0x16d: {  	_ =	swait.ge [sflag:s22], $0x400  }
0x16e: {  	[sflag:s22] =	ssyncset.done $0x0  }
0x16f: {  	s30 =	simm.s32 $0x0;
	[sflag:s22] =	ssyncadd.s32 $0xFFFFFC00  }
0x170: {  	v11 =	vld [tilespmem:s30+$0xFF0]  }
0x171: {  	v12 =	vld [tilespmem:s30+$0x13F0]  }
0x172: {  	v13 =	vld [tilespmem:s30+$0xF80]  }
0x173: {  	v14 =	vld [tilespmem:s30+$0x17F0]  }
0x174: {  	v15 =	vld [tilespmem:s30+$0x1380]  }
0x175: {  	v9 =	vbroadcast v8, $0xF;
	v8 =	vbroadcast v10, $0xF;
	v10 =	vld [tilespmem:s30+$0xF90]  }
0x176: {  	v16 =	vld [tilespmem:s30+$0x1390]  }
0x177: {  	v17 =	vld [tilespmem:s30+$0xFA0]  }
0x178: {  	v18 =	vld [tilespmem:s30+$0x13A0]  }
0x179: {  	v7 =	vbroadcast v7, $0xF;
	v19 =	vld [tilespmem:s30+$0x13B0]  }
0x17a: {  	v20 =	vld [tilespmem:s30+$0x13C0];
	v11 =	vmul.f32 v11, v9;
	v12 =	vmul.f32 v12, v8  }
0x17b: {  	v21 =	vld [tilespmem:s30+$0x13D0]  }
0x17c: {  	v22 =	vld [tilespmem:s30+$0xFE0];
	v11 =	vadd.f32 v12, v11;
	v12 =	vmul.f32 v14, v7  }
0x17d: {  	v23 =	vld [tilespmem:s30+$0x13E0]  }
0x17e: {  	v14 =	vld [tilespmem:s30+$0xFB0];
	v11 =	vadd.f32 v12, v11  }
0x17f: {  	v13 =	vmul.f32 v13, v9;
	v12 =	vld [tilespmem:s30+$0xFC0]  }
0x180: {  	v15 =	vmul.f32 v15, v8;
	v10 =	vmul.f32 v10, v9;
	[tilespmem:s30+$0x2BF0] =	vst v11;
	v11 =	vld [tilespmem:s30+$0xFD0]  }
0x181: {  	v60 =	vld [tilespmem:s30+$0x1780];
	v16 =	vmul.f32 v16, v8;
	v17 =	vmul.f32 v17, v9  }
0x182: {  	v61 =	vld [tilespmem:s30+$0x1790];
	v18 =	vmul.f32 v18, v8;
	v21 =	vmul.f32 v21, v8  }
0x183: {  	v63 =	vld [tilespmem:s30+$0x17A0];
	v22 =	vmul.f32 v22, v9;
	v62 =	vadd.f32 v15, v13;
	v13 =	vmul.f32 v19, v8  }
0x184: {  	v10 =	vadd.f32 v16, v10;
	v16 =	vmul.f32 v20, v8;
	v20 =	vld [tilespmem:s30+$0x17B0];
	v14 =	vmul.f32 v14, v9  }
0x185: {  	v15 =	vmul.f32 v12, v9;
	v19 =	vmul.f32 v11, v9;
	v11 =	vadd.f32 v18, v17;
	v17 =	vld [tilespmem:s30+$0x17C0]  }
0x186: {  	v23 =	vmul.f32 v23, v8;
	v24 =	vmul.f32 v60, v7;
	v12 =	vadd.f32 v13, v14;
	v18 =	vld [tilespmem:s30+$0x17D0]  }
0x187: {  	s31 =	simm.s32 $0x80;
	v14 =	vadd.f32 v16, v15;
	v13 =	vadd.f32 v21, v19;
	v21 =	vmul.f32 v61, v7;
	v19 =	vld [tilespmem:s30+$0x17E0]  }
0x188: {  	s1 =	simm.s32 $0x400;
	v15 =	vadd.f32 v23, v22;
	v16 =	vld [tilespmem:s31+$0xFF0];
	v23 =	vadd.f32 v24, v62;
	v22 =	vmul.f32 v63, v7  }
.LBB2_4:
0x189: {  	p3 =	sne.s32 s1, $0xE00;
	v24 =	vld [tilespmem:s31+$0x13F0];
	v10 =	vadd.f32 v21, v10;
	v20 =	vmul.f32 v20, v7  }
0x18a: {  	v21 =	vld [tilespmem:s31+$0xF80];
	[tilespmem:s30+$0x2B80] =	vst v23;
	v11 =	vadd.f32 v22, v11;
	v17 =	vmul.f32 v17, v7  }
0x18b: {  	v22 =	vld [tilespmem:s31+$0x17F0];
	[tilespmem:s30+$0x2B90] =	vst v10;
	v10 =	vadd.f32 v20, v12;
	v12 =	vmul.f32 v18, v7  }
0x18c: {  	v18 =	vld [tilespmem:s31+$0x1380];
	[tilespmem:s30+$0x2BA0] =	vst v11;
	v11 =	vadd.f32 v17, v14;
	v14 =	vmul.f32 v19, v7  }
0x18d: {  	v17 =	vld [tilespmem:s31+$0xF90];
	[tilespmem:s30+$0x2BB0] =	vst v10;
	v10 =	vadd.f32 v12, v13  }
0x18e: {  	v13 =	vmul.f32 v16, v9;
	v12 =	vld [tilespmem:s31+$0x1390];
	v16 =	vmul.f32 v24, v8;
	[tilespmem:s30+$0x2BC0] =	vst v11;
	v11 =	vadd.f32 v14, v15  }
0x18f: {  	v14 =	vmul.f32 v21, v9;
	v15 =	vld [tilespmem:s31+$0xFA0];
	[tilespmem:s30+$0x2BD0] =	vst v10  }
0x190: {  	v19 =	vld [tilespmem:s31+$0x13A0];
	v10 =	vadd.f32 v16, v13;
	v13 =	vmul.f32 v22, v7;
	[tilespmem:s30+$0x2BE0] =	vst v11;
	s30 =	smov.u32 s31  }
0x191: {  	v11 =	vmul.f32 v18, v8;
	v16 =	vld [tilespmem:s30+$0xFB0]  }
0x192: {  	v17 =	vmul.f32 v17, v9;
	v18 =	vld [tilespmem:s30+$0x13B0];
	v10 =	vadd.f32 v13, v10  }
0x193: {  	v22 =	vadd.f32 v11, v14;
	v11 =	vmul.f32 v12, v8;
	v12 =	vld [tilespmem:s30+$0xFC0]  }
0x194: {  	v13 =	vmul.f32 v15, v9;
	v14 =	vld [tilespmem:s30+$0x13C0];
	[tilespmem:s30+$0x2BF0] =	vst v10  }
0x195: {  	v10 =	vadd.f32 v11, v17;
	v11 =	vmul.f32 v19, v8;
	v15 =	vld [tilespmem:s30+$0xFD0]  }
0x196: {  	v16 =	vmul.f32 v16, v9;
	v17 =	vld [tilespmem:s30+$0x13D0]  }
0x197: {  	v11 =	vadd.f32 v11, v13;
	v13 =	vmul.f32 v18, v8;
	v18 =	vld [tilespmem:s30+$0xFE0]  }
0x198: {  	v19 =	vmul.f32 v12, v9;
	v21 =	vld [tilespmem:s30+$0x13E0]  }
0x199: {  	v23 =	vld [tilespmem:s30+$0x1780];
	v12 =	vadd.f32 v13, v16;
	v13 =	vmul.f32 v14, v8  }
0x19a: {  	v16 =	vld [tilespmem:s30+$0x1790];
	v15 =	vmul.f32 v15, v9  }
0x19b: {  	v24 =	vld [tilespmem:s30+$0x17A0];
	v14 =	vadd.f32 v13, v19;
	v13 =	vmul.f32 v17, v8  }
.Ltmp1:
0x19c: {  	v20 =	vld [tilespmem:s30+$0x17B0];
	v19 =	vmul.f32 v18, v9;
	(pc) =	sbr.rel @p3 .LBB2_4-.Ltmp1, $4  }
0x19d: {  	v17 =	vld [tilespmem:s30+$0x17C0];
	v13 =	vadd.f32 v13, v15;
	v15 =	vmul.f32 v21, v8  }
0x19e: {  	v23 =	vmul.f32 v23, v7;
	v18 =	vld [tilespmem:s30+$0x17D0]  }
0x19f: {  	s31 =	sshra.s32 s1, $0x2;
	v21 =	vmul.f32 v16, v7;
	v15 =	vadd.f32 v15, v19;
	v19 =	vld [tilespmem:s30+$0x17E0]  }
0x1a0: {  	s1 =	sadd.s32 $0x200, s1;
	v16 =	vld [tilespmem:s31+$0xFF0];
	v23 =	vadd.f32 v23, v22;
	v22 =	vmul.f32 v24, v7  }
0x1a1: {  	v24 =	vld [tilespmem:s31+$0x13F0];
	v10 =	vadd.f32 v21, v10;
	v20 =	vmul.f32 v20, v7  }
0x1a2: {  	v25 =	vld [tilespmem:s31+$0xF80];
	[tilespmem:s30+$0x2B80] =	vst v23;
	v11 =	vadd.f32 v22, v11;
	v17 =	vmul.f32 v17, v7  }
0x1a3: {  	v57 =	vld [tilespmem:s31+$0x17F0];
	[tilespmem:s30+$0x2B90] =	vst v10;
	v12 =	vadd.f32 v20, v12;
	v18 =	vmul.f32 v18, v7  }
0x1a4: {  	v10 =	vld [tilespmem:s31+$0x1380];
	[tilespmem:s30+$0x2BA0] =	vst v11;
	v14 =	vadd.f32 v17, v14;
	v17 =	vmul.f32 v19, v7  }
0x1a5: {  	v11 =	vld [tilespmem:s31+$0xF90];
	[tilespmem:s30+$0x2BB0] =	vst v12;
	v13 =	vadd.f32 v18, v13  }
0x1a6: {  	v12 =	vld [tilespmem:s31+$0x1390];
	[tilespmem:s30+$0x2BC0] =	vst v14;
	v15 =	vadd.f32 v17, v15  }
0x1a7: {  	v14 =	vld [tilespmem:s31+$0xFA0];
	[tilespmem:s30+$0x2BD0] =	vst v13;
	v13 =	vmul.f32 v16, v9;
	v16 =	vmul.f32 v24, v8  }
0x1a8: {  	v17 =	vld [tilespmem:s31+$0x13A0];
	[tilespmem:s30+$0x2BE0] =	vst v15  }
0x1a9: {  	v13 =	vadd.f32 v16, v13;
	v16 =	vld [tilespmem:s31+$0xFB0]  }
0x1aa: {  	v18 =	vld [tilespmem:s31+$0x13B0]  }
0x1ab: {  	v19 =	vld [tilespmem:s31+$0x13C0]  }
0x1ac: {  	v58 =	vld [tilespmem:s31+$0x13D0]  }
0x1ad: {  	v15 =	vmul.f32 v57, v7;
	v60 =	vld [tilespmem:s31+$0xFE0]  }
0x1ae: {  	v23 =	vld [tilespmem:s31+$0x13E0]  }
0x1af: {  	v13 =	vadd.f32 v15, v13;
	v15 =	vld [tilespmem:s31+$0xFC0]  }
0x1b0: {  	v3 =	vpsel p0, v3, v6;
	v61 =	vld [tilespmem:s31+$0x1780];
	v11 =	vmul.f32 v11, v9;
	v12 =	vmul.f32 v12, v8  }
0x1b1: {  	v2 =	vpsel p0, v2, v5;
	v14 =	vmul.f32 v14, v9;
	[tilespmem:s31+$0x2BF0] =	vst v13;
	v13 =	vld [tilespmem:s31+$0xFD0];
	v17 =	vmul.f32 v17, v8  }
0x1b2: {  	v1 =	vpsel p0, v1, v4;
	v11 =	vadd.f32 v12, v11;
	v12 =	vmul.f32 v16, v9;
	v16 =	vld [tilespmem:s31+$0x1790]  }
0x1b3: {  	v59 =	vmul.f32 v25, v9;
	v14 =	vadd.f32 v17, v14;
	v17 =	vmul.f32 v18, v8;
	v18 =	vld [tilespmem:s31+$0x17A0]  }
0x1b4: {  	v3 =	vnsel vm0, $0x0, v3;
	v10 =	vmul.f32 v10, v8;
	v6 =	vmul.f32 v15, v9;
	v15 =	vld [tilespmem:s31+$0x17B0]  }
0x1b5: {  	v2 =	vnsel vm0, $0x0, v2;
	v1 =	vnsel vm0, $0x0, v1;
	(xrf2) =	vadd.scan.msk.f32 $0xffff, v3;
	v5 =	vmul.f32 v19, v8;
	v19 =	vld [tilespmem:s31+$0x17C0]  }
0x1b6: {  	(xrf2) =	vadd.scan.msk.f32 $0xffff, v2;
	v10 =	vadd.f32 v10, v59;
	v4 =	vmul.f32 v61, v7;
	v3 =	vadd.f32 v17, v12;
	v12 =	vld [tilespmem:s31+$0x17D0]  }
0x1b7: {  	(xrf2) =	vadd.scan.msk.f32 $0xffff, v1;
	v1 =	vmul.f32 v58, v8;
	v5 =	vadd.f32 v5, v6;
	v6 =	vmul.f32 v16, v7  }
0x1b8: {  	v4 =	vadd.f32 v4, v10;
	v2 =	vmul.f32 v13, v9;
	v13 =	vld [tilespmem:s31+$0x17E0];
	v10 =	vmul.f32 v18, v7  }
0x1b9: {  	v8 =	vmul.f32 v23, v8;
	v6 =	vadd.f32 v6, v11;
	v11 =	vmul.f32 v15, v7  }
0x1ba: {  	v9 =	vmul.f32 v60, v9;
	[tilespmem:s31+$0x2B80] =	vst v4;
	v1 =	vadd.f32 v1, v2;
	v4 =	vadd.f32 v10, v14  }
0x1bb: {  	v10 =	vmul.f32 v19, v7;
	v2 =	vadd.f32 v11, v3;
	v3 =	vmul.f32 v12, v7  }
0x1bc: {  	[tilespmem:s31+$0x2B90] =	vst v6;
	v6 =	vadd.f32 v8, v9  }
0x1bd: {  	[tilespmem:s31+$0x2BA0] =	vst v4;
	v4 =	vadd.f32 v10, v5;
	v5 =	vmul.f32 v13, v7;
	v1 =	vadd.f32 v3, v1  }
0x1be: {  	[tilespmem:s31+$0x2BB0] =	vst v2  }
0x1bf: {  	[tilespmem:s31+$0x2BC0] =	vst v4;
	v2 =	vadd.f32 v5, v6  }
0x1c0: {  	v3, _, _ =	vpop (xrf2);
	[tilespmem:s31+$0x2BD0] =	vst v1  }
0x1c1: {  	[tilespmem:s31+$0x2BE0] =	vst v2;
	v1, _, _ =	vpop (xrf2)  }
0x1c2: {  	[hbm4b:s13+s17] =	stream.strided.scatter [tilespmem:s24], [sflag:$0x3], $0x400, s29, s17, $0x38;
	v4, _, _ =	vpop (xrf2);
	[tilespmem:$0x3380] =	vst v63  }
0x1c3: {  	_ =	swait.ge [sflag:s22], $0x400  }
0x1c4: {  	[sflag:s22] =	ssyncset.done $0x0  }
0x1c5: {  	[sflag:s22] =	ssyncadd.s32 $0xFFFFFC00  }
0x1c6: {  	_ =	swait.ge [sflag:s22], $0x400  }
0x1c7: {  	[sflag:s22] =	ssyncset.done $0x0  }
0x1c8: {  	[sflag:s22] =	ssyncadd.s32 $0xFFFFFC00  }
0x1c9: {  	_ =	swait.ge [sflag:s22], $0x400  }
0x1ca: {  	[sflag:s22] =	ssyncset.done $0x0  }
0x1cb: {  	s30 =	simm.s32 $0x0;
	[sflag:s22] =	ssyncadd.s32 $0xFFFFFC00  }
0x1cc: {  	v5 =	vld [tilespmem:s30+$0x1BF0]  }
0x1cd: {  	v6 =	vld [tilespmem:s30+$0x1FF0]  }
0x1ce: {  	v7 =	vld [tilespmem:s30+$0x1B80]  }
0x1cf: {  	v8 =	vld [tilespmem:s30+$0x23F0]  }
0x1d0: {  	v9 =	vld [tilespmem:s30+$0x1F80]  }
0x1d1: {  	v10 =	vld [tilespmem:s30+$0x1B90]  }
0x1d2: {  	v2 =	vbroadcast v1, $0xF;
	v1 =	vbroadcast v4, $0xF;
	v4 =	vld [tilespmem:s30+$0x1F90]  }
0x1d3: {  	v11 =	vld [tilespmem:s30+$0x1BA0]  }
0x1d4: {  	v3 =	vbroadcast v3, $0xF;
	v12 =	vld [tilespmem:s30+$0x1FA0]  }
0x1d5: {  	v13 =	vld [tilespmem:s30+$0x1FB0]  }
0x1d6: {  	v14 =	vld [tilespmem:s30+$0x1FC0];
	v5 =	vmul.f32 v5, v3;
	v6 =	vmul.f32 v6, v2  }
0x1d7: {  	v15 =	vld [tilespmem:s30+$0x1FD0]  }
0x1d8: {  	v16 =	vld [tilespmem:s30+$0x1BE0];
	v5 =	vadd.f32 v6, v5;
	v6 =	vmul.f32 v8, v1  }
0x1d9: {  	v17 =	vld [tilespmem:s30+$0x1FE0]  }
0x1da: {  	v8 =	vld [tilespmem:s30+$0x1BB0];
	v5 =	vadd.f32 v6, v5  }
0x1db: {  	v7 =	vmul.f32 v7, v3;
	v6 =	vld [tilespmem:s30+$0x1BC0]  }
0x1dc: {  	v9 =	vmul.f32 v9, v2;
	v10 =	vmul.f32 v10, v3;
	[tilespmem:s30+$0x2FF0] =	vst v5;
	v5 =	vld [tilespmem:s30+$0x1BD0]  }
0x1dd: {  	v18 =	vld [tilespmem:s30+$0x2380];
	v4 =	vmul.f32 v4, v2;
	v11 =	vmul.f32 v11, v3  }
0x1de: {  	v19 =	vld [tilespmem:s30+$0x2390];
	v12 =	vmul.f32 v12, v2;
	v15 =	vmul.f32 v15, v2  }
0x1df: {  	v63 =	vld [tilespmem:s30+$0x23A0];
	v16 =	vmul.f32 v16, v3;
	v62 =	vadd.f32 v9, v7;
	v7 =	vmul.f32 v13, v2  }
0x1e0: {  	v4 =	vadd.f32 v4, v10;
	v10 =	vmul.f32 v14, v2;
	v14 =	vld [tilespmem:s30+$0x23B0];
	v8 =	vmul.f32 v8, v3  }
0x1e1: {  	v9 =	vmul.f32 v6, v3;
	v13 =	vmul.f32 v5, v3;
	v5 =	vadd.f32 v12, v11;
	v11 =	vld [tilespmem:s30+$0x23C0]  }
0x1e2: {  	v17 =	vmul.f32 v17, v2;
	v18 =	vmul.f32 v18, v1;
	v6 =	vadd.f32 v7, v8;
	v12 =	vld [tilespmem:s30+$0x23D0]  }
0x1e3: {  	s31 =	simm.s32 $0x80;
	v8 =	vadd.f32 v10, v9;
	v7 =	vadd.f32 v15, v13;
	v15 =	vmul.f32 v19, v1;
	v13 =	vld [tilespmem:s30+$0x23E0]  }
0x1e4: {  	s1 =	simm.s32 $0x400;
	v9 =	vadd.f32 v17, v16;
	v10 =	vld [tilespmem:s31+$0x1BF0];
	v17 =	vadd.f32 v18, v62;
	v16 =	vmul.f32 v63, v1  }
.LBB2_6:
0x1e5: {  	p3 =	sne.s32 s1, $0xE00;
	v18 =	vld [tilespmem:s31+$0x1FF0];
	v4 =	vadd.f32 v15, v4;
	v14 =	vmul.f32 v14, v1  }
0x1e6: {  	v15 =	vld [tilespmem:s31+$0x1B80];
	[tilespmem:s30+$0x2F80] =	vst v17;
	v5 =	vadd.f32 v16, v5;
	v11 =	vmul.f32 v11, v1  }
0x1e7: {  	v16 =	vld [tilespmem:s31+$0x23F0];
	[tilespmem:s30+$0x2F90] =	vst v4;
	v4 =	vadd.f32 v14, v6;
	v6 =	vmul.f32 v12, v1  }
0x1e8: {  	v12 =	vld [tilespmem:s31+$0x1F80];
	[tilespmem:s30+$0x2FA0] =	vst v5;
	v5 =	vadd.f32 v11, v8;
	v8 =	vmul.f32 v13, v1  }
0x1e9: {  	v11 =	vld [tilespmem:s31+$0x1B90];
	[tilespmem:s30+$0x2FB0] =	vst v4;
	v4 =	vadd.f32 v6, v7  }
0x1ea: {  	v7 =	vmul.f32 v10, v3;
	v6 =	vld [tilespmem:s31+$0x1F90];
	v10 =	vmul.f32 v18, v2;
	[tilespmem:s30+$0x2FC0] =	vst v5;
	v5 =	vadd.f32 v8, v9  }
0x1eb: {  	v8 =	vmul.f32 v15, v3;
	v9 =	vld [tilespmem:s31+$0x1BA0];
	[tilespmem:s30+$0x2FD0] =	vst v4  }
0x1ec: {  	v13 =	vld [tilespmem:s31+$0x1FA0];
	v4 =	vadd.f32 v10, v7;
	v7 =	vmul.f32 v16, v1;
	[tilespmem:s30+$0x2FE0] =	vst v5;
	s30 =	smov.u32 s31  }
0x1ed: {  	v5 =	vmul.f32 v12, v2;
	v10 =	vld [tilespmem:s30+$0x1BB0]  }
0x1ee: {  	v11 =	vmul.f32 v11, v3;
	v12 =	vld [tilespmem:s30+$0x1FB0];
	v4 =	vadd.f32 v7, v4  }
0x1ef: {  	v16 =	vadd.f32 v5, v8;
	v5 =	vmul.f32 v6, v2;
	v6 =	vld [tilespmem:s30+$0x1BC0]  }
0x1f0: {  	v7 =	vmul.f32 v9, v3;
	v8 =	vld [tilespmem:s30+$0x1FC0];
	[tilespmem:s30+$0x2FF0] =	vst v4  }
0x1f1: {  	v4 =	vadd.f32 v5, v11;
	v5 =	vmul.f32 v13, v2;
	v9 =	vld [tilespmem:s30+$0x1BD0]  }
0x1f2: {  	v10 =	vmul.f32 v10, v3;
	v11 =	vld [tilespmem:s30+$0x1FD0]  }
0x1f3: {  	v5 =	vadd.f32 v5, v7;
	v7 =	vmul.f32 v12, v2;
	v12 =	vld [tilespmem:s30+$0x1BE0]  }
0x1f4: {  	v13 =	vmul.f32 v6, v3;
	v15 =	vld [tilespmem:s30+$0x1FE0]  }
0x1f5: {  	v17 =	vld [tilespmem:s30+$0x2380];
	v6 =	vadd.f32 v7, v10;
	v7 =	vmul.f32 v8, v2  }
0x1f6: {  	v10 =	vld [tilespmem:s30+$0x2390];
	v9 =	vmul.f32 v9, v3  }
0x1f7: {  	v18 =	vld [tilespmem:s30+$0x23A0];
	v8 =	vadd.f32 v7, v13;
	v7 =	vmul.f32 v11, v2  }
.Ltmp2:
0x1f8: {  	v14 =	vld [tilespmem:s30+$0x23B0];
	v13 =	vmul.f32 v12, v3;
	(pc) =	sbr.rel @p3 .LBB2_6-.Ltmp2, $4  }
0x1f9: {  	v11 =	vld [tilespmem:s30+$0x23C0];
	v7 =	vadd.f32 v7, v9;
	v9 =	vmul.f32 v15, v2  }
0x1fa: {  	v17 =	vmul.f32 v17, v1;
	v12 =	vld [tilespmem:s30+$0x23D0]  }
0x1fb: {  	s31 =	sshra.s32 s1, $0x2;
	v15 =	vmul.f32 v10, v1;
	v9 =	vadd.f32 v9, v13;
	v13 =	vld [tilespmem:s30+$0x23E0]  }
0x1fc: {  	s1 =	sadd.s32 $0x200, s1;
	v10 =	vld [tilespmem:s31+$0x1BF0];
	v17 =	vadd.f32 v17, v16;
	v16 =	vmul.f32 v18, v1  }
0x1fd: {  	v18 =	vld [tilespmem:s31+$0x1FF0];
	v4 =	vadd.f32 v15, v4;
	v14 =	vmul.f32 v14, v1  }
0x1fe: {  	v19 =	vld [tilespmem:s31+$0x1B80];
	[tilespmem:s30+$0x2F80] =	vst v17;
	v5 =	vadd.f32 v16, v5;
	v11 =	vmul.f32 v11, v1  }
0x1ff: {  	v31 =	vld [tilespmem:s31+$0x23F0];
	[tilespmem:s30+$0x2F90] =	vst v4;
	v6 =	vadd.f32 v14, v6;
	v12 =	vmul.f32 v12, v1  }
0x200: {  	v4 =	vld [tilespmem:s31+$0x1F80];
	[tilespmem:s30+$0x2FA0] =	vst v5;
	v8 =	vadd.f32 v11, v8;
	v32 =	vmul.f32 v13, v1  }
0x201: {  	v5 =	vld [tilespmem:s31+$0x1B90];
	[tilespmem:s30+$0x2FB0] =	vst v6;
	v7 =	vadd.f32 v12, v7  }
0x202: {  	v6 =	vld [tilespmem:s31+$0x1F90];
	[tilespmem:s30+$0x2FC0] =	vst v8;
	v9 =	vadd.f32 v32, v9  }
0x203: {  	v8 =	vld [tilespmem:s31+$0x1BA0];
	[tilespmem:s30+$0x2FD0] =	vst v7  }
0x204: {  	v35 =	vld [tilespmem:s31+$0x1FA0];
	[tilespmem:s30+$0x2FE0] =	vst v9  }
0x205: {  	v37 =	vld [tilespmem:s31+$0x1BB0]  }
0x206: {  	v38 =	vld [tilespmem:s31+$0x1FB0]  }
0x207: {  	v39 =	vld [tilespmem:s31+$0x1BC0]  }
0x208: {  	v40 =	vld [tilespmem:s31+$0x1FC0]  }
0x209: {  	v41 =	vld [tilespmem:s31+$0x1BD0]  }
0x20a: {  	v33 =	vmul.f32 v10, v3;
	v42 =	vld [tilespmem:s31+$0x1FD0]  }
0x20b: {  	v34 =	vmul.f32 v18, v2;
	v45 =	vmul.f32 v19, v3;
	v43 =	vld [tilespmem:s31+$0x1BE0]  }
0x20c: {  	v36 =	vmul.f32 v31, v1;
	v4 =	vmul.f32 v4, v2;
	v46 =	vld [tilespmem:s31+$0x2380]  }
0x20d: {  	v7 =	vadd.f32 v34, v33;
	v47 =	vld [tilespmem:s31+$0x2390];
	v5 =	vmul.f32 v5, v3;
	v6 =	vmul.f32 v6, v2  }
0x20e: {  	v20 =	vld [tilespmem:s31+$0x23A0];
	v8 =	vmul.f32 v8, v3;
	v11 =	vmul.f32 v35, v2  }
0x20f: {  	v48 =	vld [tilespmem:s31+$0x23B0];
	v7 =	vadd.f32 v36, v7;
	v10 =	vmul.f32 v37, v3;
	v12 =	vmul.f32 v38, v2  }
0x210: {  	v44 =	vld [tilespmem:s31+$0x1FE0];
	v49 =	vmul.f32 v39, v3;
	v50 =	vmul.f32 v40, v2  }
0x211: {  	v51 =	vld [tilespmem:s31+$0x23C0];
	[tilespmem:s31+$0x2FF0] =	vst v7;
	v52 =	vmul.f32 v46, v1;
	v7 =	vmul.f32 v41, v3  }
0x212: {  	v53 =	vld [tilespmem:s31+$0x23D0];
	v4 =	vadd.f32 v4, v45;
	v54 =	vmul.f32 v47, v1;
	v56 =	vmul.f32 v42, v2  }
0x213: {  	v55 =	vld [tilespmem:s31+$0x23E0];
	v5 =	vadd.f32 v6, v5;
	v57 =	vmul.f32 v20, v1;
	v3 =	vmul.f32 v43, v3  }
0x214: {  	v58 =	vmul.f32 v48, v1;
	v8 =	vadd.f32 v11, v8;
	v4 =	vadd.f32 v52, v4  }
0x215: {  	v2 =	vmul.f32 v44, v2;
	v10 =	vadd.f32 v12, v10;
	v5 =	vadd.f32 v54, v5  }
0x216: {  	v60 =	vmul.f32 v51, v1;
	v6 =	vadd.f32 v50, v49;
	v59 =	vadd.f32 v57, v8;
	[tilespmem:s31+$0x2F80] =	vst v4  }
0x217: {  	v62 =	vmul.f32 v53, v1;
	v7 =	vadd.f32 v56, v7;
	[tilespmem:s31+$0x2F90] =	vst v5;
	v61 =	vadd.f32 v58, v10  }
0x218: {  	v1 =	vmul.f32 v55, v1;
	v2 =	vadd.f32 v2, v3;
	v3 =	vadd.f32 v60, v6;
	[tilespmem:s31+$0x2FA0] =	vst v59  }
0x219: {  	v63 =	vadd.f32 v62, v7;
	[tilespmem:s31+$0x2FB0] =	vst v61  }
0x21a: {  	v1 =	vadd.f32 v1, v2;
	[tilespmem:s31+$0x2FC0] =	vst v3  }
0x21b: {  	[tilespmem:s31+$0x2FD0] =	vst v63  }
0x21c: {  	[tilespmem:s31+$0x2FE0] =	vst v1  }
0x21d: {  	[hbm4b:s14+s17] =	stream.strided.scatter [tilespmem:s25], [sflag:$0x3], $0x400, s29, s17, $0x38;
	[tilespmem:$0x3380] =	vst v63  }
0x21e: {  	_ =	swait.ge [sflag:s26], $0x400  }
0x21f: {  	[sflag:s26] =	ssyncset.done $0x0  }
0x220: {  	s28 =	sadd.s32 $0x1, s28;
	[sflag:s26] =	ssyncadd.s32 $0xFFFFFC00  }
0x221: {  	p3 =	sne.s32 s28, s15;
	_ =	swait.ge [sflag:s26], $0x400  }
.Ltmp3:
0x222: {  	[sflag:s26] =	ssyncset.done $0x0;
	(pc) =	sbr.rel @p3 .LBB2_1-.Ltmp3, $4  }
0x223: {  	[sflag:s26] =	ssyncadd.s32 $0xFFFFFC00  }
0x224: {  	_ =	swait.ge [sflag:s26], $0x400  }
0x225: {  	[sflag:s26] =	ssyncset.done $0x0  }
0x226: {  	[sflag:s26] =	ssyncadd.s32 $0xFFFFFC00  }
0x227: {  	_ =	sfence.sel $0x180000  }
0x228: {  	[bflag:$0x0] =	sbarrier.arrive $0xFFFF  }
0x229: {  	_ =	strace $0x90000047  }
0x22a: {  	s0 =	stileid.u32;
	[bflag:$0x2] =	sbarrier.arrive $0xFFFF  }
0x22b: {  	p0 =	sne.s32 s0, $0x0;
	s0 =	rddreg [dreg:$0x5]  }
0x22c: {  	s0 =	sadd.s32 @!p0 $0x100000, s0  }
0x22d: {  	[sflag:s0] =	ssyncadd.tile.s32 @!p0 $0x1;
	_ =	shalt  }
.Lfunc_end2:
_tile_overlayer_lowered:
.L_overlay_start_2:
0x22e: {  	(tag) =	ssettag $0x2  }
0x22f: {  	s0 =	rddreg [dreg:$0x0];
	s2 =	stileid.u32  }
0x230: {  	s1 =	rddreg [dreg:$0x1];
	p0 =	sne.s32 s2, $0x0  }
0x231: {  	s3 =	rddreg [dreg:$0x2];
	[bflag:$0x3] =	sbarrier.arrive $0xFFFF;
	s2 =	simm.s32 @!p0 $0x1C04  }
0x232: {  	[timem:s3], [sflag:s2] =	dma.local @!p0 [hbm:s0], s1  }
0x233: {  	s0 =	simm.s32 @!p0 $0x4  }
0x234: {  	_ =	swait.ge @!p0 [sflag:s0], s1  }
0x235: {  	s1 =	ssub.s32 @!p0 $0x0, s1;
	[sflag:s0] =	ssyncset.done @!p0 $0x0  }
0x236: {  	[sflag:s0] =	ssyncadd.s32 @!p0 s1  }
0x237: {  	[bflag:$0x3] =	sbarrier.arrive $0xFFFF  }
0x238: {  	_ =	shalt  }

</sc_bundles>
